<compile_context>
chip_gen: v7x
topology: tpu7x:2x2x1
jax: 0.10.2.dev20260603
libtpu: 0.0.44.dev20260713+nightly
codegen_flags: <defaults>
</compile_context>

<pallas_src>
import functools

import jax
import jax.numpy as jnp
from jax import lax
from jax.experimental import pallas as pl
from jax.experimental.pallas import tpu as pltpu
from jax.experimental.pallas import tpu_sc as plsc

BATCH = 4096
SEQ = 50
SEQ_PAD = 56
VOCAB = 1000
D = 1000
NSHARD = 8
TAIL = D - 128 * (NSHARD - 1)

NUM_WORKERS = 32
NB = BATCH // NUM_WORKERS
NBUF = 2

_MESH = plsc.VectorSubcoreMesh(core_axis_name="c", subcore_axis_name="s")


@functools.partial(
    pl.kernel,
    out_type=jax.ShapeDtypeStruct((BATCH, SEQ, D), jnp.float32),
    mesh=_MESH,
    scratch_types=[
        pltpu.VMEM((NB * SEQ_PAD,), jnp.int32),
        pltpu.VMEM((NBUF, NSHARD, SEQ, 128), jnp.float32),
        pltpu.VMEM((SEQ, TAIL), jnp.float32),
        pltpu.SemaphoreType.DMA((NBUF,)),
        pltpu.SemaphoreType.DMA((NBUF,)),
        pltpu.SemaphoreType.DMA,
    ],
    compiler_params=pltpu.CompilerParams(use_tc_tiling_on_sc=True),
)
def _gather_rows(xf_hbm, *refs):
    shards = refs[:NSHARD]
    out_hbm = refs[NSHARD]
    idx_v, rows, tail_v, sem_g, sem_w, sem_t = refs[NSHARD + 1:]

    wid = lax.axis_index("s") * 2 + lax.axis_index("c")
    base = wid * NB

    def idx_slice(k):
        return idx_v.at[pl.ds(pl.multiple_of(k * SEQ_PAD, 8), SEQ)]

    def gather_copy(k, m, c):
        return pltpu.make_async_copy(shards[c].at[idx_slice(k)],
                                     rows.at[m, c], sem_g.at[m])

    def shard_write(bb, m, c):
        return pltpu.make_async_copy(
            rows.at[m, c], out_hbm.at[bb].at[:, pl.ds(c * 128, 128)],
            sem_w.at[m])

    def tail_write(bb):
        return pltpu.make_async_copy(
            tail_v, out_hbm.at[bb].at[:, pl.ds(128 * (NSHARD - 1), TAIL)],
            sem_t)

    def tail_compact(m):
        def row(s, cr):
            for off in (0, 16, 32, 48, 64, 80, TAIL - 16):
                tail_v[s, pl.ds(off, 16)] = rows[m, NSHARD - 1, s,
                                                 pl.ds(off, 16)]
            return cr

        lax.fori_loop(0, SEQ, row, 0)

    pltpu.sync_copy(xf_hbm.at[pl.ds(base * SEQ_PAD, NB * SEQ_PAD)], idx_v)

    for m in range(NBUF):
        for c in range(NSHARD):
            gather_copy(m, m, c).start()

    def pair(g, cr):
        for m in range(NBUF):
            k = g + m
            bb = base + k
            for c in range(NSHARD):
                gather_copy(k, m, c).wait()
            for c in range(NSHARD - 1):
                shard_write(bb, m, c).start()

            @pl.when(k >= 1)
            def _():
                tail_write(bb - 1).wait()

            tail_compact(m)
            tail_write(bb).start()

            @pl.when(k + NBUF < NB)
            def _():
                for c in range(NSHARD - 1):
                    shard_write(bb, m, c).wait()
                for c in range(NSHARD):
                    gather_copy(k + NBUF, m, c).start()

        return cr

    lax.fori_loop(0, NB // NBUF, lambda i, cr: pair(i * NBUF, cr), 0)

    for m in range(NBUF):
        for c in range(NSHARD - 1):
            shard_write(base + NB - NBUF + m, m, c).wait()
    tail_write(base + NB - 1).wait()


def kernel(x, table):
    x_flat = jnp.pad(x, ((0, 0), (0, SEQ_PAD - SEQ))).reshape(-1)
    tp = jnp.pad(table, ((0, 0), (0, NSHARD * 128 - D)))
    shards = tuple(tp[:, c * 128:(c + 1) * 128] for c in range(NSHARD))
    return _gather_rows(x_flat, *shards)

# --- scband reference (transcript-rebuilt; emitter-appended) ---
"""Pipeline reference for scband-bigram-lm-60928406061422 (READ-ONLY COPY).

The authoritative reference and input builder live on the scoring server;
editing this copy changes nothing except your own understanding.
"""

import jax, jax.numpy as jnp
import numpy as np

VOCAB = 1000
BATCH = 4096
SEQ = 50

def setup_inputs(seed: int = 0) -> dict:
    key = jax.random.key(seed)
    k1, k2 = jax.random.split(key)
    x = jax.random.randint(k1, (BATCH, SEQ), 0, VOCAB, dtype=jnp.int64) if jax.config.jax_enable_x64 else jax.random.randint(k1, (BATCH, SEQ), 0, VOCAB, dtype=jnp.int32)
    # input_embedding weight: nn.Embedding(vocab_size, vocab_size) since hidden_dim is None
    table = jax.random.normal(k2, (VOCAB, VOCAB), dtype=jnp.float32)
    return {"x": x, "table": table}

def reference(x, table):
    # BigramLM.forward with hidden_dim=None and y=None: logits = embedding(x)
    logits = jnp.take(table, x, axis=0)
    return logits

if __name__ == "__main__":
    import jax
    _d = setup_inputs()
    print(jax.jit(kernel)(*tuple(_d.values())))

</pallas_src>

<mosaic_0001>
#map = affine_map<(d0, d1) -> (0)>
#map1 = affine_map<(d0, d1) -> (0, 0)>
#map2 = affine_map<(d0, d1) -> (0, 0, 0)>
module attributes {stable_mosaic.version = 14 : i64} {
  func.func @_gather_rows(%arg0: i32, %arg1: i32, %arg2: memref<229376xi32, #tpu.memory_space<hbm>>, %arg3: memref<1000x128xf32, #tpu.memory_space<hbm>>, %arg4: memref<1000x128xf32, #tpu.memory_space<hbm>>, %arg5: memref<1000x128xf32, #tpu.memory_space<hbm>>, %arg6: memref<1000x128xf32, #tpu.memory_space<hbm>>, %arg7: memref<1000x128xf32, #tpu.memory_space<hbm>>, %arg8: memref<1000x128xf32, #tpu.memory_space<hbm>>, %arg9: memref<1000x128xf32, #tpu.memory_space<hbm>>, %arg10: memref<1000x128xf32, #tpu.memory_space<hbm>>, %arg11: memref<4096x50x1000xf32, #tpu.memory_space<hbm>>, %arg12: memref<7168xi32, #tpu.memory_space<vmem>>, %arg13: memref<2x8x50x128xf32, #tpu.memory_space<vmem>>, %arg14: memref<50x104xf32, #tpu.memory_space<vmem>>, %arg15: memref<2x!tpu.dma_semaphore, #tpu.memory_space<semaphore_mem>>, %arg16: memref<2x!tpu.dma_semaphore, #tpu.memory_space<semaphore_mem>>, %arg17: memref<!tpu.dma_semaphore, #tpu.memory_space<semaphore_mem>>) attributes {dimension_semantics = [#tpu.dimension_semantics<core_parallel>, #tpu.dimension_semantics<subcore_parallel>], iteration_bounds = array<i64: 2, 16>, scalar_prefetch = 0 : i64, scratch_operands = 6 : i64, tpu.core_type = #tpu.core_type<sc_vector_subcore>, window_params = [{transform_indices = #map}, {transform_indices = #map1}, {transform_indices = #map1}, {transform_indices = #map1}, {transform_indices = #map1}, {transform_indices = #map1}, {transform_indices = #map1}, {transform_indices = #map1}, {transform_indices = #map1}, {transform_indices = #map2}]} {
    %mul3A = arith.constant 2 : i32
    %mul3A_0 = arith.muli %arg1, %mul3A : i32
    %add3A = arith.addi %mul3A_0, %arg0 : i32
    %mul3A_1 = arith.constant 128 : i32
    %mul3A_2 = arith.muli %add3A, %mul3A_1 : i32
    %mul3A_3 = arith.constant 56 : i32
    %mul3A_4 = arith.muli %mul3A_2, %mul3A_3 : i32
    "tpu.region"() ({
      %run_scoped3A = tpu.sem_alloc : memref<!tpu.dma_semaphore, #tpu.memory_space<semaphore_mem>>
      %dma_start3A_726 = tpu.memref_slice %arg2[%mul3A_4] : memref<229376xi32, #tpu.memory_space<hbm>> -> memref<7168xi32, #tpu.memory_space<hbm>>
      %dma_start3A_727 = tpu.memref_slice %arg2[%mul3A_4] : memref<229376xi32, #tpu.memory_space<hbm>> -> memref<7168xi32, #tpu.memory_space<hbm>>
      tpu.enqueue_dma source(%dma_start3A_727 : memref<7168xi32, #tpu.memory_space<hbm>>) target(%arg12 : memref<7168xi32, #tpu.memory_space<vmem>>) target_semaphore(%run_scoped3A : memref<!tpu.dma_semaphore, #tpu.memory_space<semaphore_mem>>)
      %dma_wait3A_728 = tpu.memref_slice %arg2[%mul3A_4] : memref<229376xi32, #tpu.memory_space<hbm>> -> memref<7168xi32, #tpu.memory_space<hbm>>
      %dma_wait3A_729 = tpu.memref_slice %arg2[%mul3A_4] : memref<229376xi32, #tpu.memory_space<hbm>> -> memref<7168xi32, #tpu.memory_space<hbm>>
      tpu.wait_dma2 semaphore(%run_scoped3A : memref<!tpu.dma_semaphore, #tpu.memory_space<semaphore_mem>>) src(%dma_wait3A_729 : memref<7168xi32, #tpu.memory_space<hbm>>) dst(%arg12 : memref<7168xi32, #tpu.memory_space<vmem>>)
      tpu.yield
    }) : () -> ()
    %multiple_of3A = arith.constant 0 : i32
    %multiple_of3A_5 = tpu.assume_multiple %multiple_of3A, 8 : i32
    %dma_start3A = arith.constant 0 : i32
    %dma_start3A_6 = arith.constant 0 : i32
    %dma_start3A_7 = arith.constant 0 : i32
    %dma_start3A_8 = arith.constant 0 : i32
    %dma_start3A_9 = arith.constant 0 : i32
    %dma_start3A_10 = tpu.memref_slice %arg13[%dma_start3A, %dma_start3A_6, %dma_start3A_8, %dma_start3A_9] : memref<2x8x50x128xf32, #tpu.memory_space<vmem>> -> memref<1x1x50x128xf32, #tpu.memory_space<vmem>>
    %dma_start3A_11 = tpu.memref_squeeze %dma_start3A_10 : memref<1x1x50x128xf32, #tpu.memory_space<vmem>> -> memref<50x128xf32, #tpu.memory_space<vmem>>
    %dma_start3A_12 = tpu.memref_slice %arg12[%multiple_of3A_5] : memref<7168xi32, #tpu.memory_space<vmem>> -> memref<50xi32, #tpu.memory_space<vmem>>
    %dma_start3A_13 = arith.constant 0 : i32
    %dma_start3A_14 = arith.constant 0 : i32
    %dma_start3A_15 = tpu.memref_slice %arg3[%dma_start3A_13, %dma_start3A_14] : memref<1000x128xf32, #tpu.memory_space<hbm>> -> memref<1000x128xf32, #tpu.memory_space<hbm>>
    %dma_start3A_16 = tpu.memref_slice %arg15[%dma_start3A_7] : memref<2x!tpu.dma_semaphore, #tpu.memory_space<semaphore_mem>> -> memref<1x!tpu.dma_semaphore, #tpu.memory_space<semaphore_mem>>
    %dma_start3A_17 = tpu.memref_squeeze %dma_start3A_16 : memref<1x!tpu.dma_semaphore, #tpu.memory_space<semaphore_mem>> -> memref<!tpu.dma_semaphore, #tpu.memory_space<semaphore_mem>>
    tpu.enqueue_indirect_dma source(%dma_start3A_15 : memref<1000x128xf32, #tpu.memory_space<hbm>>) target(%dma_start3A_11 : memref<50x128xf32, #tpu.memory_space<vmem>>) offsets(%dma_start3A_12 : memref<50xi32, #tpu.memory_space<vmem>>) semaphore(%dma_start3A_17 : memref<!tpu.dma_semaphore, #tpu.memory_space<semaphore_mem>>)
    %multiple_of3A_18 = arith.constant 0 : i32
    %multiple_of3A_19 = tpu.assume_multiple %multiple_of3A_18, 8 : i32
    %dma_start3A_20 = arith.constant 0 : i32
    %dma_start3A_21 = arith.constant 1 : i32
    %dma_start3A_22 = arith.constant 0 : i32
    %dma_start3A_23 = arith.constant 0 : i32
    %dma_start3A_24 = arith.constant 0 : i32
    %dma_start3A_25 = tpu.memref_slice %arg13[%dma_start3A_20, %dma_start3A_21, %dma_start3A_23, %dma_start3A_24] : memref<2x8x50x128xf32, #tpu.memory_space<vmem>> -> memref<1x1x50x128xf32, #tpu.memory_space<vmem>>
    %dma_start3A_26 = tpu.memref_squeeze %dma_start3A_25 : memref<1x1x50x128xf32, #tpu.memory_space<vmem>> -> memref<50x128xf32, #tpu.memory_space<vmem>>
    %dma_start3A_27 = tpu.memref_slice %arg12[%multiple_of3A_19] : memref<7168xi32, #tpu.memory_space<vmem>> -> memref<50xi32, #tpu.memory_space<vmem>>
    %dma_start3A_28 = arith.constant 0 : i32
    %dma_start3A_29 = arith.constant 0 : i32
    %dma_start3A_30 = tpu.memref_slice %arg4[%dma_start3A_28, %dma_start3A_29] : memref<1000x128xf32, #tpu.memory_space<hbm>> -> memref<1000x128xf32, #tpu.memory_space<hbm>>
    %dma_start3A_31 = tpu.memref_slice %arg15[%dma_start3A_22] : memref<2x!tpu.dma_semaphore, #tpu.memory_space<semaphore_mem>> -> memref<1x!tpu.dma_semaphore, #tpu.memory_space<semaphore_mem>>
    %dma_start3A_32 = tpu.memref_squeeze %dma_start3A_31 : memref<1x!tpu.dma_semaphore, #tpu.memory_space<semaphore_mem>> -> memref<!tpu.dma_semaphore, #tpu.memory_space<semaphore_mem>>
    tpu.enqueue_indirect_dma source(%dma_start3A_30 : memref<1000x128xf32, #tpu.memory_space<hbm>>) target(%dma_start3A_26 : memref<50x128xf32, #tpu.memory_space<vmem>>) offsets(%dma_start3A_27 : memref<50xi32, #tpu.memory_space<vmem>>) semaphore(%dma_start3A_32 : memref<!tpu.dma_semaphore, #tpu.memory_space<semaphore_mem>>)
    %multiple_of3A_33 = arith.constant 0 : i32
    %multiple_of3A_34 = tpu.assume_multiple %multiple_of3A_33, 8 : i32
    %dma_start3A_35 = arith.constant 0 : i32
    %dma_start3A_36 = arith.constant 2 : i32
    %dma_start3A_37 = arith.constant 0 : i32
    %dma_start3A_38 = arith.constant 0 : i32
    %dma_start3A_39 = arith.constant 0 : i32
    %dma_start3A_40 = tpu.memref_slice %arg13[%dma_start3A_35, %dma_start3A_36, %dma_start3A_38, %dma_start3A_39] : memref<2x8x50x128xf32, #tpu.memory_space<vmem>> -> memref<1x1x50x128xf32, #tpu.memory_space<vmem>>
    %dma_start3A_41 = tpu.memref_squeeze %dma_start3A_40 : memref<1x1x50x128xf32, #tpu.memory_space<vmem>> -> memref<50x128xf32, #tpu.memory_space<vmem>>
    %dma_start3A_42 = tpu.memref_slice %arg12[%multiple_of3A_34] : memref<7168xi32, #tpu.memory_space<vmem>> -> memref<50xi32, #tpu.memory_space<vmem>>
    %dma_start3A_43 = arith.constant 0 : i32
    %dma_start3A_44 = arith.constant 0 : i32
    %dma_start3A_45 = tpu.memref_slice %arg5[%dma_start3A_43, %dma_start3A_44] : memref<1000x128xf32, #tpu.memory_space<hbm>> -> memref<1000x128xf32, #tpu.memory_space<hbm>>
    %dma_start3A_46 = tpu.memref_slice %arg15[%dma_start3A_37] : memref<2x!tpu.dma_semaphore, #tpu.memory_space<semaphore_mem>> -> memref<1x!tpu.dma_semaphore, #tpu.memory_space<semaphore_mem>>
    %dma_start3A_47 = tpu.memref_squeeze %dma_start3A_46 : memref<1x!tpu.dma_semaphore, #tpu.memory_space<semaphore_mem>> -> memref<!tpu.dma_semaphore, #tpu.memory_space<semaphore_mem>>
    tpu.enqueue_indirect_dma source(%dma_start3A_45 : memref<1000x128xf32, #tpu.memory_space<hbm>>) target(%dma_start3A_41 : memref<50x128xf32, #tpu.memory_space<vmem>>) offsets(%dma_start3A_42 : memref<50xi32, #tpu.memory_space<vmem>>) semaphore(%dma_start3A_47 : memref<!tpu.dma_semaphore, #tpu.memory_space<semaphore_mem>>)
    %multiple_of3A_48 = arith.constant 0 : i32
    %multiple_of3A_49 = tpu.assume_multiple %multiple_of3A_48, 8 : i32
    %dma_start3A_50 = arith.constant 0 : i32
    %dma_start3A_51 = arith.constant 3 : i32
    %dma_start3A_52 = arith.constant 0 : i32
    %dma_start3A_53 = arith.constant 0 : i32
    %dma_start3A_54 = arith.constant 0 : i32
    %dma_start3A_55 = tpu.memref_slice %arg13[%dma_start3A_50, %dma_start3A_51, %dma_start3A_53, %dma_start3A_54] : memref<2x8x50x128xf32, #tpu.memory_space<vmem>> -> memref<1x1x50x128xf32, #tpu.memory_space<vmem>>
    %dma_start3A_56 = tpu.memref_squeeze %dma_start3A_55 : memref<1x1x50x128xf32, #tpu.memory_space<vmem>> -> memref<50x128xf32, #tpu.memory_space<vmem>>
    %dma_start3A_57 = tpu.memref_slice %arg12[%multiple_of3A_49] : memref<7168xi32, #tpu.memory_space<vmem>> -> memref<50xi32, #tpu.memory_space<vmem>>
    %dma_start3A_58 = arith.constant 0 : i32
    %dma_start3A_59 = arith.constant 0 : i32
    %dma_start3A_60 = tpu.memref_slice %arg6[%dma_start3A_58, %dma_start3A_59] : memref<1000x128xf32, #tpu.memory_space<hbm>> -> memref<1000x128xf32, #tpu.memory_space<hbm>>
    %dma_start3A_61 = tpu.memref_slice %arg15[%dma_start3A_52] : memref<2x!tpu.dma_semaphore, #tpu.memory_space<semaphore_mem>> -> memref<1x!tpu.dma_semaphore, #tpu.memory_space<semaphore_mem>>
    %dma_start3A_62 = tpu.memref_squeeze %dma_start3A_61 : memref<1x!tpu.dma_semaphore, #tpu.memory_space<semaphore_mem>> -> memref<!tpu.dma_semaphore, #tpu.memory_space<semaphore_mem>>
    tpu.enqueue_indirect_dma source(%dma_start3A_60 : memref<1000x128xf32, #tpu.memory_space<hbm>>) target(%dma_start3A_56 : memref<50x128xf32, #tpu.memory_space<vmem>>) offsets(%dma_start3A_57 : memref<50xi32, #tpu.memory_space<vmem>>) semaphore(%dma_start3A_62 : memref<!tpu.dma_semaphore, #tpu.memory_space<semaphore_mem>>)
    %multiple_of3A_63 = arith.constant 0 : i32
    %multiple_of3A_64 = tpu.assume_multiple %multiple_of3A_63, 8 : i32
    %dma_start3A_65 = arith.constant 0 : i32
    %dma_start3A_66 = arith.constant 4 : i32
    %dma_start3A_67 = arith.constant 0 : i32
    %dma_start3A_68 = arith.constant 0 : i32
    %dma_start3A_69 = arith.constant 0 : i32
    %dma_start3A_70 = tpu.memref_slice %arg13[%dma_start3A_65, %dma_start3A_66, %dma_start3A_68, %dma_start3A_69] : memref<2x8x50x128xf32, #tpu.memory_space<vmem>> -> memref<1x1x50x128xf32, #tpu.memory_space<vmem>>
    %dma_start3A_71 = tpu.memref_squeeze %dma_start3A_70 : memref<1x1x50x128xf32, #tpu.memory_space<vmem>> -> memref<50x128xf32, #tpu.memory_space<vmem>>
    %dma_start3A_72 = tpu.memref_slice %arg12[%multiple_of3A_64] : memref<7168xi32, #tpu.memory_space<vmem>> -> memref<50xi32, #tpu.memory_space<vmem>>
    %dma_start3A_73 = arith.constant 0 : i32
    %dma_start3A_74 = arith.constant 0 : i32
    %dma_start3A_75 = tpu.memref_slice %arg7[%dma_start3A_73, %dma_start3A_74] : memref<1000x128xf32, #tpu.memory_space<hbm>> -> memref<1000x128xf32, #tpu.memory_space<hbm>>
    %dma_start3A_76 = tpu.memref_slice %arg15[%dma_start3A_67] : memref<2x!tpu.dma_semaphore, #tpu.memory_space<semaphore_mem>> -> memref<1x!tpu.dma_semaphore, #tpu.memory_space<semaphore_mem>>
    %dma_start3A_77 = tpu.memref_squeeze %dma_start3A_76 : memref<1x!tpu.dma_semaphore, #tpu.memory_space<semaphore_mem>> -> memref<!tpu.dma_semaphore, #tpu.memory_space<semaphore_mem>>
    tpu.enqueue_indirect_dma source(%dma_start3A_75 : memref<1000x128xf32, #tpu.memory_space<hbm>>) target(%dma_start3A_71 : memref<50x128xf32, #tpu.memory_space<vmem>>) offsets(%dma_start3A_72 : memref<50xi32, #tpu.memory_space<vmem>>) semaphore(%dma_start3A_77 : memref<!tpu.dma_semaphore, #tpu.memory_space<semaphore_mem>>)
    %multiple_of3A_78 = arith.constant 0 : i32
    %multiple_of3A_79 = tpu.assume_multiple %multiple_of3A_78, 8 : i32
    %dma_start3A_80 = arith.constant 0 : i32
    %dma_start3A_81 = arith.constant 5 : i32
    %dma_start3A_82 = arith.constant 0 : i32
    %dma_start3A_83 = arith.constant 0 : i32
    %dma_start3A_84 = arith.constant 0 : i32
    %dma_start3A_85 = tpu.memref_slice %arg13[%dma_start3A_80, %dma_start3A_81, %dma_start3A_83, %dma_start3A_84] : memref<2x8x50x128xf32, #tpu.memory_space<vmem>> -> memref<1x1x50x128xf32, #tpu.memory_space<vmem>>
    %dma_start3A_86 = tpu.memref_squeeze %dma_start3A_85 : memref<1x1x50x128xf32, #tpu.memory_space<vmem>> -> memref<50x128xf32, #tpu.memory_space<vmem>>
    %dma_start3A_87 = tpu.memref_slice %arg12[%multiple_of3A_79] : memref<7168xi32, #tpu.memory_space<vmem>> -> memref<50xi32, #tpu.memory_space<vmem>>
    %dma_start3A_88 = arith.constant 0 : i32
    %dma_start3A_89 = arith.constant 0 : i32
    %dma_start3A_90 = tpu.memref_slice %arg8[%dma_start3A_88, %dma_start3A_89] : memref<1000x128xf32, #tpu.memory_space<hbm>> -> memref<1000x128xf32, #tpu.memory_space<hbm>>
    %dma_start3A_91 = tpu.memref_slice %arg15[%dma_start3A_82] : memref<2x!tpu.dma_semaphore, #tpu.memory_space<semaphore_mem>> -> memref<1x!tpu.dma_semaphore, #tpu.memory_space<semaphore_mem>>
    %dma_start3A_92 = tpu.memref_squeeze %dma_start3A_91 : memref<1x!tpu.dma_semaphore, #tpu.memory_space<semaphore_mem>> -> memref<!tpu.dma_semaphore, #tpu.memory_space<semaphore_mem>>
    tpu.enqueue_indirect_dma source(%dma_start3A_90 : memref<1000x128xf32, #tpu.memory_space<hbm>>) target(%dma_start3A_86 : memref<50x128xf32, #tpu.memory_space<vmem>>) offsets(%dma_start3A_87 : memref<50xi32, #tpu.memory_space<vmem>>) semaphore(%dma_start3A_92 : memref<!tpu.dma_semaphore, #tpu.memory_space<semaphore_mem>>)
    %multiple_of3A_93 = arith.constant 0 : i32
    %multiple_of3A_94 = tpu.assume_multiple %multiple_of3A_93, 8 : i32
    %dma_start3A_95 = arith.constant 0 : i32
    %dma_start3A_96 = arith.constant 6 : i32
    %dma_start3A_97 = arith.constant 0 : i32
    %dma_start3A_98 = arith.constant 0 : i32
    %dma_start3A_99 = arith.constant 0 : i32
    %dma_start3A_100 = tpu.memref_slice %arg13[%dma_start3A_95, %dma_start3A_96, %dma_start3A_98, %dma_start3A_99] : memref<2x8x50x128xf32, #tpu.memory_space<vmem>> -> memref<1x1x50x128xf32, #tpu.memory_space<vmem>>
    %dma_start3A_101 = tpu.memref_squeeze %dma_start3A_100 : memref<1x1x50x128xf32, #tpu.memory_space<vmem>> -> memref<50x128xf32, #tpu.memory_space<vmem>>
    %dma_start3A_102 = tpu.memref_slice %arg12[%multiple_of3A_94] : memref<7168xi32, #tpu.memory_space<vmem>> -> memref<50xi32, #tpu.memory_space<vmem>>
    %dma_start3A_103 = arith.constant 0 : i32
    %dma_start3A_104 = arith.constant 0 : i32
    %dma_start3A_105 = tpu.memref_slice %arg9[%dma_start3A_103, %dma_start3A_104] : memref<1000x128xf32, #tpu.memory_space<hbm>> -> memref<1000x128xf32, #tpu.memory_space<hbm>>
    %dma_start3A_106 = tpu.memref_slice %arg15[%dma_start3A_97] : memref<2x!tpu.dma_semaphore, #tpu.memory_space<semaphore_mem>> -> memref<1x!tpu.dma_semaphore, #tpu.memory_space<semaphore_mem>>
    %dma_start3A_107 = tpu.memref_squeeze %dma_start3A_106 : memref<1x!tpu.dma_semaphore, #tpu.memory_space<semaphore_mem>> -> memref<!tpu.dma_semaphore, #tpu.memory_space<semaphore_mem>>
    tpu.enqueue_indirect_dma source(%dma_start3A_105 : memref<1000x128xf32, #tpu.memory_space<hbm>>) target(%dma_start3A_101 : memref<50x128xf32, #tpu.memory_space<vmem>>) offsets(%dma_start3A_102 : memref<50xi32, #tpu.memory_space<vmem>>) semaphore(%dma_start3A_107 : memref<!tpu.dma_semaphore, #tpu.memory_space<semaphore_mem>>)
    %multiple_of3A_108 = arith.constant 0 : i32
    %multiple_of3A_109 = tpu.assume_multiple %multiple_of3A_108, 8 : i32
    %dma_start3A_110 = arith.constant 0 : i32
    %dma_start3A_111 = arith.constant 7 : i32
    %dma_start3A_112 = arith.constant 0 : i32
    %dma_start3A_113 = arith.constant 0 : i32
    %dma_start3A_114 = arith.constant 0 : i32
    %dma_start3A_115 = tpu.memref_slice %arg13[%dma_start3A_110, %dma_start3A_111, %dma_start3A_113, %dma_start3A_114] : memref<2x8x50x128xf32, #tpu.memory_space<vmem>> -> memref<1x1x50x128xf32, #tpu.memory_space<vmem>>
    %dma_start3A_116 = tpu.memref_squeeze %dma_start3A_115 : memref<1x1x50x128xf32, #tpu.memory_space<vmem>> -> memref<50x128xf32, #tpu.memory_space<vmem>>
    %dma_start3A_117 = tpu.memref_slice %arg12[%multiple_of3A_109] : memref<7168xi32, #tpu.memory_space<vmem>> -> memref<50xi32, #tpu.memory_space<vmem>>
    %dma_start3A_118 = arith.constant 0 : i32
    %dma_start3A_119 = arith.constant 0 : i32
    %dma_start3A_120 = tpu.memref_slice %arg10[%dma_start3A_118, %dma_start3A_119] : memref<1000x128xf32, #tpu.memory_space<hbm>> -> memref<1000x128xf32, #tpu.memory_space<hbm>>
    %dma_start3A_121 = tpu.memref_slice %arg15[%dma_start3A_112] : memref<2x!tpu.dma_semaphore, #tpu.memory_space<semaphore_mem>> -> memref<1x!tpu.dma_semaphore, #tpu.memory_space<semaphore_mem>>
    %dma_start3A_122 = tpu.memref_squeeze %dma_start3A_121 : memref<1x!tpu.dma_semaphore, #tpu.memory_space<semaphore_mem>> -> memref<!tpu.dma_semaphore, #tpu.memory_space<semaphore_mem>>
    tpu.enqueue_indirect_dma source(%dma_start3A_120 : memref<1000x128xf32, #tpu.memory_space<hbm>>) target(%dma_start3A_116 : memref<50x128xf32, #tpu.memory_space<vmem>>) offsets(%dma_start3A_117 : memref<50xi32, #tpu.memory_space<vmem>>) semaphore(%dma_start3A_122 : memref<!tpu.dma_semaphore, #tpu.memory_space<semaphore_mem>>)
    %multiple_of3A_123 = arith.constant 56 : i32
    %multiple_of3A_124 = tpu.assume_multiple %multiple_of3A_123, 8 : i32
    %dma_start3A_125 = arith.constant 1 : i32
    %dma_start3A_126 = arith.constant 0 : i32
    %dma_start3A_127 = arith.constant 1 : i32
    %dma_start3A_128 = arith.constant 0 : i32
    %dma_start3A_129 = arith.constant 0 : i32
    %dma_start3A_130 = tpu.memref_slice %arg13[%dma_start3A_125, %dma_start3A_126, %dma_start3A_128, %dma_start3A_129] : memref<2x8x50x128xf32, #tpu.memory_space<vmem>> -> memref<1x1x50x128xf32, #tpu.memory_space<vmem>>
    %dma_start3A_131 = tpu.memref_squeeze %dma_start3A_130 : memref<1x1x50x128xf32, #tpu.memory_space<vmem>> -> memref<50x128xf32, #tpu.memory_space<vmem>>
    %dma_start3A_132 = tpu.memref_slice %arg12[%multiple_of3A_124] : memref<7168xi32, #tpu.memory_space<vmem>> -> memref<50xi32, #tpu.memory_space<vmem>>
    %dma_start3A_133 = arith.constant 0 : i32
    %dma_start3A_134 = arith.constant 0 : i32
    %dma_start3A_135 = tpu.memref_slice %arg3[%dma_start3A_133, %dma_start3A_134] : memref<1000x128xf32, #tpu.memory_space<hbm>> -> memref<1000x128xf32, #tpu.memory_space<hbm>>
    %dma_start3A_136 = tpu.memref_slice %arg15[%dma_start3A_127] : memref<2x!tpu.dma_semaphore, #tpu.memory_space<semaphore_mem>> -> memref<1x!tpu.dma_semaphore, #tpu.memory_space<semaphore_mem>>
    %dma_start3A_137 = tpu.memref_squeeze %dma_start3A_136 : memref<1x!tpu.dma_semaphore, #tpu.memory_space<semaphore_mem>> -> memref<!tpu.dma_semaphore, #tpu.memory_space<semaphore_mem>>
    tpu.enqueue_indirect_dma source(%dma_start3A_135 : memref<1000x128xf32, #tpu.memory_space<hbm>>) target(%dma_start3A_131 : memref<50x128xf32, #tpu.memory_space<vmem>>) offsets(%dma_start3A_132 : memref<50xi32, #tpu.memory_space<vmem>>) semaphore(%dma_start3A_137 : memref<!tpu.dma_semaphore, #tpu.memory_space<semaphore_mem>>)
    %multiple_of3A_138 = arith.constant 56 : i32
    %multiple_of3A_139 = tpu.assume_multiple %multiple_of3A_138, 8 : i32
    %dma_start3A_140 = arith.constant 1 : i32
    %dma_start3A_141 = arith.constant 1 : i32
    %dma_start3A_142 = arith.constant 1 : i32
    %dma_start3A_143 = arith.constant 0 : i32
    %dma_start3A_144 = arith.constant 0 : i32
    %dma_start3A_145 = tpu.memref_slice %arg13[%dma_start3A_140, %dma_start3A_141, %dma_start3A_143, %dma_start3A_144] : memref<2x8x50x128xf32, #tpu.memory_space<vmem>> -> memref<1x1x50x128xf32, #tpu.memory_space<vmem>>
    %dma_start3A_146 = tpu.memref_squeeze %dma_start3A_145 : memref<1x1x50x128xf32, #tpu.memory_space<vmem>> -> memref<50x128xf32, #tpu.memory_space<vmem>>
    %dma_start3A_147 = tpu.memref_slice %arg12[%multiple_of3A_139] : memref<7168xi32, #tpu.memory_space<vmem>> -> memref<50xi32, #tpu.memory_space<vmem>>
    %dma_start3A_148 = arith.constant 0 : i32
    %dma_start3A_149 = arith.constant 0 : i32
    %dma_start3A_150 = tpu.memref_slice %arg4[%dma_start3A_148, %dma_start3A_149] : memref<1000x128xf32, #tpu.memory_space<hbm>> -> memref<1000x128xf32, #tpu.memory_space<hbm>>
    %dma_start3A_151 = tpu.memref_slice %arg15[%dma_start3A_142] : memref<2x!tpu.dma_semaphore, #tpu.memory_space<semaphore_mem>> -> memref<1x!tpu.dma_semaphore, #tpu.memory_space<semaphore_mem>>
    %dma_start3A_152 = tpu.memref_squeeze %dma_start3A_151 : memref<1x!tpu.dma_semaphore, #tpu.memory_space<semaphore_mem>> -> memref<!tpu.dma_semaphore, #tpu.memory_space<semaphore_mem>>
    tpu.enqueue_indirect_dma source(%dma_start3A_150 : memref<1000x128xf32, #tpu.memory_space<hbm>>) target(%dma_start3A_146 : memref<50x128xf32, #tpu.memory_space<vmem>>) offsets(%dma_start3A_147 : memref<50xi32, #tpu.memory_space<vmem>>) semaphore(%dma_start3A_152 : memref<!tpu.dma_semaphore, #tpu.memory_space<semaphore_mem>>)
    %multiple_of3A_153 = arith.constant 56 : i32
    %multiple_of3A_154 = tpu.assume_multiple %multiple_of3A_153, 8 : i32
    %dma_start3A_155 = arith.constant 1 : i32
    %dma_start3A_156 = arith.constant 2 : i32
    %dma_start3A_157 = arith.constant 1 : i32
    %dma_start3A_158 = arith.constant 0 : i32
    %dma_start3A_159 = arith.constant 0 : i32
    %dma_start3A_160 = tpu.memref_slice %arg13[%dma_start3A_155, %dma_start3A_156, %dma_start3A_158, %dma_start3A_159] : memref<2x8x50x128xf32, #tpu.memory_space<vmem>> -> memref<1x1x50x128xf32, #tpu.memory_space<vmem>>
    %dma_start3A_161 = tpu.memref_squeeze %dma_start3A_160 : memref<1x1x50x128xf32, #tpu.memory_space<vmem>> -> memref<50x128xf32, #tpu.memory_space<vmem>>
    %dma_start3A_162 = tpu.memref_slice %arg12[%multiple_of3A_154] : memref<7168xi32, #tpu.memory_space<vmem>> -> memref<50xi32, #tpu.memory_space<vmem>>
    %dma_start3A_163 = arith.constant 0 : i32
    %dma_start3A_164 = arith.constant 0 : i32
    %dma_start3A_165 = tpu.memref_slice %arg5[%dma_start3A_163, %dma_start3A_164] : memref<1000x128xf32, #tpu.memory_space<hbm>> -> memref<1000x128xf32, #tpu.memory_space<hbm>>
    %dma_start3A_166 = tpu.memref_slice %arg15[%dma_start3A_157] : memref<2x!tpu.dma_semaphore, #tpu.memory_space<semaphore_mem>> -> memref<1x!tpu.dma_semaphore, #tpu.memory_space<semaphore_mem>>
    %dma_start3A_167 = tpu.memref_squeeze %dma_start3A_166 : memref<1x!tpu.dma_semaphore, #tpu.memory_space<semaphore_mem>> -> memref<!tpu.dma_semaphore, #tpu.memory_space<semaphore_mem>>
    tpu.enqueue_indirect_dma source(%dma_start3A_165 : memref<1000x128xf32, #tpu.memory_space<hbm>>) target(%dma_start3A_161 : memref<50x128xf32, #tpu.memory_space<vmem>>) offsets(%dma_start3A_162 : memref<50xi32, #tpu.memory_space<vmem>>) semaphore(%dma_start3A_167 : memref<!tpu.dma_semaphore, #tpu.memory_space<semaphore_mem>>)
    %multiple_of3A_168 = arith.constant 56 : i32
    %multiple_of3A_169 = tpu.assume_multiple %multiple_of3A_168, 8 : i32
    %dma_start3A_170 = arith.constant 1 : i32
    %dma_start3A_171 = arith.constant 3 : i32
    %dma_start3A_172 = arith.constant 1 : i32
    %dma_start3A_173 = arith.constant 0 : i32
    %dma_start3A_174 = arith.constant 0 : i32
    %dma_start3A_175 = tpu.memref_slice %arg13[%dma_start3A_170, %dma_start3A_171, %dma_start3A_173, %dma_start3A_174] : memref<2x8x50x128xf32, #tpu.memory_space<vmem>> -> memref<1x1x50x128xf32, #tpu.memory_space<vmem>>
    %dma_start3A_176 = tpu.memref_squeeze %dma_start3A_175 : memref<1x1x50x128xf32, #tpu.memory_space<vmem>> -> memref<50x128xf32, #tpu.memory_space<vmem>>
    %dma_start3A_177 = tpu.memref_slice %arg12[%multiple_of3A_169] : memref<7168xi32, #tpu.memory_space<vmem>> -> memref<50xi32, #tpu.memory_space<vmem>>
    %dma_start3A_178 = arith.constant 0 : i32
    %dma_start3A_179 = arith.constant 0 : i32
    %dma_start3A_180 = tpu.memref_slice %arg6[%dma_start3A_178, %dma_start3A_179] : memref<1000x128xf32, #tpu.memory_space<hbm>> -> memref<1000x128xf32, #tpu.memory_space<hbm>>
    %dma_start3A_181 = tpu.memref_slice %arg15[%dma_start3A_172] : memref<2x!tpu.dma_semaphore, #tpu.memory_space<semaphore_mem>> -> memref<1x!tpu.dma_semaphore, #tpu.memory_space<semaphore_mem>>
    %dma_start3A_182 = tpu.memref_squeeze %dma_start3A_181 : memref<1x!tpu.dma_semaphore, #tpu.memory_space<semaphore_mem>> -> memref<!tpu.dma_semaphore, #tpu.memory_space<semaphore_mem>>
    tpu.enqueue_indirect_dma source(%dma_start3A_180 : memref<1000x128xf32, #tpu.memory_space<hbm>>) target(%dma_start3A_176 : memref<50x128xf32, #tpu.memory_space<vmem>>) offsets(%dma_start3A_177 : memref<50xi32, #tpu.memory_space<vmem>>) semaphore(%dma_start3A_182 : memref<!tpu.dma_semaphore, #tpu.memory_space<semaphore_mem>>)
    %multiple_of3A_183 = arith.constant 56 : i32
    %multiple_of3A_184 = tpu.assume_multiple %multiple_of3A_183, 8 : i32
    %dma_start3A_185 = arith.constant 1 : i32
    %dma_start3A_186 = arith.constant 4 : i32
    %dma_start3A_187 = arith.constant 1 : i32
    %dma_start3A_188 = arith.constant 0 : i32
    %dma_start3A_189 = arith.constant 0 : i32
    %dma_start3A_190 = tpu.memref_slice %arg13[%dma_start3A_185, %dma_start3A_186, %dma_start3A_188, %dma_start3A_189] : memref<2x8x50x128xf32, #tpu.memory_space<vmem>> -> memref<1x1x50x128xf32, #tpu.memory_space<vmem>>
    %dma_start3A_191 = tpu.memref_squeeze %dma_start3A_190 : memref<1x1x50x128xf32, #tpu.memory_space<vmem>> -> memref<50x128xf32, #tpu.memory_space<vmem>>
    %dma_start3A_192 = tpu.memref_slice %arg12[%multiple_of3A_184] : memref<7168xi32, #tpu.memory_space<vmem>> -> memref<50xi32, #tpu.memory_space<vmem>>
    %dma_start3A_193 = arith.constant 0 : i32
    %dma_start3A_194 = arith.constant 0 : i32
    %dma_start3A_195 = tpu.memref_slice %arg7[%dma_start3A_193, %dma_start3A_194] : memref<1000x128xf32, #tpu.memory_space<hbm>> -> memref<1000x128xf32, #tpu.memory_space<hbm>>
    %dma_start3A_196 = tpu.memref_slice %arg15[%dma_start3A_187] : memref<2x!tpu.dma_semaphore, #tpu.memory_space<semaphore_mem>> -> memref<1x!tpu.dma_semaphore, #tpu.memory_space<semaphore_mem>>
    %dma_start3A_197 = tpu.memref_squeeze %dma_start3A_196 : memref<1x!tpu.dma_semaphore, #tpu.memory_space<semaphore_mem>> -> memref<!tpu.dma_semaphore, #tpu.memory_space<semaphore_mem>>
    tpu.enqueue_indirect_dma source(%dma_start3A_195 : memref<1000x128xf32, #tpu.memory_space<hbm>>) target(%dma_start3A_191 : memref<50x128xf32, #tpu.memory_space<vmem>>) offsets(%dma_start3A_192 : memref<50xi32, #tpu.memory_space<vmem>>) semaphore(%dma_start3A_197 : memref<!tpu.dma_semaphore, #tpu.memory_space<semaphore_mem>>)
    %multiple_of3A_198 = arith.constant 56 : i32
    %multiple_of3A_199 = tpu.assume_multiple %multiple_of3A_198, 8 : i32
    %dma_start3A_200 = arith.constant 1 : i32
    %dma_start3A_201 = arith.constant 5 : i32
    %dma_start3A_202 = arith.constant 1 : i32
    %dma_start3A_203 = arith.constant 0 : i32
    %dma_start3A_204 = arith.constant 0 : i32
    %dma_start3A_205 = tpu.memref_slice %arg13[%dma_start3A_200, %dma_start3A_201, %dma_start3A_203, %dma_start3A_204] : memref<2x8x50x128xf32, #tpu.memory_space<vmem>> -> memref<1x1x50x128xf32, #tpu.memory_space<vmem>>
    %dma_start3A_206 = tpu.memref_squeeze %dma_start3A_205 : memref<1x1x50x128xf32, #tpu.memory_space<vmem>> -> memref<50x128xf32, #tpu.memory_space<vmem>>
    %dma_start3A_207 = tpu.memref_slice %arg12[%multiple_of3A_199] : memref<7168xi32, #tpu.memory_space<vmem>> -> memref<50xi32, #tpu.memory_space<vmem>>
    %dma_start3A_208 = arith.constant 0 : i32
    %dma_start3A_209 = arith.constant 0 : i32
    %dma_start3A_210 = tpu.memref_slice %arg8[%dma_start3A_208, %dma_start3A_209] : memref<1000x128xf32, #tpu.memory_space<hbm>> -> memref<1000x128xf32, #tpu.memory_space<hbm>>
    %dma_start3A_211 = tpu.memref_slice %arg15[%dma_start3A_202] : memref<2x!tpu.dma_semaphore, #tpu.memory_space<semaphore_mem>> -> memref<1x!tpu.dma_semaphore, #tpu.memory_space<semaphore_mem>>
    %dma_start3A_212 = tpu.memref_squeeze %dma_start3A_211 : memref<1x!tpu.dma_semaphore, #tpu.memory_space<semaphore_mem>> -> memref<!tpu.dma_semaphore, #tpu.memory_space<semaphore_mem>>
    tpu.enqueue_indirect_dma source(%dma_start3A_210 : memref<1000x128xf32, #tpu.memory_space<hbm>>) target(%dma_start3A_206 : memref<50x128xf32, #tpu.memory_space<vmem>>) offsets(%dma_start3A_207 : memref<50xi32, #tpu.memory_space<vmem>>) semaphore(%dma_start3A_212 : memref<!tpu.dma_semaphore, #tpu.memory_space<semaphore_mem>>)
    %multiple_of3A_213 = arith.constant 56 : i32
    %multiple_of3A_214 = tpu.assume_multiple %multiple_of3A_213, 8 : i32
    %dma_start3A_215 = arith.constant 1 : i32
    %dma_start3A_216 = arith.constant 6 : i32
    %dma_start3A_217 = arith.constant 1 : i32
    %dma_start3A_218 = arith.constant 0 : i32
    %dma_start3A_219 = arith.constant 0 : i32
    %dma_start3A_220 = tpu.memref_slice %arg13[%dma_start3A_215, %dma_start3A_216, %dma_start3A_218, %dma_start3A_219] : memref<2x8x50x128xf32, #tpu.memory_space<vmem>> -> memref<1x1x50x128xf32, #tpu.memory_space<vmem>>
    %dma_start3A_221 = tpu.memref_squeeze %dma_start3A_220 : memref<1x1x50x128xf32, #tpu.memory_space<vmem>> -> memref<50x128xf32, #tpu.memory_space<vmem>>
    %dma_start3A_222 = tpu.memref_slice %arg12[%multiple_of3A_214] : memref<7168xi32, #tpu.memory_space<vmem>> -> memref<50xi32, #tpu.memory_space<vmem>>
    %dma_start3A_223 = arith.constant 0 : i32
    %dma_start3A_224 = arith.constant 0 : i32
    %dma_start3A_225 = tpu.memref_slice %arg9[%dma_start3A_223, %dma_start3A_224] : memref<1000x128xf32, #tpu.memory_space<hbm>> -> memref<1000x128xf32, #tpu.memory_space<hbm>>
    %dma_start3A_226 = tpu.memref_slice %arg15[%dma_start3A_217] : memref<2x!tpu.dma_semaphore, #tpu.memory_space<semaphore_mem>> -> memref<1x!tpu.dma_semaphore, #tpu.memory_space<semaphore_mem>>
    %dma_start3A_227 = tpu.memref_squeeze %dma_start3A_226 : memref<1x!tpu.dma_semaphore, #tpu.memory_space<semaphore_mem>> -> memref<!tpu.dma_semaphore, #tpu.memory_space<semaphore_mem>>
    tpu.enqueue_indirect_dma source(%dma_start3A_225 : memref<1000x128xf32, #tpu.memory_space<hbm>>) target(%dma_start3A_221 : memref<50x128xf32, #tpu.memory_space<vmem>>) offsets(%dma_start3A_222 : memref<50xi32, #tpu.memory_space<vmem>>) semaphore(%dma_start3A_227 : memref<!tpu.dma_semaphore, #tpu.memory_space<semaphore_mem>>)
    %multiple_of3A_228 = arith.constant 56 : i32
    %multiple_of3A_229 = tpu.assume_multiple %multiple_of3A_228, 8 : i32
    %dma_start3A_230 = arith.constant 1 : i32
    %dma_start3A_231 = arith.constant 7 : i32
    %dma_start3A_232 = arith.constant 1 : i32
    %dma_start3A_233 = arith.constant 0 : i32
    %dma_start3A_234 = arith.constant 0 : i32
    %dma_start3A_235 = tpu.memref_slice %arg13[%dma_start3A_230, %dma_start3A_231, %dma_start3A_233, %dma_start3A_234] : memref<2x8x50x128xf32, #tpu.memory_space<vmem>> -> memref<1x1x50x128xf32, #tpu.memory_space<vmem>>
    %dma_start3A_236 = tpu.memref_squeeze %dma_start3A_235 : memref<1x1x50x128xf32, #tpu.memory_space<vmem>> -> memref<50x128xf32, #tpu.memory_space<vmem>>
    %dma_start3A_237 = tpu.memref_slice %arg12[%multiple_of3A_229] : memref<7168xi32, #tpu.memory_space<vmem>> -> memref<50xi32, #tpu.memory_space<vmem>>
    %dma_start3A_238 = arith.constant 0 : i32
    %dma_start3A_239 = arith.constant 0 : i32
    %dma_start3A_240 = tpu.memref_slice %arg10[%dma_start3A_238, %dma_start3A_239] : memref<1000x128xf32, #tpu.memory_space<hbm>> -> memref<1000x128xf32, #tpu.memory_space<hbm>>
    %dma_start3A_241 = tpu.memref_slice %arg15[%dma_start3A_232] : memref<2x!tpu.dma_semaphore, #tpu.memory_space<semaphore_mem>> -> memref<1x!tpu.dma_semaphore, #tpu.memory_space<semaphore_mem>>
    %dma_start3A_242 = tpu.memref_squeeze %dma_start3A_241 : memref<1x!tpu.dma_semaphore, #tpu.memory_space<semaphore_mem>> -> memref<!tpu.dma_semaphore, #tpu.memory_space<semaphore_mem>>
    tpu.enqueue_indirect_dma source(%dma_start3A_240 : memref<1000x128xf32, #tpu.memory_space<hbm>>) target(%dma_start3A_236 : memref<50x128xf32, #tpu.memory_space<vmem>>) offsets(%dma_start3A_237 : memref<50xi32, #tpu.memory_space<vmem>>) semaphore(%dma_start3A_242 : memref<!tpu.dma_semaphore, #tpu.memory_space<semaphore_mem>>)
    %scan3A = arith.constant 0 : i32
    %scan3A_243 = arith.constant 0 : i32
    %scan3A_244 = arith.constant 64 : i32
    %scan3A_245 = arith.addi %scan3A_243, %scan3A_244 : i32
    %scan3A_246 = arith.constant 1 : i32
    scf.for %scan3A_726 = %scan3A_243 to %scan3A_245 step %scan3A_246  : i32 {
      %mul3A_727 = arith.constant 2 : i32
      %mul3A_728 = arith.muli %scan3A_726, %mul3A_727 : i32
      %add3A_729 = arith.constant 0 : i32
      %add3A_730 = arith.addi %mul3A_728, %add3A_729 : i32
      %add3A_731 = arith.addi %mul3A_2, %add3A_730 : i32
      %mul3A_732 = arith.constant 56 : i32
      %mul3A_733 = arith.muli %add3A_730, %mul3A_732 : i32
      %multiple_of3A_734 = tpu.assume_multiple %mul3A_733, 8 : i32
      %dma_wait3A_735 = arith.constant 0 : i32
      %dma_wait3A_736 = arith.constant 0 : i32
      %dma_wait3A_737 = arith.constant 0 : i32
      %dma_wait3A_738 = arith.constant 0 : i32
      %dma_wait3A_739 = arith.constant 0 : i32
      %dma_wait3A_740 = tpu.memref_slice %arg13[%dma_wait3A_735, %dma_wait3A_736, %dma_wait3A_738, %dma_wait3A_739] : memref<2x8x50x128xf32, #tpu.memory_space<vmem>> -> memref<1x1x50x128xf32, #tpu.memory_space<vmem>>
      %dma_wait3A_741 = tpu.memref_squeeze %dma_wait3A_740 : memref<1x1x50x128xf32, #tpu.memory_space<vmem>> -> memref<50x128xf32, #tpu.memory_space<vmem>>
      %dma_wait3A_742 = tpu.memref_slice %arg12[%multiple_of3A_734] : memref<7168xi32, #tpu.memory_space<vmem>> -> memref<50xi32, #tpu.memory_space<vmem>>
      %dma_wait3A_743 = arith.constant 0 : i32
      %dma_wait3A_744 = arith.constant 0 : i32
      %dma_wait3A_745 = tpu.memref_slice %arg3[%dma_wait3A_743, %dma_wait3A_744] : memref<1000x128xf32, #tpu.memory_space<hbm>> -> memref<1000x128xf32, #tpu.memory_space<hbm>>
      %dma_wait3A_746 = tpu.memref_slice %arg15[%dma_wait3A_737] : memref<2x!tpu.dma_semaphore, #tpu.memory_space<semaphore_mem>> -> memref<1x!tpu.dma_semaphore, #tpu.memory_space<semaphore_mem>>
      %dma_wait3A_747 = tpu.memref_squeeze %dma_wait3A_746 : memref<1x!tpu.dma_semaphore, #tpu.memory_space<semaphore_mem>> -> memref<!tpu.dma_semaphore, #tpu.memory_space<semaphore_mem>>
      tpu.wait_indirect_dma semaphore(%dma_wait3A_747 : memref<!tpu.dma_semaphore, #tpu.memory_space<semaphore_mem>>) src(%dma_wait3A_745 : memref<1000x128xf32, #tpu.memory_space<hbm>>) dst(%dma_wait3A_741 : memref<50x128xf32, #tpu.memory_space<vmem>>)
      %mul3A_748 = arith.constant 56 : i32
      %mul3A_749 = arith.muli %add3A_730, %mul3A_748 : i32
      %multiple_of3A_750 = tpu.assume_multiple %mul3A_749, 8 : i32
      %dma_wait3A_751 = arith.constant 0 : i32
      %dma_wait3A_752 = arith.constant 1 : i32
      %dma_wait3A_753 = arith.constant 0 : i32
      %dma_wait3A_754 = arith.constant 0 : i32
      %dma_wait3A_755 = arith.constant 0 : i32
      %dma_wait3A_756 = tpu.memref_slice %arg13[%dma_wait3A_751, %dma_wait3A_752, %dma_wait3A_754, %dma_wait3A_755] : memref<2x8x50x128xf32, #tpu.memory_space<vmem>> -> memref<1x1x50x128xf32, #tpu.memory_space<vmem>>
      %dma_wait3A_757 = tpu.memref_squeeze %dma_wait3A_756 : memref<1x1x50x128xf32, #tpu.memory_space<vmem>> -> memref<50x128xf32, #tpu.memory_space<vmem>>
      %dma_wait3A_758 = tpu.memref_slice %arg12[%multiple_of3A_750] : memref<7168xi32, #tpu.memory_space<vmem>> -> memref<50xi32, #tpu.memory_space<vmem>>
      %dma_wait3A_759 = arith.constant 0 : i32
      %dma_wait3A_760 = arith.constant 0 : i32
      %dma_wait3A_761 = tpu.memref_slice %arg4[%dma_wait3A_759, %dma_wait3A_760] : memref<1000x128xf32, #tpu.memory_space<hbm>> -> memref<1000x128xf32, #tpu.memory_space<hbm>>
      %dma_wait3A_762 = tpu.memref_slice %arg15[%dma_wait3A_753] : memref<2x!tpu.dma_semaphore, #tpu.memory_space<semaphore_mem>> -> memref<1x!tpu.dma_semaphore, #tpu.memory_space<semaphore_mem>>
      %dma_wait3A_763 = tpu.memref_squeeze %dma_wait3A_762 : memref<1x!tpu.dma_semaphore, #tpu.memory_space<semaphore_mem>> -> memref<!tpu.dma_semaphore, #tpu.memory_space<semaphore_mem>>
      tpu.wait_indirect_dma semaphore(%dma_wait3A_763 : memref<!tpu.dma_semaphore, #tpu.memory_space<semaphore_mem>>) src(%dma_wait3A_761 : memref<1000x128xf32, #tpu.memory_space<hbm>>) dst(%dma_wait3A_757 : memref<50x128xf32, #tpu.memory_space<vmem>>)
      %mul3A_764 = arith.constant 56 : i32
      %mul3A_765 = arith.muli %add3A_730, %mul3A_764 : i32
      %multiple_of3A_766 = tpu.assume_multiple %mul3A_765, 8 : i32
      %dma_wait3A_767 = arith.constant 0 : i32
      %dma_wait3A_768 = arith.constant 2 : i32
      %dma_wait3A_769 = arith.constant 0 : i32
      %dma_wait3A_770 = arith.constant 0 : i32
      %dma_wait3A_771 = arith.constant 0 : i32
      %dma_wait3A_772 = tpu.memref_slice %arg13[%dma_wait3A_767, %dma_wait3A_768, %dma_wait3A_770, %dma_wait3A_771] : memref<2x8x50x128xf32, #tpu.memory_space<vmem>> -> memref<1x1x50x128xf32, #tpu.memory_space<vmem>>
      %dma_wait3A_773 = tpu.memref_squeeze %dma_wait3A_772 : memref<1x1x50x128xf32, #tpu.memory_space<vmem>> -> memref<50x128xf32, #tpu.memory_space<vmem>>
      %dma_wait3A_774 = tpu.memref_slice %arg12[%multiple_of3A_766] : memref<7168xi32, #tpu.memory_space<vmem>> -> memref<50xi32, #tpu.memory_space<vmem>>
      %dma_wait3A_775 = arith.constant 0 : i32
      %dma_wait3A_776 = arith.constant 0 : i32
      %dma_wait3A_777 = tpu.memref_slice %arg5[%dma_wait3A_775, %dma_wait3A_776] : memref<1000x128xf32, #tpu.memory_space<hbm>> -> memref<1000x128xf32, #tpu.memory_space<hbm>>
      %dma_wait3A_778 = tpu.memref_slice %arg15[%dma_wait3A_769] : memref<2x!tpu.dma_semaphore, #tpu.memory_space<semaphore_mem>> -> memref<1x!tpu.dma_semaphore, #tpu.memory_space<semaphore_mem>>
      %dma_wait3A_779 = tpu.memref_squeeze %dma_wait3A_778 : memref<1x!tpu.dma_semaphore, #tpu.memory_space<semaphore_mem>> -> memref<!tpu.dma_semaphore, #tpu.memory_space<semaphore_mem>>
      tpu.wait_indirect_dma semaphore(%dma_wait3A_779 : memref<!tpu.dma_semaphore, #tpu.memory_space<semaphore_mem>>) src(%dma_wait3A_777 : memref<1000x128xf32, #tpu.memory_space<hbm>>) dst(%dma_wait3A_773 : memref<50x128xf32, #tpu.memory_space<vmem>>)
      %mul3A_780 = arith.constant 56 : i32
      %mul3A_781 = arith.muli %add3A_730, %mul3A_780 : i32
      %multiple_of3A_782 = tpu.assume_multiple %mul3A_781, 8 : i32
      %dma_wait3A_783 = arith.constant 0 : i32
      %dma_wait3A_784 = arith.constant 3 : i32
      %dma_wait3A_785 = arith.constant 0 : i32
      %dma_wait3A_786 = arith.constant 0 : i32
      %dma_wait3A_787 = arith.constant 0 : i32
      %dma_wait3A_788 = tpu.memref_slice %arg13[%dma_wait3A_783, %dma_wait3A_784, %dma_wait3A_786, %dma_wait3A_787] : memref<2x8x50x128xf32, #tpu.memory_space<vmem>> -> memref<1x1x50x128xf32, #tpu.memory_space<vmem>>
      %dma_wait3A_789 = tpu.memref_squeeze %dma_wait3A_788 : memref<1x1x50x128xf32, #tpu.memory_space<vmem>> -> memref<50x128xf32, #tpu.memory_space<vmem>>
      %dma_wait3A_790 = tpu.memref_slice %arg12[%multiple_of3A_782] : memref<7168xi32, #tpu.memory_space<vmem>> -> memref<50xi32, #tpu.memory_space<vmem>>
      %dma_wait3A_791 = arith.constant 0 : i32
      %dma_wait3A_792 = arith.constant 0 : i32
      %dma_wait3A_793 = tpu.memref_slice %arg6[%dma_wait3A_791, %dma_wait3A_792] : memref<1000x128xf32, #tpu.memory_space<hbm>> -> memref<1000x128xf32, #tpu.memory_space<hbm>>
      %dma_wait3A_794 = tpu.memref_slice %arg15[%dma_wait3A_785] : memref<2x!tpu.dma_semaphore, #tpu.memory_space<semaphore_mem>> -> memref<1x!tpu.dma_semaphore, #tpu.memory_space<semaphore_mem>>
      %dma_wait3A_795 = tpu.memref_squeeze %dma_wait3A_794 : memref<1x!tpu.dma_semaphore, #tpu.memory_space<semaphore_mem>> -> memref<!tpu.dma_semaphore, #tpu.memory_space<semaphore_mem>>
      tpu.wait_indirect_dma semaphore(%dma_wait3A_795 : memref<!tpu.dma_semaphore, #tpu.memory_space<semaphore_mem>>) src(%dma_wait3A_793 : memref<1000x128xf32, #tpu.memory_space<hbm>>) dst(%dma_wait3A_789 : memref<50x128xf32, #tpu.memory_space<vmem>>)
      %mul3A_796 = arith.constant 56 : i32
      %mul3A_797 = arith.muli %add3A_730, %mul3A_796 : i32
      %multiple_of3A_798 = tpu.assume_multiple %mul3A_797, 8 : i32
      %dma_wait3A_799 = arith.constant 0 : i32
      %dma_wait3A_800 = arith.constant 4 : i32
      %dma_wait3A_801 = arith.constant 0 : i32
      %dma_wait3A_802 = arith.constant 0 : i32
      %dma_wait3A_803 = arith.constant 0 : i32
      %dma_wait3A_804 = tpu.memref_slice %arg13[%dma_wait3A_799, %dma_wait3A_800, %dma_wait3A_802, %dma_wait3A_803] : memref<2x8x50x128xf32, #tpu.memory_space<vmem>> -> memref<1x1x50x128xf32, #tpu.memory_space<vmem>>
      %dma_wait3A_805 = tpu.memref_squeeze %dma_wait3A_804 : memref<1x1x50x128xf32, #tpu.memory_space<vmem>> -> memref<50x128xf32, #tpu.memory_space<vmem>>
      %dma_wait3A_806 = tpu.memref_slice %arg12[%multiple_of3A_798] : memref<7168xi32, #tpu.memory_space<vmem>> -> memref<50xi32, #tpu.memory_space<vmem>>
      %dma_wait3A_807 = arith.constant 0 : i32
      %dma_wait3A_808 = arith.constant 0 : i32
      %dma_wait3A_809 = tpu.memref_slice %arg7[%dma_wait3A_807, %dma_wait3A_808] : memref<1000x128xf32, #tpu.memory_space<hbm>> -> memref<1000x128xf32, #tpu.memory_space<hbm>>
      %dma_wait3A_810 = tpu.memref_slice %arg15[%dma_wait3A_801] : memref<2x!tpu.dma_semaphore, #tpu.memory_space<semaphore_mem>> -> memref<1x!tpu.dma_semaphore, #tpu.memory_space<semaphore_mem>>
      %dma_wait3A_811 = tpu.memref_squeeze %dma_wait3A_810 : memref<1x!tpu.dma_semaphore, #tpu.memory_space<semaphore_mem>> -> memref<!tpu.dma_semaphore, #tpu.memory_space<semaphore_mem>>
      tpu.wait_indirect_dma semaphore(%dma_wait3A_811 : memref<!tpu.dma_semaphore, #tpu.memory_space<semaphore_mem>>) src(%dma_wait3A_809 : memref<1000x128xf32, #tpu.memory_space<hbm>>) dst(%dma_wait3A_805 : memref<50x128xf32, #tpu.memory_space<vmem>>)
      %mul3A_812 = arith.constant 56 : i32
      %mul3A_813 = arith.muli %add3A_730, %mul3A_812 : i32
      %multiple_of3A_814 = tpu.assume_multiple %mul3A_813, 8 : i32
      %dma_wait3A_815 = arith.constant 0 : i32
      %dma_wait3A_816 = arith.constant 5 : i32
      %dma_wait3A_817 = arith.constant 0 : i32
      %dma_wait3A_818 = arith.constant 0 : i32
      %dma_wait3A_819 = arith.constant 0 : i32
      %dma_wait3A_820 = tpu.memref_slice %arg13[%dma_wait3A_815, %dma_wait3A_816, %dma_wait3A_818, %dma_wait3A_819] : memref<2x8x50x128xf32, #tpu.memory_space<vmem>> -> memref<1x1x50x128xf32, #tpu.memory_space<vmem>>
      %dma_wait3A_821 = tpu.memref_squeeze %dma_wait3A_820 : memref<1x1x50x128xf32, #tpu.memory_space<vmem>> -> memref<50x128xf32, #tpu.memory_space<vmem>>
      %dma_wait3A_822 = tpu.memref_slice %arg12[%multiple_of3A_814] : memref<7168xi32, #tpu.memory_space<vmem>> -> memref<50xi32, #tpu.memory_space<vmem>>
      %dma_wait3A_823 = arith.constant 0 : i32
      %dma_wait3A_824 = arith.constant 0 : i32
      %dma_wait3A_825 = tpu.memref_slice %arg8[%dma_wait3A_823, %dma_wait3A_824] : memref<1000x128xf32, #tpu.memory_space<hbm>> -> memref<1000x128xf32, #tpu.memory_space<hbm>>
      %dma_wait3A_826 = tpu.memref_slice %arg15[%dma_wait3A_817] : memref<2x!tpu.dma_semaphore, #tpu.memory_space<semaphore_mem>> -> memref<1x!tpu.dma_semaphore, #tpu.memory_space<semaphore_mem>>
      %dma_wait3A_827 = tpu.memref_squeeze %dma_wait3A_826 : memref<1x!tpu.dma_semaphore, #tpu.memory_space<semaphore_mem>> -> memref<!tpu.dma_semaphore, #tpu.memory_space<semaphore_mem>>
      tpu.wait_indirect_dma semaphore(%dma_wait3A_827 : memref<!tpu.dma_semaphore, #tpu.memory_space<semaphore_mem>>) src(%dma_wait3A_825 : memref<1000x128xf32, #tpu.memory_space<hbm>>) dst(%dma_wait3A_821 : memref<50x128xf32, #tpu.memory_space<vmem>>)
      %mul3A_828 = arith.constant 56 : i32
      %mul3A_829 = arith.muli %add3A_730, %mul3A_828 : i32
      %multiple_of3A_830 = tpu.assume_multiple %mul3A_829, 8 : i32
      %dma_wait3A_831 = arith.constant 0 : i32
      %dma_wait3A_832 = arith.constant 6 : i32
      %dma_wait3A_833 = arith.constant 0 : i32
      %dma_wait3A_834 = arith.constant 0 : i32
      %dma_wait3A_835 = arith.constant 0 : i32
      %dma_wait3A_836 = tpu.memref_slice %arg13[%dma_wait3A_831, %dma_wait3A_832, %dma_wait3A_834, %dma_wait3A_835] : memref<2x8x50x128xf32, #tpu.memory_space<vmem>> -> memref<1x1x50x128xf32, #tpu.memory_space<vmem>>
      %dma_wait3A_837 = tpu.memref_squeeze %dma_wait3A_836 : memref<1x1x50x128xf32, #tpu.memory_space<vmem>> -> memref<50x128xf32, #tpu.memory_space<vmem>>
      %dma_wait3A_838 = tpu.memref_slice %arg12[%multiple_of3A_830] : memref<7168xi32, #tpu.memory_space<vmem>> -> memref<50xi32, #tpu.memory_space<vmem>>
      %dma_wait3A_839 = arith.constant 0 : i32
      %dma_wait3A_840 = arith.constant 0 : i32
      %dma_wait3A_841 = tpu.memref_slice %arg9[%dma_wait3A_839, %dma_wait3A_840] : memref<1000x128xf32, #tpu.memory_space<hbm>> -> memref<1000x128xf32, #tpu.memory_space<hbm>>
      %dma_wait3A_842 = tpu.memref_slice %arg15[%dma_wait3A_833] : memref<2x!tpu.dma_semaphore, #tpu.memory_space<semaphore_mem>> -> memref<1x!tpu.dma_semaphore, #tpu.memory_space<semaphore_mem>>
      %dma_wait3A_843 = tpu.memref_squeeze %dma_wait3A_842 : memref<1x!tpu.dma_semaphore, #tpu.memory_space<semaphore_mem>> -> memref<!tpu.dma_semaphore, #tpu.memory_space<semaphore_mem>>
      tpu.wait_indirect_dma semaphore(%dma_wait3A_843 : memref<!tpu.dma_semaphore, #tpu.memory_space<semaphore_mem>>) src(%dma_wait3A_841 : memref<1000x128xf32, #tpu.memory_space<hbm>>) dst(%dma_wait3A_837 : memref<50x128xf32, #tpu.memory_space<vmem>>)
      %mul3A_844 = arith.constant 56 : i32
      %mul3A_845 = arith.muli %add3A_730, %mul3A_844 : i32
      %multiple_of3A_846 = tpu.assume_multiple %mul3A_845, 8 : i32
      %dma_wait3A_847 = arith.constant 0 : i32
      %dma_wait3A_848 = arith.constant 7 : i32
      %dma_wait3A_849 = arith.constant 0 : i32
      %dma_wait3A_850 = arith.constant 0 : i32
      %dma_wait3A_851 = arith.constant 0 : i32
      %dma_wait3A_852 = tpu.memref_slice %arg13[%dma_wait3A_847, %dma_wait3A_848, %dma_wait3A_850, %dma_wait3A_851] : memref<2x8x50x128xf32, #tpu.memory_space<vmem>> -> memref<1x1x50x128xf32, #tpu.memory_space<vmem>>
      %dma_wait3A_853 = tpu.memref_squeeze %dma_wait3A_852 : memref<1x1x50x128xf32, #tpu.memory_space<vmem>> -> memref<50x128xf32, #tpu.memory_space<vmem>>
      %dma_wait3A_854 = tpu.memref_slice %arg12[%multiple_of3A_846] : memref<7168xi32, #tpu.memory_space<vmem>> -> memref<50xi32, #tpu.memory_space<vmem>>
      %dma_wait3A_855 = arith.constant 0 : i32
      %dma_wait3A_856 = arith.constant 0 : i32
      %dma_wait3A_857 = tpu.memref_slice %arg10[%dma_wait3A_855, %dma_wait3A_856] : memref<1000x128xf32, #tpu.memory_space<hbm>> -> memref<1000x128xf32, #tpu.memory_space<hbm>>
      %dma_wait3A_858 = tpu.memref_slice %arg15[%dma_wait3A_849] : memref<2x!tpu.dma_semaphore, #tpu.memory_space<semaphore_mem>> -> memref<1x!tpu.dma_semaphore, #tpu.memory_space<semaphore_mem>>
      %dma_wait3A_859 = tpu.memref_squeeze %dma_wait3A_858 : memref<1x!tpu.dma_semaphore, #tpu.memory_space<semaphore_mem>> -> memref<!tpu.dma_semaphore, #tpu.memory_space<semaphore_mem>>
      tpu.wait_indirect_dma semaphore(%dma_wait3A_859 : memref<!tpu.dma_semaphore, #tpu.memory_space<semaphore_mem>>) src(%dma_wait3A_857 : memref<1000x128xf32, #tpu.memory_space<hbm>>) dst(%dma_wait3A_853 : memref<50x128xf32, #tpu.memory_space<vmem>>)
      %dma_start3A_860 = arith.constant 0 : i32
      %dma_start3A_861 = arith.constant 0 : i32
      %dma_start3A_862 = arith.constant 0 : i32
      %dma_start3A_863 = arith.constant 0 : i32
      %dma_start3A_864 = arith.constant 0 : i32
      %dma_start3A_865 = tpu.memref_slice %arg13[%dma_start3A_860, %dma_start3A_861, %dma_start3A_863, %dma_start3A_864] : memref<2x8x50x128xf32, #tpu.memory_space<vmem>> -> memref<1x1x50x128xf32, #tpu.memory_space<vmem>>
      %dma_start3A_866 = tpu.memref_squeeze %dma_start3A_865 : memref<1x1x50x128xf32, #tpu.memory_space<vmem>> -> memref<50x128xf32, #tpu.memory_space<vmem>>
      %dma_start3A_867 = arith.constant 0 : i32
      %dma_start3A_868 = arith.constant 0 : i32
      %dma_start3A_869 = tpu.memref_slice %arg11[%add3A_731, %dma_start3A_867, %dma_start3A_868] : memref<4096x50x1000xf32, #tpu.memory_space<hbm>> -> memref<1x50x1000xf32, #tpu.memory_space<hbm>>
      %dma_start3A_870 = tpu.memref_squeeze %dma_start3A_869 : memref<1x50x1000xf32, #tpu.memory_space<hbm>> -> memref<50x1000xf32, #tpu.memory_space<hbm>>
      %dma_start3A_871 = arith.constant 0 : i32
      %dma_start3A_872 = arith.constant 0 : i32
      %dma_start3A_873 = tpu.memref_slice %dma_start3A_870[%dma_start3A_871, %dma_start3A_872] : memref<50x1000xf32, #tpu.memory_space<hbm>> -> memref<50x128xf32, #tpu.memory_space<hbm>>
      %dma_start3A_874 = tpu.memref_slice %arg16[%dma_start3A_862] : memref<2x!tpu.dma_semaphore, #tpu.memory_space<semaphore_mem>> -> memref<1x!tpu.dma_semaphore, #tpu.memory_space<semaphore_mem>>
      %dma_start3A_875 = tpu.memref_squeeze %dma_start3A_874 : memref<1x!tpu.dma_semaphore, #tpu.memory_space<semaphore_mem>> -> memref<!tpu.dma_semaphore, #tpu.memory_space<semaphore_mem>>
      %dma_start3A_876 = arith.constant 0 : i32
      %dma_start3A_877 = arith.constant 0 : i32
      %dma_start3A_878 = tpu.memref_slice %arg11[%add3A_731, %dma_start3A_876, %dma_start3A_877] : memref<4096x50x1000xf32, #tpu.memory_space<hbm>> -> memref<1x50x1000xf32, #tpu.memory_space<hbm>>
      %dma_start3A_879 = tpu.memref_squeeze %dma_start3A_878 : memref<1x50x1000xf32, #tpu.memory_space<hbm>> -> memref<50x1000xf32, #tpu.memory_space<hbm>>
      %dma_start3A_880 = arith.constant 0 : i32
      %dma_start3A_881 = arith.constant 0 : i32
      %dma_start3A_882 = tpu.memref_slice %dma_start3A_879[%dma_start3A_880, %dma_start3A_881] : memref<50x1000xf32, #tpu.memory_space<hbm>> -> memref<50x128xf32, #tpu.memory_space<hbm>>
      %dma_start3A_883 = arith.constant 0 : i32
      %dma_start3A_884 = arith.constant 0 : i32
      %dma_start3A_885 = tpu.memref_slice %arg13[%dma_start3A_860, %dma_start3A_861, %dma_start3A_883, %dma_start3A_884] : memref<2x8x50x128xf32, #tpu.memory_space<vmem>> -> memref<1x1x50x128xf32, #tpu.memory_space<vmem>>
      %dma_start3A_886 = tpu.memref_squeeze %dma_start3A_885 : memref<1x1x50x128xf32, #tpu.memory_space<vmem>> -> memref<50x128xf32, #tpu.memory_space<vmem>>
      tpu.enqueue_dma source(%dma_start3A_886 : memref<50x128xf32, #tpu.memory_space<vmem>>) target(%dma_start3A_882 : memref<50x128xf32, #tpu.memory_space<hbm>>) target_semaphore(%dma_start3A_875 : memref<!tpu.dma_semaphore, #tpu.memory_space<semaphore_mem>>)
      %dma_start3A_887 = arith.constant 0 : i32
      %dma_start3A_888 = arith.constant 1 : i32
      %dma_start3A_889 = arith.constant 0 : i32
      %dma_start3A_890 = arith.constant 0 : i32
      %dma_start3A_891 = arith.constant 0 : i32
      %dma_start3A_892 = tpu.memref_slice %arg13[%dma_start3A_887, %dma_start3A_888, %dma_start3A_890, %dma_start3A_891] : memref<2x8x50x128xf32, #tpu.memory_space<vmem>> -> memref<1x1x50x128xf32, #tpu.memory_space<vmem>>
      %dma_start3A_893 = tpu.memref_squeeze %dma_start3A_892 : memref<1x1x50x128xf32, #tpu.memory_space<vmem>> -> memref<50x128xf32, #tpu.memory_space<vmem>>
      %dma_start3A_894 = arith.constant 0 : i32
      %dma_start3A_895 = arith.constant 0 : i32
      %dma_start3A_896 = tpu.memref_slice %arg11[%add3A_731, %dma_start3A_894, %dma_start3A_895] : memref<4096x50x1000xf32, #tpu.memory_space<hbm>> -> memref<1x50x1000xf32, #tpu.memory_space<hbm>>
      %dma_start3A_897 = tpu.memref_squeeze %dma_start3A_896 : memref<1x50x1000xf32, #tpu.memory_space<hbm>> -> memref<50x1000xf32, #tpu.memory_space<hbm>>
      %dma_start3A_898 = arith.constant 0 : i32
      %dma_start3A_899 = arith.constant 128 : i32
      %dma_start3A_900 = tpu.memref_slice %dma_start3A_897[%dma_start3A_898, %dma_start3A_899] : memref<50x1000xf32, #tpu.memory_space<hbm>> -> memref<50x128xf32, #tpu.memory_space<hbm>>
      %dma_start3A_901 = tpu.memref_slice %arg16[%dma_start3A_889] : memref<2x!tpu.dma_semaphore, #tpu.memory_space<semaphore_mem>> -> memref<1x!tpu.dma_semaphore, #tpu.memory_space<semaphore_mem>>
      %dma_start3A_902 = tpu.memref_squeeze %dma_start3A_901 : memref<1x!tpu.dma_semaphore, #tpu.memory_space<semaphore_mem>> -> memref<!tpu.dma_semaphore, #tpu.memory_space<semaphore_mem>>
      %dma_start3A_903 = arith.constant 0 : i32
      %dma_start3A_904 = arith.constant 0 : i32
      %dma_start3A_905 = tpu.memref_slice %arg11[%add3A_731, %dma_start3A_903, %dma_start3A_904] : memref<4096x50x1000xf32, #tpu.memory_space<hbm>> -> memref<1x50x1000xf32, #tpu.memory_space<hbm>>
      %dma_start3A_906 = tpu.memref_squeeze %dma_start3A_905 : memref<1x50x1000xf32, #tpu.memory_space<hbm>> -> memref<50x1000xf32, #tpu.memory_space<hbm>>
      %dma_start3A_907 = arith.constant 0 : i32
      %dma_start3A_908 = arith.constant 128 : i32
      %dma_start3A_909 = tpu.memref_slice %dma_start3A_906[%dma_start3A_907, %dma_start3A_908] : memref<50x1000xf32, #tpu.memory_space<hbm>> -> memref<50x128xf32, #tpu.memory_space<hbm>>
      %dma_start3A_910 = arith.constant 0 : i32
      %dma_start3A_911 = arith.constant 0 : i32
      %dma_start3A_912 = tpu.memref_slice %arg13[%dma_start3A_887, %dma_start3A_888, %dma_start3A_910, %dma_start3A_911] : memref<2x8x50x128xf32, #tpu.memory_space<vmem>> -> memref<1x1x50x128xf32, #tpu.memory_space<vmem>>
      %dma_start3A_913 = tpu.memref_squeeze %dma_start3A_912 : memref<1x1x50x128xf32, #tpu.memory_space<vmem>> -> memref<50x128xf32, #tpu.memory_space<vmem>>
      tpu.enqueue_dma source(%dma_start3A_913 : memref<50x128xf32, #tpu.memory_space<vmem>>) target(%dma_start3A_909 : memref<50x128xf32, #tpu.memory_space<hbm>>) target_semaphore(%dma_start3A_902 : memref<!tpu.dma_semaphore, #tpu.memory_space<semaphore_mem>>)
      %dma_start3A_914 = arith.constant 0 : i32
      %dma_start3A_915 = arith.constant 2 : i32
      %dma_start3A_916 = arith.constant 0 : i32
      %dma_start3A_917 = arith.constant 0 : i32
      %dma_start3A_918 = arith.constant 0 : i32
      %dma_start3A_919 = tpu.memref_slice %arg13[%dma_start3A_914, %dma_start3A_915, %dma_start3A_917, %dma_start3A_918] : memref<2x8x50x128xf32, #tpu.memory_space<vmem>> -> memref<1x1x50x128xf32, #tpu.memory_space<vmem>>
      %dma_start3A_920 = tpu.memref_squeeze %dma_start3A_919 : memref<1x1x50x128xf32, #tpu.memory_space<vmem>> -> memref<50x128xf32, #tpu.memory_space<vmem>>
      %dma_start3A_921 = arith.constant 0 : i32
      %dma_start3A_922 = arith.constant 0 : i32
      %dma_start3A_923 = tpu.memref_slice %arg11[%add3A_731, %dma_start3A_921, %dma_start3A_922] : memref<4096x50x1000xf32, #tpu.memory_space<hbm>> -> memref<1x50x1000xf32, #tpu.memory_space<hbm>>
      %dma_start3A_924 = tpu.memref_squeeze %dma_start3A_923 : memref<1x50x1000xf32, #tpu.memory_space<hbm>> -> memref<50x1000xf32, #tpu.memory_space<hbm>>
      %dma_start3A_925 = arith.constant 0 : i32
      %dma_start3A_926 = arith.constant 256 : i32
      %dma_start3A_927 = tpu.memref_slice %dma_start3A_924[%dma_start3A_925, %dma_start3A_926] : memref<50x1000xf32, #tpu.memory_space<hbm>> -> memref<50x128xf32, #tpu.memory_space<hbm>>
      %dma_start3A_928 = tpu.memref_slice %arg16[%dma_start3A_916] : memref<2x!tpu.dma_semaphore, #tpu.memory_space<semaphore_mem>> -> memref<1x!tpu.dma_semaphore, #tpu.memory_space<semaphore_mem>>
      %dma_start3A_929 = tpu.memref_squeeze %dma_start3A_928 : memref<1x!tpu.dma_semaphore, #tpu.memory_space<semaphore_mem>> -> memref<!tpu.dma_semaphore, #tpu.memory_space<semaphore_mem>>
      %dma_start3A_930 = arith.constant 0 : i32
      %dma_start3A_931 = arith.constant 0 : i32
      %dma_start3A_932 = tpu.memref_slice %arg11[%add3A_731, %dma_start3A_930, %dma_start3A_931] : memref<4096x50x1000xf32, #tpu.memory_space<hbm>> -> memref<1x50x1000xf32, #tpu.memory_space<hbm>>
      %dma_start3A_933 = tpu.memref_squeeze %dma_start3A_932 : memref<1x50x1000xf32, #tpu.memory_space<hbm>> -> memref<50x1000xf32, #tpu.memory_space<hbm>>
      %dma_start3A_934 = arith.constant 0 : i32
      %dma_start3A_935 = arith.constant 256 : i32
      %dma_start3A_936 = tpu.memref_slice %dma_start3A_933[%dma_start3A_934, %dma_start3A_935] : memref<50x1000xf32, #tpu.memory_space<hbm>> -> memref<50x128xf32, #tpu.memory_space<hbm>>
      %dma_start3A_937 = arith.constant 0 : i32
      %dma_start3A_938 = arith.constant 0 : i32
      %dma_start3A_939 = tpu.memref_slice %arg13[%dma_start3A_914, %dma_start3A_915, %dma_start3A_937, %dma_start3A_938] : memref<2x8x50x128xf32, #tpu.memory_space<vmem>> -> memref<1x1x50x128xf32, #tpu.memory_space<vmem>>
      %dma_start3A_940 = tpu.memref_squeeze %dma_start3A_939 : memref<1x1x50x128xf32, #tpu.memory_space<vmem>> -> memref<50x128xf32, #tpu.memory_space<vmem>>
      tpu.enqueue_dma source(%dma_start3A_940 : memref<50x128xf32, #tpu.memory_space<vmem>>) target(%dma_start3A_936 : memref<50x128xf32, #tpu.memory_space<hbm>>) target_semaphore(%dma_start3A_929 : memref<!tpu.dma_semaphore, #tpu.memory_space<semaphore_mem>>)
      %dma_start3A_941 = arith.constant 0 : i32
      %dma_start3A_942 = arith.constant 3 : i32
      %dma_start3A_943 = arith.constant 0 : i32
      %dma_start3A_944 = arith.constant 0 : i32
      %dma_start3A_945 = arith.constant 0 : i32
      %dma_start3A_946 = tpu.memref_slice %arg13[%dma_start3A_941, %dma_start3A_942, %dma_start3A_944, %dma_start3A_945] : memref<2x8x50x128xf32, #tpu.memory_space<vmem>> -> memref<1x1x50x128xf32, #tpu.memory_space<vmem>>
      %dma_start3A_947 = tpu.memref_squeeze %dma_start3A_946 : memref<1x1x50x128xf32, #tpu.memory_space<vmem>> -> memref<50x128xf32, #tpu.memory_space<vmem>>
      %dma_start3A_948 = arith.constant 0 : i32
      %dma_start3A_949 = arith.constant 0 : i32
      %dma_start3A_950 = tpu.memref_slice %arg11[%add3A_731, %dma_start3A_948, %dma_start3A_949] : memref<4096x50x1000xf32, #tpu.memory_space<hbm>> -> memref<1x50x1000xf32, #tpu.memory_space<hbm>>
      %dma_start3A_951 = tpu.memref_squeeze %dma_start3A_950 : memref<1x50x1000xf32, #tpu.memory_space<hbm>> -> memref<50x1000xf32, #tpu.memory_space<hbm>>
      %dma_start3A_952 = arith.constant 0 : i32
      %dma_start3A_953 = arith.constant 384 : i32
      %dma_start3A_954 = tpu.memref_slice %dma_start3A_951[%dma_start3A_952, %dma_start3A_953] : memref<50x1000xf32, #tpu.memory_space<hbm>> -> memref<50x128xf32, #tpu.memory_space<hbm>>
      %dma_start3A_955 = tpu.memref_slice %arg16[%dma_start3A_943] : memref<2x!tpu.dma_semaphore, #tpu.memory_space<semaphore_mem>> -> memref<1x!tpu.dma_semaphore, #tpu.memory_space<semaphore_mem>>
      %dma_start3A_956 = tpu.memref_squeeze %dma_start3A_955 : memref<1x!tpu.dma_semaphore, #tpu.memory_space<semaphore_mem>> -> memref<!tpu.dma_semaphore, #tpu.memory_space<semaphore_mem>>
      %dma_start3A_957 = arith.constant 0 : i32
      %dma_start3A_958 = arith.constant 0 : i32
      %dma_start3A_959 = tpu.memref_slice %arg11[%add3A_731, %dma_start3A_957, %dma_start3A_958] : memref<4096x50x1000xf32, #tpu.memory_space<hbm>> -> memref<1x50x1000xf32, #tpu.memory_space<hbm>>
      %dma_start3A_960 = tpu.memref_squeeze %dma_start3A_959 : memref<1x50x1000xf32, #tpu.memory_space<hbm>> -> memref<50x1000xf32, #tpu.memory_space<hbm>>
      %dma_start3A_961 = arith.constant 0 : i32
      %dma_start3A_962 = arith.constant 384 : i32
      %dma_start3A_963 = tpu.memref_slice %dma_start3A_960[%dma_start3A_961, %dma_start3A_962] : memref<50x1000xf32, #tpu.memory_space<hbm>> -> memref<50x128xf32, #tpu.memory_space<hbm>>
      %dma_start3A_964 = arith.constant 0 : i32
      %dma_start3A_965 = arith.constant 0 : i32
      %dma_start3A_966 = tpu.memref_slice %arg13[%dma_start3A_941, %dma_start3A_942, %dma_start3A_964, %dma_start3A_965] : memref<2x8x50x128xf32, #tpu.memory_space<vmem>> -> memref<1x1x50x128xf32, #tpu.memory_space<vmem>>
      %dma_start3A_967 = tpu.memref_squeeze %dma_start3A_966 : memref<1x1x50x128xf32, #tpu.memory_space<vmem>> -> memref<50x128xf32, #tpu.memory_space<vmem>>
      tpu.enqueue_dma source(%dma_start3A_967 : memref<50x128xf32, #tpu.memory_space<vmem>>) target(%dma_start3A_963 : memref<50x128xf32, #tpu.memory_space<hbm>>) target_semaphore(%dma_start3A_956 : memref<!tpu.dma_semaphore, #tpu.memory_space<semaphore_mem>>)
      %dma_start3A_968 = arith.constant 0 : i32
      %dma_start3A_969 = arith.constant 4 : i32
      %dma_start3A_970 = arith.constant 0 : i32
      %dma_start3A_971 = arith.constant 0 : i32
      %dma_start3A_972 = arith.constant 0 : i32
      %dma_start3A_973 = tpu.memref_slice %arg13[%dma_start3A_968, %dma_start3A_969, %dma_start3A_971, %dma_start3A_972] : memref<2x8x50x128xf32, #tpu.memory_space<vmem>> -> memref<1x1x50x128xf32, #tpu.memory_space<vmem>>
      %dma_start3A_974 = tpu.memref_squeeze %dma_start3A_973 : memref<1x1x50x128xf32, #tpu.memory_space<vmem>> -> memref<50x128xf32, #tpu.memory_space<vmem>>
      %dma_start3A_975 = arith.constant 0 : i32
      %dma_start3A_976 = arith.constant 0 : i32
      %dma_start3A_977 = tpu.memref_slice %arg11[%add3A_731, %dma_start3A_975, %dma_start3A_976] : memref<4096x50x1000xf32, #tpu.memory_space<hbm>> -> memref<1x50x1000xf32, #tpu.memory_space<hbm>>
      %dma_start3A_978 = tpu.memref_squeeze %dma_start3A_977 : memref<1x50x1000xf32, #tpu.memory_space<hbm>> -> memref<50x1000xf32, #tpu.memory_space<hbm>>
      %dma_start3A_979 = arith.constant 0 : i32
      %dma_start3A_980 = arith.constant 512 : i32
      %dma_start3A_981 = tpu.memref_slice %dma_start3A_978[%dma_start3A_979, %dma_start3A_980] : memref<50x1000xf32, #tpu.memory_space<hbm>> -> memref<50x128xf32, #tpu.memory_space<hbm>>
      %dma_start3A_982 = tpu.memref_slice %arg16[%dma_start3A_970] : memref<2x!tpu.dma_semaphore, #tpu.memory_space<semaphore_mem>> -> memref<1x!tpu.dma_semaphore, #tpu.memory_space<semaphore_mem>>
      %dma_start3A_983 = tpu.memref_squeeze %dma_start3A_982 : memref<1x!tpu.dma_semaphore, #tpu.memory_space<semaphore_mem>> -> memref<!tpu.dma_semaphore, #tpu.memory_space<semaphore_mem>>
      %dma_start3A_984 = arith.constant 0 : i32
      %dma_start3A_985 = arith.constant 0 : i32
      %dma_start3A_986 = tpu.memref_slice %arg11[%add3A_731, %dma_start3A_984, %dma_start3A_985] : memref<4096x50x1000xf32, #tpu.memory_space<hbm>> -> memref<1x50x1000xf32, #tpu.memory_space<hbm>>
      %dma_start3A_987 = tpu.memref_squeeze %dma_start3A_986 : memref<1x50x1000xf32, #tpu.memory_space<hbm>> -> memref<50x1000xf32, #tpu.memory_space<hbm>>
      %dma_start3A_988 = arith.constant 0 : i32
      %dma_start3A_989 = arith.constant 512 : i32
      %dma_start3A_990 = tpu.memref_slice %dma_start3A_987[%dma_start3A_988, %dma_start3A_989] : memref<50x1000xf32, #tpu.memory_space<hbm>> -> memref<50x128xf32, #tpu.memory_space<hbm>>
      %dma_start3A_991 = arith.constant 0 : i32
      %dma_start3A_992 = arith.constant 0 : i32
      %dma_start3A_993 = tpu.memref_slice %arg13[%dma_start3A_968, %dma_start3A_969, %dma_start3A_991, %dma_start3A_992] : memref<2x8x50x128xf32, #tpu.memory_space<vmem>> -> memref<1x1x50x128xf32, #tpu.memory_space<vmem>>
      %dma_start3A_994 = tpu.memref_squeeze %dma_start3A_993 : memref<1x1x50x128xf32, #tpu.memory_space<vmem>> -> memref<50x128xf32, #tpu.memory_space<vmem>>
      tpu.enqueue_dma source(%dma_start3A_994 : memref<50x128xf32, #tpu.memory_space<vmem>>) target(%dma_start3A_990 : memref<50x128xf32, #tpu.memory_space<hbm>>) target_semaphore(%dma_start3A_983 : memref<!tpu.dma_semaphore, #tpu.memory_space<semaphore_mem>>)
      %dma_start3A_995 = arith.constant 0 : i32
      %dma_start3A_996 = arith.constant 5 : i32
      %dma_start3A_997 = arith.constant 0 : i32
      %dma_start3A_998 = arith.constant 0 : i32
      %dma_start3A_999 = arith.constant 0 : i32
      %dma_start3A_1000 = tpu.memref_slice %arg13[%dma_start3A_995, %dma_start3A_996, %dma_start3A_998, %dma_start3A_999] : memref<2x8x50x128xf32, #tpu.memory_space<vmem>> -> memref<1x1x50x128xf32, #tpu.memory_space<vmem>>
      %dma_start3A_1001 = tpu.memref_squeeze %dma_start3A_1000 : memref<1x1x50x128xf32, #tpu.memory_space<vmem>> -> memref<50x128xf32, #tpu.memory_space<vmem>>
      %dma_start3A_1002 = arith.constant 0 : i32
      %dma_start3A_1003 = arith.constant 0 : i32
      %dma_start3A_1004 = tpu.memref_slice %arg11[%add3A_731, %dma_start3A_1002, %dma_start3A_1003] : memref<4096x50x1000xf32, #tpu.memory_space<hbm>> -> memref<1x50x1000xf32, #tpu.memory_space<hbm>>
      %dma_start3A_1005 = tpu.memref_squeeze %dma_start3A_1004 : memref<1x50x1000xf32, #tpu.memory_space<hbm>> -> memref<50x1000xf32, #tpu.memory_space<hbm>>
      %dma_start3A_1006 = arith.constant 0 : i32
      %dma_start3A_1007 = arith.constant 640 : i32
      %dma_start3A_1008 = tpu.memref_slice %dma_start3A_1005[%dma_start3A_1006, %dma_start3A_1007] : memref<50x1000xf32, #tpu.memory_space<hbm>> -> memref<50x128xf32, #tpu.memory_space<hbm>>
      %dma_start3A_1009 = tpu.memref_slice %arg16[%dma_start3A_997] : memref<2x!tpu.dma_semaphore, #tpu.memory_space<semaphore_mem>> -> memref<1x!tpu.dma_semaphore, #tpu.memory_space<semaphore_mem>>
      %dma_start3A_1010 = tpu.memref_squeeze %dma_start3A_1009 : memref<1x!tpu.dma_semaphore, #tpu.memory_space<semaphore_mem>> -> memref<!tpu.dma_semaphore, #tpu.memory_space<semaphore_mem>>
      %dma_start3A_1011 = arith.constant 0 : i32
      %dma_start3A_1012 = arith.constant 0 : i32
      %dma_start3A_1013 = tpu.memref_slice %arg11[%add3A_731, %dma_start3A_1011, %dma_start3A_1012] : memref<4096x50x1000xf32, #tpu.memory_space<hbm>> -> memref<1x50x1000xf32, #tpu.memory_space<hbm>>
      %dma_start3A_1014 = tpu.memref_squeeze %dma_start3A_1013 : memref<1x50x1000xf32, #tpu.memory_space<hbm>> -> memref<50x1000xf32, #tpu.memory_space<hbm>>
      %dma_start3A_1015 = arith.constant 0 : i32
      %dma_start3A_1016 = arith.constant 640 : i32
      %dma_start3A_1017 = tpu.memref_slice %dma_start3A_1014[%dma_start3A_1015, %dma_start3A_1016] : memref<50x1000xf32, #tpu.memory_space<hbm>> -> memref<50x128xf32, #tpu.memory_space<hbm>>
      %dma_start3A_1018 = arith.constant 0 : i32
      %dma_start3A_1019 = arith.constant 0 : i32
      %dma_start3A_1020 = tpu.memref_slice %arg13[%dma_start3A_995, %dma_start3A_996, %dma_start3A_1018, %dma_start3A_1019] : memref<2x8x50x128xf32, #tpu.memory_space<vmem>> -> memref<1x1x50x128xf32, #tpu.memory_space<vmem>>
      %dma_start3A_1021 = tpu.memref_squeeze %dma_start3A_1020 : memref<1x1x50x128xf32, #tpu.memory_space<vmem>> -> memref<50x128xf32, #tpu.memory_space<vmem>>
      tpu.enqueue_dma source(%dma_start3A_1021 : memref<50x128xf32, #tpu.memory_space<vmem>>) target(%dma_start3A_1017 : memref<50x128xf32, #tpu.memory_space<hbm>>) target_semaphore(%dma_start3A_1010 : memref<!tpu.dma_semaphore, #tpu.memory_space<semaphore_mem>>)
      %dma_start3A_1022 = arith.constant 0 : i32
      %dma_start3A_1023 = arith.constant 6 : i32
      %dma_start3A_1024 = arith.constant 0 : i32
      %dma_start3A_1025 = arith.constant 0 : i32
      %dma_start3A_1026 = arith.constant 0 : i32
      %dma_start3A_1027 = tpu.memref_slice %arg13[%dma_start3A_1022, %dma_start3A_1023, %dma_start3A_1025, %dma_start3A_1026] : memref<2x8x50x128xf32, #tpu.memory_space<vmem>> -> memref<1x1x50x128xf32, #tpu.memory_space<vmem>>
      %dma_start3A_1028 = tpu.memref_squeeze %dma_start3A_1027 : memref<1x1x50x128xf32, #tpu.memory_space<vmem>> -> memref<50x128xf32, #tpu.memory_space<vmem>>
      %dma_start3A_1029 = arith.constant 0 : i32
      %dma_start3A_1030 = arith.constant 0 : i32
      %dma_start3A_1031 = tpu.memref_slice %arg11[%add3A_731, %dma_start3A_1029, %dma_start3A_1030] : memref<4096x50x1000xf32, #tpu.memory_space<hbm>> -> memref<1x50x1000xf32, #tpu.memory_space<hbm>>
      %dma_start3A_1032 = tpu.memref_squeeze %dma_start3A_1031 : memref<1x50x1000xf32, #tpu.memory_space<hbm>> -> memref<50x1000xf32, #tpu.memory_space<hbm>>
      %dma_start3A_1033 = arith.constant 0 : i32
      %dma_start3A_1034 = arith.constant 768 : i32
      %dma_start3A_1035 = tpu.memref_slice %dma_start3A_1032[%dma_start3A_1033, %dma_start3A_1034] : memref<50x1000xf32, #tpu.memory_space<hbm>> -> memref<50x128xf32, #tpu.memory_space<hbm>>
      %dma_start3A_1036 = tpu.memref_slice %arg16[%dma_start3A_1024] : memref<2x!tpu.dma_semaphore, #tpu.memory_space<semaphore_mem>> -> memref<1x!tpu.dma_semaphore, #tpu.memory_space<semaphore_mem>>
      %dma_start3A_1037 = tpu.memref_squeeze %dma_start3A_1036 : memref<1x!tpu.dma_semaphore, #tpu.memory_space<semaphore_mem>> -> memref<!tpu.dma_semaphore, #tpu.memory_space<semaphore_mem>>
      %dma_start3A_1038 = arith.constant 0 : i32
      %dma_start3A_1039 = arith.constant 0 : i32
      %dma_start3A_1040 = tpu.memref_slice %arg11[%add3A_731, %dma_start3A_1038, %dma_start3A_1039] : memref<4096x50x1000xf32, #tpu.memory_space<hbm>> -> memref<1x50x1000xf32, #tpu.memory_space<hbm>>
      %dma_start3A_1041 = tpu.memref_squeeze %dma_start3A_1040 : memref<1x50x1000xf32, #tpu.memory_space<hbm>> -> memref<50x1000xf32, #tpu.memory_space<hbm>>
      %dma_start3A_1042 = arith.constant 0 : i32
      %dma_start3A_1043 = arith.constant 768 : i32
      %dma_start3A_1044 = tpu.memref_slice %dma_start3A_1041[%dma_start3A_1042, %dma_start3A_1043] : memref<50x1000xf32, #tpu.memory_space<hbm>> -> memref<50x128xf32, #tpu.memory_space<hbm>>
      %dma_start3A_1045 = arith.constant 0 : i32
      %dma_start3A_1046 = arith.constant 0 : i32
      %dma_start3A_1047 = tpu.memref_slice %arg13[%dma_start3A_1022, %dma_start3A_1023, %dma_start3A_1045, %dma_start3A_1046] : memref<2x8x50x128xf32, #tpu.memory_space<vmem>> -> memref<1x1x50x128xf32, #tpu.memory_space<vmem>>
      %dma_start3A_1048 = tpu.memref_squeeze %dma_start3A_1047 : memref<1x1x50x128xf32, #tpu.memory_space<vmem>> -> memref<50x128xf32, #tpu.memory_space<vmem>>
      tpu.enqueue_dma source(%dma_start3A_1048 : memref<50x128xf32, #tpu.memory_space<vmem>>) target(%dma_start3A_1044 : memref<50x128xf32, #tpu.memory_space<hbm>>) target_semaphore(%dma_start3A_1037 : memref<!tpu.dma_semaphore, #tpu.memory_space<semaphore_mem>>)
      %ge3A = arith.constant 1 : i32
      %ge3A_1049 = arith.cmpi sge, %add3A_730, %ge3A : i32
      %convert_element_type3A = arith.extui %ge3A_1049 : i1 to i32
      %cond3A = arith.constant 0 : i32
      %cond3A_1050 = arith.cmpi ne, %convert_element_type3A, %cond3A : i32
      scf.if %cond3A_1050 {
        %sub3A_1429 = arith.constant 1 : i32
        %sub3A_1430 = arith.subi %add3A_731, %sub3A_1429 : i32
        %dma_wait3A_1431 = arith.constant 0 : i32
        %dma_wait3A_1432 = arith.constant 0 : i32
        %dma_wait3A_1433 = tpu.memref_slice %arg11[%sub3A_1430, %dma_wait3A_1431, %dma_wait3A_1432] : memref<4096x50x1000xf32, #tpu.memory_space<hbm>> -> memref<1x50x1000xf32, #tpu.memory_space<hbm>>
        %dma_wait3A_1434 = tpu.memref_squeeze %dma_wait3A_1433 : memref<1x50x1000xf32, #tpu.memory_space<hbm>> -> memref<50x1000xf32, #tpu.memory_space<hbm>>
        %dma_wait3A_1435 = arith.constant 0 : i32
        %dma_wait3A_1436 = arith.constant 896 : i32
        %dma_wait3A_1437 = tpu.memref_slice %dma_wait3A_1434[%dma_wait3A_1435, %dma_wait3A_1436] : memref<50x1000xf32, #tpu.memory_space<hbm>> -> memref<50x104xf32, #tpu.memory_space<hbm>>
        %dma_wait3A_1438 = arith.constant 0 : i32
        %dma_wait3A_1439 = arith.constant 0 : i32
        %dma_wait3A_1440 = tpu.memref_slice %arg11[%sub3A_1430, %dma_wait3A_1438, %dma_wait3A_1439] : memref<4096x50x1000xf32, #tpu.memory_space<hbm>> -> memref<1x50x1000xf32, #tpu.memory_space<hbm>>
        %dma_wait3A_1441 = tpu.memref_squeeze %dma_wait3A_1440 : memref<1x50x1000xf32, #tpu.memory_space<hbm>> -> memref<50x1000xf32, #tpu.memory_space<hbm>>
        %dma_wait3A_1442 = arith.constant 0 : i32
        %dma_wait3A_1443 = arith.constant 896 : i32
        %dma_wait3A_1444 = tpu.memref_slice %dma_wait3A_1441[%dma_wait3A_1442, %dma_wait3A_1443] : memref<50x1000xf32, #tpu.memory_space<hbm>> -> memref<50x104xf32, #tpu.memory_space<hbm>>
        tpu.wait_dma2 semaphore(%arg17 : memref<!tpu.dma_semaphore, #tpu.memory_space<semaphore_mem>>) src(%arg14 : memref<50x104xf32, #tpu.memory_space<vmem>>) dst(%dma_wait3A_1444 : memref<50x104xf32, #tpu.memory_space<hbm>>)
      } else {
      }
      %scan3A_1051 = arith.constant 0 : i32
      %scan3A_1052 = arith.constant 0 : i32
      %scan3A_1053 = arith.constant 50 : i32
      %scan3A_1054 = arith.addi %scan3A_1052, %scan3A_1053 : i32
      %scan3A_1055 = arith.constant 1 : i32
      scf.for %scan3A_1429 = %scan3A_1052 to %scan3A_1054 step %scan3A_1055  : i32 {
        %get3A = arith.constant 0 : i32
        %get3A_1430 = arith.constant 7 : i32
        %get3A_1431 = arith.index_cast %get3A : i32 to index
        %get3A_1432 = arith.index_cast %get3A_1430 : i32 to index
        %get3A_1433 = arith.index_cast %scan3A_1429 : i32 to index
        %get3A_1434 = arith.constant 0 : index
        %get3A_1435 = tpu.vector_load %arg13[%get3A_1431, %get3A_1432, %get3A_1433, %get3A_1434] {strides = array<i32>} : memref<2x8x50x128xf32, #tpu.memory_space<vmem>>, vector<1x1x1x16xf32>,
        %get3A_1436 = vector.shape_cast %get3A_1435 : vector<1x1x1x16xf32> to vector<16xf32>
        %swap3A = arith.index_cast %scan3A_1429 : i32 to index
        %swap3A_1437 = arith.constant 0 : index
        %swap3A_1438 = tpu.vector_load %arg14[%swap3A, %swap3A_1437] {strides = array<i32>} : memref<50x104xf32, #tpu.memory_space<vmem>>, vector<1x16xf32>,
        %swap3A_1439 = vector.shape_cast %swap3A_1438 : vector<1x16xf32> to vector<16xf32>
        %swap3A_1440 = vector.shape_cast %get3A_1436 : vector<16xf32> to vector<1x16xf32>
        tpu.vector_store %arg14[%swap3A, %swap3A_1437], %swap3A_1440 {strides = array<i32>} : memref<50x104xf32, #tpu.memory_space<vmem>>, vector<1x16xf32>,
        %get3A_1441 = arith.constant 0 : i32
        %get3A_1442 = arith.constant 7 : i32
        %get3A_1443 = arith.index_cast %get3A_1441 : i32 to index
        %get3A_1444 = arith.index_cast %get3A_1442 : i32 to index
        %get3A_1445 = arith.index_cast %scan3A_1429 : i32 to index
        %get3A_1446 = arith.constant 16 : index
        %get3A_1447 = tpu.vector_load %arg13[%get3A_1443, %get3A_1444, %get3A_1445, %get3A_1446] {strides = array<i32>} : memref<2x8x50x128xf32, #tpu.memory_space<vmem>>, vector<1x1x1x16xf32>,
        %get3A_1448 = vector.shape_cast %get3A_1447 : vector<1x1x1x16xf32> to vector<16xf32>
        %swap3A_1449 = arith.index_cast %scan3A_1429 : i32 to index
        %swap3A_1450 = arith.constant 16 : index
        %swap3A_1451 = tpu.vector_load %arg14[%swap3A_1449, %swap3A_1450] {strides = array<i32>} : memref<50x104xf32, #tpu.memory_space<vmem>>, vector<1x16xf32>,
        %swap3A_1452 = vector.shape_cast %swap3A_1451 : vector<1x16xf32> to vector<16xf32>
        %swap3A_1453 = vector.shape_cast %get3A_1448 : vector<16xf32> to vector<1x16xf32>
        tpu.vector_store %arg14[%swap3A_1449, %swap3A_1450], %swap3A_1453 {strides = array<i32>} : memref<50x104xf32, #tpu.memory_space<vmem>>, vector<1x16xf32>,
        %get3A_1454 = arith.constant 0 : i32
        %get3A_1455 = arith.constant 7 : i32
        %get3A_1456 = arith.index_cast %get3A_1454 : i32 to index
        %get3A_1457 = arith.index_cast %get3A_1455 : i32 to index
        %get3A_1458 = arith.index_cast %scan3A_1429 : i32 to index
        %get3A_1459 = arith.constant 32 : index
        %get3A_1460 = tpu.vector_load %arg13[%get3A_1456, %get3A_1457, %get3A_1458, %get3A_1459] {strides = array<i32>} : memref<2x8x50x128xf32, #tpu.memory_space<vmem>>, vector<1x1x1x16xf32>,
        %get3A_1461 = vector.shape_cast %get3A_1460 : vector<1x1x1x16xf32> to vector<16xf32>
        %swap3A_1462 = arith.index_cast %scan3A_1429 : i32 to index
        %swap3A_1463 = arith.constant 32 : index
        %swap3A_1464 = tpu.vector_load %arg14[%swap3A_1462, %swap3A_1463] {strides = array<i32>} : memref<50x104xf32, #tpu.memory_space<vmem>>, vector<1x16xf32>,
        %swap3A_1465 = vector.shape_cast %swap3A_1464 : vector<1x16xf32> to vector<16xf32>
        %swap3A_1466 = vector.shape_cast %get3A_1461 : vector<16xf32> to vector<1x16xf32>
        tpu.vector_store %arg14[%swap3A_1462, %swap3A_1463], %swap3A_1466 {strides = array<i32>} : memref<50x104xf32, #tpu.memory_space<vmem>>, vector<1x16xf32>,
        %get3A_1467 = arith.constant 0 : i32
        %get3A_1468 = arith.constant 7 : i32
        %get3A_1469 = arith.index_cast %get3A_1467 : i32 to index
        %get3A_1470 = arith.index_cast %get3A_1468 : i32 to index
        %get3A_1471 = arith.index_cast %scan3A_1429 : i32 to index
        %get3A_1472 = arith.constant 48 : index
        %get3A_1473 = tpu.vector_load %arg13[%get3A_1469, %get3A_1470, %get3A_1471, %get3A_1472] {strides = array<i32>} : memref<2x8x50x128xf32, #tpu.memory_space<vmem>>, vector<1x1x1x16xf32>,
        %get3A_1474 = vector.shape_cast %get3A_1473 : vector<1x1x1x16xf32> to vector<16xf32>
        %swap3A_1475 = arith.index_cast %scan3A_1429 : i32 to index
        %swap3A_1476 = arith.constant 48 : index
        %swap3A_1477 = tpu.vector_load %arg14[%swap3A_1475, %swap3A_1476] {strides = array<i32>} : memref<50x104xf32, #tpu.memory_space<vmem>>, vector<1x16xf32>,
        %swap3A_1478 = vector.shape_cast %swap3A_1477 : vector<1x16xf32> to vector<16xf32>
        %swap3A_1479 = vector.shape_cast %get3A_1474 : vector<16xf32> to vector<1x16xf32>
        tpu.vector_store %arg14[%swap3A_1475, %swap3A_1476], %swap3A_1479 {strides = array<i32>} : memref<50x104xf32, #tpu.memory_space<vmem>>, vector<1x16xf32>,
        %get3A_1480 = arith.constant 0 : i32
        %get3A_1481 = arith.constant 7 : i32
        %get3A_1482 = arith.index_cast %get3A_1480 : i32 to index
        %get3A_1483 = arith.index_cast %get3A_1481 : i32 to index
        %get3A_1484 = arith.index_cast %scan3A_1429 : i32 to index
        %get3A_1485 = arith.constant 64 : index
        %get3A_1486 = tpu.vector_load %arg13[%get3A_1482, %get3A_1483, %get3A_1484, %get3A_1485] {strides = array<i32>} : memref<2x8x50x128xf32, #tpu.memory_space<vmem>>, vector<1x1x1x16xf32>,
        %get3A_1487 = vector.shape_cast %get3A_1486 : vector<1x1x1x16xf32> to vector<16xf32>
        %swap3A_1488 = arith.index_cast %scan3A_1429 : i32 to index
        %swap3A_1489 = arith.constant 64 : index
        %swap3A_1490 = tpu.vector_load %arg14[%swap3A_1488, %swap3A_1489] {strides = array<i32>} : memref<50x104xf32, #tpu.memory_space<vmem>>, vector<1x16xf32>,
        %swap3A_1491 = vector.shape_cast %swap3A_1490 : vector<1x16xf32> to vector<16xf32>
        %swap3A_1492 = vector.shape_cast %get3A_1487 : vector<16xf32> to vector<1x16xf32>
        tpu.vector_store %arg14[%swap3A_1488, %swap3A_1489], %swap3A_1492 {strides = array<i32>} : memref<50x104xf32, #tpu.memory_space<vmem>>, vector<1x16xf32>,
        %get3A_1493 = arith.constant 0 : i32
        %get3A_1494 = arith.constant 7 : i32
        %get3A_1495 = arith.index_cast %get3A_1493 : i32 to index
        %get3A_1496 = arith.index_cast %get3A_1494 : i32 to index
        %get3A_1497 = arith.index_cast %scan3A_1429 : i32 to index
        %get3A_1498 = arith.constant 80 : index
        %get3A_1499 = tpu.vector_load %arg13[%get3A_1495, %get3A_1496, %get3A_1497, %get3A_1498] {strides = array<i32>} : memref<2x8x50x128xf32, #tpu.memory_space<vmem>>, vector<1x1x1x16xf32>,
        %get3A_1500 = vector.shape_cast %get3A_1499 : vector<1x1x1x16xf32> to vector<16xf32>
        %swap3A_1501 = arith.index_cast %scan3A_1429 : i32 to index
        %swap3A_1502 = arith.constant 80 : index
        %swap3A_1503 = tpu.vector_load %arg14[%swap3A_1501, %swap3A_1502] {strides = array<i32>} : memref<50x104xf32, #tpu.memory_space<vmem>>, vector<1x16xf32>,
        %swap3A_1504 = vector.shape_cast %swap3A_1503 : vector<1x16xf32> to vector<16xf32>
        %swap3A_1505 = vector.shape_cast %get3A_1500 : vector<16xf32> to vector<1x16xf32>
        tpu.vector_store %arg14[%swap3A_1501, %swap3A_1502], %swap3A_1505 {strides = array<i32>} : memref<50x104xf32, #tpu.memory_space<vmem>>, vector<1x16xf32>,
        %get3A_1506 = arith.constant 0 : i32
        %get3A_1507 = arith.constant 7 : i32
        %get3A_1508 = arith.index_cast %get3A_1506 : i32 to index
        %get3A_1509 = arith.index_cast %get3A_1507 : i32 to index
        %get3A_1510 = arith.index_cast %scan3A_1429 : i32 to index
        %get3A_1511 = arith.constant 88 : index
        %get3A_1512 = tpu.vector_load %arg13[%get3A_1508, %get3A_1509, %get3A_1510, %get3A_1511] {strides = array<i32>} : memref<2x8x50x128xf32, #tpu.memory_space<vmem>>, vector<1x1x1x16xf32>,
        %get3A_1513 = vector.shape_cast %get3A_1512 : vector<1x1x1x16xf32> to vector<16xf32>
        %swap3A_1514 = arith.index_cast %scan3A_1429 : i32 to index
        %swap3A_1515 = arith.constant 88 : index
        %swap3A_1516 = tpu.vector_load %arg14[%swap3A_1514, %swap3A_1515] {strides = array<i32>} : memref<50x104xf32, #tpu.memory_space<vmem>>, vector<1x16xf32>,
        %swap3A_1517 = vector.shape_cast %swap3A_1516 : vector<1x16xf32> to vector<16xf32>
        %swap3A_1518 = vector.shape_cast %get3A_1513 : vector<16xf32> to vector<1x16xf32>
        tpu.vector_store %arg14[%swap3A_1514, %swap3A_1515], %swap3A_1518 {strides = array<i32>} : memref<50x104xf32, #tpu.memory_space<vmem>>, vector<1x16xf32>,
      }
      %scan3A_1056 = arith.constant 50 : i32
      %dma_start3A_1057 = arith.constant 0 : i32
      %dma_start3A_1058 = arith.constant 0 : i32
      %dma_start3A_1059 = tpu.memref_slice %arg11[%add3A_731, %dma_start3A_1057, %dma_start3A_1058] : memref<4096x50x1000xf32, #tpu.memory_space<hbm>> -> memref<1x50x1000xf32, #tpu.memory_space<hbm>>
      %dma_start3A_1060 = tpu.memref_squeeze %dma_start3A_1059 : memref<1x50x1000xf32, #tpu.memory_space<hbm>> -> memref<50x1000xf32, #tpu.memory_space<hbm>>
      %dma_start3A_1061 = arith.constant 0 : i32
      %dma_start3A_1062 = arith.constant 896 : i32
      %dma_start3A_1063 = tpu.memref_slice %dma_start3A_1060[%dma_start3A_1061, %dma_start3A_1062] : memref<50x1000xf32, #tpu.memory_space<hbm>> -> memref<50x104xf32, #tpu.memory_space<hbm>>
      %dma_start3A_1064 = arith.constant 0 : i32
      %dma_start3A_1065 = arith.constant 0 : i32
      %dma_start3A_1066 = tpu.memref_slice %arg11[%add3A_731, %dma_start3A_1064, %dma_start3A_1065] : memref<4096x50x1000xf32, #tpu.memory_space<hbm>> -> memref<1x50x1000xf32, #tpu.memory_space<hbm>>
      %dma_start3A_1067 = tpu.memref_squeeze %dma_start3A_1066 : memref<1x50x1000xf32, #tpu.memory_space<hbm>> -> memref<50x1000xf32, #tpu.memory_space<hbm>>
      %dma_start3A_1068 = arith.constant 0 : i32
      %dma_start3A_1069 = arith.constant 896 : i32
      %dma_start3A_1070 = tpu.memref_slice %dma_start3A_1067[%dma_start3A_1068, %dma_start3A_1069] : memref<50x1000xf32, #tpu.memory_space<hbm>> -> memref<50x104xf32, #tpu.memory_space<hbm>>
      tpu.enqueue_dma source(%arg14 : memref<50x104xf32, #tpu.memory_space<vmem>>) target(%dma_start3A_1070 : memref<50x104xf32, #tpu.memory_space<hbm>>) target_semaphore(%arg17 : memref<!tpu.dma_semaphore, #tpu.memory_space<semaphore_mem>>)
      %add3A_1071 = arith.constant 2 : i32
      %add3A_1072 = arith.addi %add3A_730, %add3A_1071 : i32
      %lt3A = arith.constant 128 : i32
      %lt3A_1073 = arith.cmpi slt, %add3A_1072, %lt3A : i32
      %convert_element_type3A_1074 = arith.extui %lt3A_1073 : i1 to i32
      %cond3A_1075 = arith.constant 0 : i32
      %cond3A_1076 = arith.cmpi ne, %convert_element_type3A_1074, %cond3A_1075 : i32
      scf.if %cond3A_1076 {
        %dma_wait3A_1429 = arith.constant 0 : i32
        %dma_wait3A_1430 = arith.constant 0 : i32
        %dma_wait3A_1431 = arith.constant 0 : i32
        %dma_wait3A_1432 = arith.constant 0 : i32
        %dma_wait3A_1433 = arith.constant 0 : i32
        %dma_wait3A_1434 = tpu.memref_slice %arg13[%dma_wait3A_1429, %dma_wait3A_1430, %dma_wait3A_1432, %dma_wait3A_1433] : memref<2x8x50x128xf32, #tpu.memory_space<vmem>> -> memref<1x1x50x128xf32, #tpu.memory_space<vmem>>
        %dma_wait3A_1435 = tpu.memref_squeeze %dma_wait3A_1434 : memref<1x1x50x128xf32, #tpu.memory_space<vmem>> -> memref<50x128xf32, #tpu.memory_space<vmem>>
        %dma_wait3A_1436 = arith.constant 0 : i32
        %dma_wait3A_1437 = arith.constant 0 : i32
        %dma_wait3A_1438 = tpu.memref_slice %arg11[%add3A_731, %dma_wait3A_1436, %dma_wait3A_1437] : memref<4096x50x1000xf32, #tpu.memory_space<hbm>> -> memref<1x50x1000xf32, #tpu.memory_space<hbm>>
        %dma_wait3A_1439 = tpu.memref_squeeze %dma_wait3A_1438 : memref<1x50x1000xf32, #tpu.memory_space<hbm>> -> memref<50x1000xf32, #tpu.memory_space<hbm>>
        %dma_wait3A_1440 = arith.constant 0 : i32
        %dma_wait3A_1441 = arith.constant 0 : i32
        %dma_wait3A_1442 = tpu.memref_slice %dma_wait3A_1439[%dma_wait3A_1440, %dma_wait3A_1441] : memref<50x1000xf32, #tpu.memory_space<hbm>> -> memref<50x128xf32, #tpu.memory_space<hbm>>
        %dma_wait3A_1443 = tpu.memref_slice %arg16[%dma_wait3A_1431] : memref<2x!tpu.dma_semaphore, #tpu.memory_space<semaphore_mem>> -> memref<1x!tpu.dma_semaphore, #tpu.memory_space<semaphore_mem>>
        %dma_wait3A_1444 = tpu.memref_squeeze %dma_wait3A_1443 : memref<1x!tpu.dma_semaphore, #tpu.memory_space<semaphore_mem>> -> memref<!tpu.dma_semaphore, #tpu.memory_space<semaphore_mem>>
        %dma_wait3A_1445 = arith.constant 0 : i32
        %dma_wait3A_1446 = arith.constant 0 : i32
        %dma_wait3A_1447 = tpu.memref_slice %arg11[%add3A_731, %dma_wait3A_1445, %dma_wait3A_1446] : memref<4096x50x1000xf32, #tpu.memory_space<hbm>> -> memref<1x50x1000xf32, #tpu.memory_space<hbm>>
        %dma_wait3A_1448 = tpu.memref_squeeze %dma_wait3A_1447 : memref<1x50x1000xf32, #tpu.memory_space<hbm>> -> memref<50x1000xf32, #tpu.memory_space<hbm>>
        %dma_wait3A_1449 = arith.constant 0 : i32
        %dma_wait3A_1450 = arith.constant 0 : i32
        %dma_wait3A_1451 = tpu.memref_slice %dma_wait3A_1448[%dma_wait3A_1449, %dma_wait3A_1450] : memref<50x1000xf32, #tpu.memory_space<hbm>> -> memref<50x128xf32, #tpu.memory_space<hbm>>
        %dma_wait3A_1452 = arith.constant 0 : i32
        %dma_wait3A_1453 = arith.constant 0 : i32
        %dma_wait3A_1454 = tpu.memref_slice %arg13[%dma_wait3A_1429, %dma_wait3A_1430, %dma_wait3A_1452, %dma_wait3A_1453] : memref<2x8x50x128xf32, #tpu.memory_space<vmem>> -> memref<1x1x50x128xf32, #tpu.memory_space<vmem>>
        %dma_wait3A_1455 = tpu.memref_squeeze %dma_wait3A_1454 : memref<1x1x50x128xf32, #tpu.memory_space<vmem>> -> memref<50x128xf32, #tpu.memory_space<vmem>>
        tpu.wait_dma2 semaphore(%dma_wait3A_1444 : memref<!tpu.dma_semaphore, #tpu.memory_space<semaphore_mem>>) src(%dma_wait3A_1455 : memref<50x128xf32, #tpu.memory_space<vmem>>) dst(%dma_wait3A_1451 : memref<50x128xf32, #tpu.memory_space<hbm>>)
        %dma_wait3A_1456 = arith.constant 0 : i32
        %dma_wait3A_1457 = arith.constant 1 : i32
        %dma_wait3A_1458 = arith.constant 0 : i32
        %dma_wait3A_1459 = arith.constant 0 : i32
        %dma_wait3A_1460 = arith.constant 0 : i32
        %dma_wait3A_1461 = tpu.memref_slice %arg13[%dma_wait3A_1456, %dma_wait3A_1457, %dma_wait3A_1459, %dma_wait3A_1460] : memref<2x8x50x128xf32, #tpu.memory_space<vmem>> -> memref<1x1x50x128xf32, #tpu.memory_space<vmem>>
        %dma_wait3A_1462 = tpu.memref_squeeze %dma_wait3A_1461 : memref<1x1x50x128xf32, #tpu.memory_space<vmem>> -> memref<50x128xf32, #tpu.memory_space<vmem>>
        %dma_wait3A_1463 = arith.constant 0 : i32
        %dma_wait3A_1464 = arith.constant 0 : i32
        %dma_wait3A_1465 = tpu.memref_slice %arg11[%add3A_731, %dma_wait3A_1463, %dma_wait3A_1464] : memref<4096x50x1000xf32, #tpu.memory_space<hbm>> -> memref<1x50x1000xf32, #tpu.memory_space<hbm>>
        %dma_wait3A_1466 = tpu.memref_squeeze %dma_wait3A_1465 : memref<1x50x1000xf32, #tpu.memory_space<hbm>> -> memref<50x1000xf32, #tpu.memory_space<hbm>>
        %dma_wait3A_1467 = arith.constant 0 : i32
        %dma_wait3A_1468 = arith.constant 128 : i32
        %dma_wait3A_1469 = tpu.memref_slice %dma_wait3A_1466[%dma_wait3A_1467, %dma_wait3A_1468] : memref<50x1000xf32, #tpu.memory_space<hbm>> -> memref<50x128xf32, #tpu.memory_space<hbm>>
        %dma_wait3A_1470 = tpu.memref_slice %arg16[%dma_wait3A_1458] : memref<2x!tpu.dma_semaphore, #tpu.memory_space<semaphore_mem>> -> memref<1x!tpu.dma_semaphore, #tpu.memory_space<semaphore_mem>>
        %dma_wait3A_1471 = tpu.memref_squeeze %dma_wait3A_1470 : memref<1x!tpu.dma_semaphore, #tpu.memory_space<semaphore_mem>> -> memref<!tpu.dma_semaphore, #tpu.memory_space<semaphore_mem>>
        %dma_wait3A_1472 = arith.constant 0 : i32
        %dma_wait3A_1473 = arith.constant 0 : i32
        %dma_wait3A_1474 = tpu.memref_slice %arg11[%add3A_731, %dma_wait3A_1472, %dma_wait3A_1473] : memref<4096x50x1000xf32, #tpu.memory_space<hbm>> -> memref<1x50x1000xf32, #tpu.memory_space<hbm>>
        %dma_wait3A_1475 = tpu.memref_squeeze %dma_wait3A_1474 : memref<1x50x1000xf32, #tpu.memory_space<hbm>> -> memref<50x1000xf32, #tpu.memory_space<hbm>>
        %dma_wait3A_1476 = arith.constant 0 : i32
        %dma_wait3A_1477 = arith.constant 128 : i32
        %dma_wait3A_1478 = tpu.memref_slice %dma_wait3A_1475[%dma_wait3A_1476, %dma_wait3A_1477] : memref<50x1000xf32, #tpu.memory_space<hbm>> -> memref<50x128xf32, #tpu.memory_space<hbm>>
        %dma_wait3A_1479 = arith.constant 0 : i32
        %dma_wait3A_1480 = arith.constant 0 : i32
        %dma_wait3A_1481 = tpu.memref_slice %arg13[%dma_wait3A_1456, %dma_wait3A_1457, %dma_wait3A_1479, %dma_wait3A_1480] : memref<2x8x50x128xf32, #tpu.memory_space<vmem>> -> memref<1x1x50x128xf32, #tpu.memory_space<vmem>>
        %dma_wait3A_1482 = tpu.memref_squeeze %dma_wait3A_1481 : memref<1x1x50x128xf32, #tpu.memory_space<vmem>> -> memref<50x128xf32, #tpu.memory_space<vmem>>
        tpu.wait_dma2 semaphore(%dma_wait3A_1471 : memref<!tpu.dma_semaphore, #tpu.memory_space<semaphore_mem>>) src(%dma_wait3A_1482 : memref<50x128xf32, #tpu.memory_space<vmem>>) dst(%dma_wait3A_1478 : memref<50x128xf32, #tpu.memory_space<hbm>>)
        %dma_wait3A_1483 = arith.constant 0 : i32
        %dma_wait3A_1484 = arith.constant 2 : i32
        %dma_wait3A_1485 = arith.constant 0 : i32
        %dma_wait3A_1486 = arith.constant 0 : i32
        %dma_wait3A_1487 = arith.constant 0 : i32
        %dma_wait3A_1488 = tpu.memref_slice %arg13[%dma_wait3A_1483, %dma_wait3A_1484, %dma_wait3A_1486, %dma_wait3A_1487] : memref<2x8x50x128xf32, #tpu.memory_space<vmem>> -> memref<1x1x50x128xf32, #tpu.memory_space<vmem>>
        %dma_wait3A_1489 = tpu.memref_squeeze %dma_wait3A_1488 : memref<1x1x50x128xf32, #tpu.memory_space<vmem>> -> memref<50x128xf32, #tpu.memory_space<vmem>>
        %dma_wait3A_1490 = arith.constant 0 : i32
        %dma_wait3A_1491 = arith.constant 0 : i32
        %dma_wait3A_1492 = tpu.memref_slice %arg11[%add3A_731, %dma_wait3A_1490, %dma_wait3A_1491] : memref<4096x50x1000xf32, #tpu.memory_space<hbm>> -> memref<1x50x1000xf32, #tpu.memory_space<hbm>>
        %dma_wait3A_1493 = tpu.memref_squeeze %dma_wait3A_1492 : memref<1x50x1000xf32, #tpu.memory_space<hbm>> -> memref<50x1000xf32, #tpu.memory_space<hbm>>
        %dma_wait3A_1494 = arith.constant 0 : i32
        %dma_wait3A_1495 = arith.constant 256 : i32
        %dma_wait3A_1496 = tpu.memref_slice %dma_wait3A_1493[%dma_wait3A_1494, %dma_wait3A_1495] : memref<50x1000xf32, #tpu.memory_space<hbm>> -> memref<50x128xf32, #tpu.memory_space<hbm>>
        %dma_wait3A_1497 = tpu.memref_slice %arg16[%dma_wait3A_1485] : memref<2x!tpu.dma_semaphore, #tpu.memory_space<semaphore_mem>> -> memref<1x!tpu.dma_semaphore, #tpu.memory_space<semaphore_mem>>
        %dma_wait3A_1498 = tpu.memref_squeeze %dma_wait3A_1497 : memref<1x!tpu.dma_semaphore, #tpu.memory_space<semaphore_mem>> -> memref<!tpu.dma_semaphore, #tpu.memory_space<semaphore_mem>>
        %dma_wait3A_1499 = arith.constant 0 : i32
        %dma_wait3A_1500 = arith.constant 0 : i32
        %dma_wait3A_1501 = tpu.memref_slice %arg11[%add3A_731, %dma_wait3A_1499, %dma_wait3A_1500] : memref<4096x50x1000xf32, #tpu.memory_space<hbm>> -> memref<1x50x1000xf32, #tpu.memory_space<hbm>>
        %dma_wait3A_1502 = tpu.memref_squeeze %dma_wait3A_1501 : memref<1x50x1000xf32, #tpu.memory_space<hbm>> -> memref<50x1000xf32, #tpu.memory_space<hbm>>
        %dma_wait3A_1503 = arith.constant 0 : i32
        %dma_wait3A_1504 = arith.constant 256 : i32
        %dma_wait3A_1505 = tpu.memref_slice %dma_wait3A_1502[%dma_wait3A_1503, %dma_wait3A_1504] : memref<50x1000xf32, #tpu.memory_space<hbm>> -> memref<50x128xf32, #tpu.memory_space<hbm>>
        %dma_wait3A_1506 = arith.constant 0 : i32
        %dma_wait3A_1507 = arith.constant 0 : i32
        %dma_wait3A_1508 = tpu.memref_slice %arg13[%dma_wait3A_1483, %dma_wait3A_1484, %dma_wait3A_1506, %dma_wait3A_1507] : memref<2x8x50x128xf32, #tpu.memory_space<vmem>> -> memref<1x1x50x128xf32, #tpu.memory_space<vmem>>
        %dma_wait3A_1509 = tpu.memref_squeeze %dma_wait3A_1508 : memref<1x1x50x128xf32, #tpu.memory_space<vmem>> -> memref<50x128xf32, #tpu.memory_space<vmem>>
        tpu.wait_dma2 semaphore(%dma_wait3A_1498 : memref<!tpu.dma_semaphore, #tpu.memory_space<semaphore_mem>>) src(%dma_wait3A_1509 : memref<50x128xf32, #tpu.memory_space<vmem>>) dst(%dma_wait3A_1505 : memref<50x128xf32, #tpu.memory_space<hbm>>)
        %dma_wait3A_1510 = arith.constant 0 : i32
        %dma_wait3A_1511 = arith.constant 3 : i32
        %dma_wait3A_1512 = arith.constant 0 : i32
        %dma_wait3A_1513 = arith.constant 0 : i32
        %dma_wait3A_1514 = arith.constant 0 : i32
        %dma_wait3A_1515 = tpu.memref_slice %arg13[%dma_wait3A_1510, %dma_wait3A_1511, %dma_wait3A_1513, %dma_wait3A_1514] : memref<2x8x50x128xf32, #tpu.memory_space<vmem>> -> memref<1x1x50x128xf32, #tpu.memory_space<vmem>>
        %dma_wait3A_1516 = tpu.memref_squeeze %dma_wait3A_1515 : memref<1x1x50x128xf32, #tpu.memory_space<vmem>> -> memref<50x128xf32, #tpu.memory_space<vmem>>
        %dma_wait3A_1517 = arith.constant 0 : i32
        %dma_wait3A_1518 = arith.constant 0 : i32
        %dma_wait3A_1519 = tpu.memref_slice %arg11[%add3A_731, %dma_wait3A_1517, %dma_wait3A_1518] : memref<4096x50x1000xf32, #tpu.memory_space<hbm>> -> memref<1x50x1000xf32, #tpu.memory_space<hbm>>
        %dma_wait3A_1520 = tpu.memref_squeeze %dma_wait3A_1519 : memref<1x50x1000xf32, #tpu.memory_space<hbm>> -> memref<50x1000xf32, #tpu.memory_space<hbm>>
        %dma_wait3A_1521 = arith.constant 0 : i32
        %dma_wait3A_1522 = arith.constant 384 : i32
        %dma_wait3A_1523 = tpu.memref_slice %dma_wait3A_1520[%dma_wait3A_1521, %dma_wait3A_1522] : memref<50x1000xf32, #tpu.memory_space<hbm>> -> memref<50x128xf32, #tpu.memory_space<hbm>>
        %dma_wait3A_1524 = tpu.memref_slice %arg16[%dma_wait3A_1512] : memref<2x!tpu.dma_semaphore, #tpu.memory_space<semaphore_mem>> -> memref<1x!tpu.dma_semaphore, #tpu.memory_space<semaphore_mem>>
        %dma_wait3A_1525 = tpu.memref_squeeze %dma_wait3A_1524 : memref<1x!tpu.dma_semaphore, #tpu.memory_space<semaphore_mem>> -> memref<!tpu.dma_semaphore, #tpu.memory_space<semaphore_mem>>
        %dma_wait3A_1526 = arith.constant 0 : i32
        %dma_wait3A_1527 = arith.constant 0 : i32
        %dma_wait3A_1528 = tpu.memref_slice %arg11[%add3A_731, %dma_wait3A_1526, %dma_wait3A_1527] : memref<4096x50x1000xf32, #tpu.memory_space<hbm>> -> memref<1x50x1000xf32, #tpu.memory_space<hbm>>
        %dma_wait3A_1529 = tpu.memref_squeeze %dma_wait3A_1528 : memref<1x50x1000xf32, #tpu.memory_space<hbm>> -> memref<50x1000xf32, #tpu.memory_space<hbm>>
        %dma_wait3A_1530 = arith.constant 0 : i32
        %dma_wait3A_1531 = arith.constant 384 : i32
        %dma_wait3A_1532 = tpu.memref_slice %dma_wait3A_1529[%dma_wait3A_1530, %dma_wait3A_1531] : memref<50x1000xf32, #tpu.memory_space<hbm>> -> memref<50x128xf32, #tpu.memory_space<hbm>>
        %dma_wait3A_1533 = arith.constant 0 : i32
        %dma_wait3A_1534 = arith.constant 0 : i32
        %dma_wait3A_1535 = tpu.memref_slice %arg13[%dma_wait3A_1510, %dma_wait3A_1511, %dma_wait3A_1533, %dma_wait3A_1534] : memref<2x8x50x128xf32, #tpu.memory_space<vmem>> -> memref<1x1x50x128xf32, #tpu.memory_space<vmem>>
        %dma_wait3A_1536 = tpu.memref_squeeze %dma_wait3A_1535 : memref<1x1x50x128xf32, #tpu.memory_space<vmem>> -> memref<50x128xf32, #tpu.memory_space<vmem>>
        tpu.wait_dma2 semaphore(%dma_wait3A_1525 : memref<!tpu.dma_semaphore, #tpu.memory_space<semaphore_mem>>) src(%dma_wait3A_1536 : memref<50x128xf32, #tpu.memory_space<vmem>>) dst(%dma_wait3A_1532 : memref<50x128xf32, #tpu.memory_space<hbm>>)
        %dma_wait3A_1537 = arith.constant 0 : i32
        %dma_wait3A_1538 = arith.constant 4 : i32
        %dma_wait3A_1539 = arith.constant 0 : i32
        %dma_wait3A_1540 = arith.constant 0 : i32
        %dma_wait3A_1541 = arith.constant 0 : i32
        %dma_wait3A_1542 = tpu.memref_slice %arg13[%dma_wait3A_1537, %dma_wait3A_1538, %dma_wait3A_1540, %dma_wait3A_1541] : memref<2x8x50x128xf32, #tpu.memory_space<vmem>> -> memref<1x1x50x128xf32, #tpu.memory_space<vmem>>
        %dma_wait3A_1543 = tpu.memref_squeeze %dma_wait3A_1542 : memref<1x1x50x128xf32, #tpu.memory_space<vmem>> -> memref<50x128xf32, #tpu.memory_space<vmem>>
        %dma_wait3A_1544 = arith.constant 0 : i32
        %dma_wait3A_1545 = arith.constant 0 : i32
        %dma_wait3A_1546 = tpu.memref_slice %arg11[%add3A_731, %dma_wait3A_1544, %dma_wait3A_1545] : memref<4096x50x1000xf32, #tpu.memory_space<hbm>> -> memref<1x50x1000xf32, #tpu.memory_space<hbm>>
        %dma_wait3A_1547 = tpu.memref_squeeze %dma_wait3A_1546 : memref<1x50x1000xf32, #tpu.memory_space<hbm>> -> memref<50x1000xf32, #tpu.memory_space<hbm>>
        %dma_wait3A_1548 = arith.constant 0 : i32
        %dma_wait3A_1549 = arith.constant 512 : i32
        %dma_wait3A_1550 = tpu.memref_slice %dma_wait3A_1547[%dma_wait3A_1548, %dma_wait3A_1549] : memref<50x1000xf32, #tpu.memory_space<hbm>> -> memref<50x128xf32, #tpu.memory_space<hbm>>
        %dma_wait3A_1551 = tpu.memref_slice %arg16[%dma_wait3A_1539] : memref<2x!tpu.dma_semaphore, #tpu.memory_space<semaphore_mem>> -> memref<1x!tpu.dma_semaphore, #tpu.memory_space<semaphore_mem>>
        %dma_wait3A_1552 = tpu.memref_squeeze %dma_wait3A_1551 : memref<1x!tpu.dma_semaphore, #tpu.memory_space<semaphore_mem>> -> memref<!tpu.dma_semaphore, #tpu.memory_space<semaphore_mem>>
        %dma_wait3A_1553 = arith.constant 0 : i32
        %dma_wait3A_1554 = arith.constant 0 : i32
        %dma_wait3A_1555 = tpu.memref_slice %arg11[%add3A_731, %dma_wait3A_1553, %dma_wait3A_1554] : memref<4096x50x1000xf32, #tpu.memory_space<hbm>> -> memref<1x50x1000xf32, #tpu.memory_space<hbm>>
        %dma_wait3A_1556 = tpu.memref_squeeze %dma_wait3A_1555 : memref<1x50x1000xf32, #tpu.memory_space<hbm>> -> memref<50x1000xf32, #tpu.memory_space<hbm>>
        %dma_wait3A_1557 = arith.constant 0 : i32
        %dma_wait3A_1558 = arith.constant 512 : i32
        %dma_wait3A_1559 = tpu.memref_slice %dma_wait3A_1556[%dma_wait3A_1557, %dma_wait3A_1558] : memref<50x1000xf32, #tpu.memory_space<hbm>> -> memref<50x128xf32, #tpu.memory_space<hbm>>
        %dma_wait3A_1560 = arith.constant 0 : i32
        %dma_wait3A_1561 = arith.constant 0 : i32
        %dma_wait3A_1562 = tpu.memref_slice %arg13[%dma_wait3A_1537, %dma_wait3A_1538, %dma_wait3A_1560, %dma_wait3A_1561] : memref<2x8x50x128xf32, #tpu.memory_space<vmem>> -> memref<1x1x50x128xf32, #tpu.memory_space<vmem>>
        %dma_wait3A_1563 = tpu.memref_squeeze %dma_wait3A_1562 : memref<1x1x50x128xf32, #tpu.memory_space<vmem>> -> memref<50x128xf32, #tpu.memory_space<vmem>>
        tpu.wait_dma2 semaphore(%dma_wait3A_1552 : memref<!tpu.dma_semaphore, #tpu.memory_space<semaphore_mem>>) src(%dma_wait3A_1563 : memref<50x128xf32, #tpu.memory_space<vmem>>) dst(%dma_wait3A_1559 : memref<50x128xf32, #tpu.memory_space<hbm>>)
        %dma_wait3A_1564 = arith.constant 0 : i32
        %dma_wait3A_1565 = arith.constant 5 : i32
        %dma_wait3A_1566 = arith.constant 0 : i32
        %dma_wait3A_1567 = arith.constant 0 : i32
        %dma_wait3A_1568 = arith.constant 0 : i32
        %dma_wait3A_1569 = tpu.memref_slice %arg13[%dma_wait3A_1564, %dma_wait3A_1565, %dma_wait3A_1567, %dma_wait3A_1568] : memref<2x8x50x128xf32, #tpu.memory_space<vmem>> -> memref<1x1x50x128xf32, #tpu.memory_space<vmem>>
        %dma_wait3A_1570 = tpu.memref_squeeze %dma_wait3A_1569 : memref<1x1x50x128xf32, #tpu.memory_space<vmem>> -> memref<50x128xf32, #tpu.memory_space<vmem>>
        %dma_wait3A_1571 = arith.constant 0 : i32
        %dma_wait3A_1572 = arith.constant 0 : i32
        %dma_wait3A_1573 = tpu.memref_slice %arg11[%add3A_731, %dma_wait3A_1571, %dma_wait3A_1572] : memref<4096x50x1000xf32, #tpu.memory_space<hbm>> -> memref<1x50x1000xf32, #tpu.memory_space<hbm>>
        %dma_wait3A_1574 = tpu.memref_squeeze %dma_wait3A_1573 : memref<1x50x1000xf32, #tpu.memory_space<hbm>> -> memref<50x1000xf32, #tpu.memory_space<hbm>>
        %dma_wait3A_1575 = arith.constant 0 : i32
        %dma_wait3A_1576 = arith.constant 640 : i32
        %dma_wait3A_1577 = tpu.memref_slice %dma_wait3A_1574[%dma_wait3A_1575, %dma_wait3A_1576] : memref<50x1000xf32, #tpu.memory_space<hbm>> -> memref<50x128xf32, #tpu.memory_space<hbm>>
        %dma_wait3A_1578 = tpu.memref_slice %arg16[%dma_wait3A_1566] : memref<2x!tpu.dma_semaphore, #tpu.memory_space<semaphore_mem>> -> memref<1x!tpu.dma_semaphore, #tpu.memory_space<semaphore_mem>>
        %dma_wait3A_1579 = tpu.memref_squeeze %dma_wait3A_1578 : memref<1x!tpu.dma_semaphore, #tpu.memory_space<semaphore_mem>> -> memref<!tpu.dma_semaphore, #tpu.memory_space<semaphore_mem>>
        %dma_wait3A_1580 = arith.constant 0 : i32
        %dma_wait3A_1581 = arith.constant 0 : i32
        %dma_wait3A_1582 = tpu.memref_slice %arg11[%add3A_731, %dma_wait3A_1580, %dma_wait3A_1581] : memref<4096x50x1000xf32, #tpu.memory_space<hbm>> -> memref<1x50x1000xf32, #tpu.memory_space<hbm>>
        %dma_wait3A_1583 = tpu.memref_squeeze %dma_wait3A_1582 : memref<1x50x1000xf32, #tpu.memory_space<hbm>> -> memref<50x1000xf32, #tpu.memory_space<hbm>>
        %dma_wait3A_1584 = arith.constant 0 : i32
        %dma_wait3A_1585 = arith.constant 640 : i32
        %dma_wait3A_1586 = tpu.memref_slice %dma_wait3A_1583[%dma_wait3A_1584, %dma_wait3A_1585] : memref<50x1000xf32, #tpu.memory_space<hbm>> -> memref<50x128xf32, #tpu.memory_space<hbm>>
        %dma_wait3A_1587 = arith.constant 0 : i32
        %dma_wait3A_1588 = arith.constant 0 : i32
        %dma_wait3A_1589 = tpu.memref_slice %arg13[%dma_wait3A_1564, %dma_wait3A_1565, %dma_wait3A_1587, %dma_wait3A_1588] : memref<2x8x50x128xf32, #tpu.memory_space<vmem>> -> memref<1x1x50x128xf32, #tpu.memory_space<vmem>>
        %dma_wait3A_1590 = tpu.memref_squeeze %dma_wait3A_1589 : memref<1x1x50x128xf32, #tpu.memory_space<vmem>> -> memref<50x128xf32, #tpu.memory_space<vmem>>
        tpu.wait_dma2 semaphore(%dma_wait3A_1579 : memref<!tpu.dma_semaphore, #tpu.memory_space<semaphore_mem>>) src(%dma_wait3A_1590 : memref<50x128xf32, #tpu.memory_space<vmem>>) dst(%dma_wait3A_1586 : memref<50x128xf32, #tpu.memory_space<hbm>>)
        %dma_wait3A_1591 = arith.constant 0 : i32
        %dma_wait3A_1592 = arith.constant 6 : i32
        %dma_wait3A_1593 = arith.constant 0 : i32
        %dma_wait3A_1594 = arith.constant 0 : i32
        %dma_wait3A_1595 = arith.constant 0 : i32
        %dma_wait3A_1596 = tpu.memref_slice %arg13[%dma_wait3A_1591, %dma_wait3A_1592, %dma_wait3A_1594, %dma_wait3A_1595] : memref<2x8x50x128xf32, #tpu.memory_space<vmem>> -> memref<1x1x50x128xf32, #tpu.memory_space<vmem>>
        %dma_wait3A_1597 = tpu.memref_squeeze %dma_wait3A_1596 : memref<1x1x50x128xf32, #tpu.memory_space<vmem>> -> memref<50x128xf32, #tpu.memory_space<vmem>>
        %dma_wait3A_1598 = arith.constant 0 : i32
        %dma_wait3A_1599 = arith.constant 0 : i32
        %dma_wait3A_1600 = tpu.memref_slice %arg11[%add3A_731, %dma_wait3A_1598, %dma_wait3A_1599] : memref<4096x50x1000xf32, #tpu.memory_space<hbm>> -> memref<1x50x1000xf32, #tpu.memory_space<hbm>>
        %dma_wait3A_1601 = tpu.memref_squeeze %dma_wait3A_1600 : memref<1x50x1000xf32, #tpu.memory_space<hbm>> -> memref<50x1000xf32, #tpu.memory_space<hbm>>
        %dma_wait3A_1602 = arith.constant 0 : i32
        %dma_wait3A_1603 = arith.constant 768 : i32
        %dma_wait3A_1604 = tpu.memref_slice %dma_wait3A_1601[%dma_wait3A_1602, %dma_wait3A_1603] : memref<50x1000xf32, #tpu.memory_space<hbm>> -> memref<50x128xf32, #tpu.memory_space<hbm>>
        %dma_wait3A_1605 = tpu.memref_slice %arg16[%dma_wait3A_1593] : memref<2x!tpu.dma_semaphore, #tpu.memory_space<semaphore_mem>> -> memref<1x!tpu.dma_semaphore, #tpu.memory_space<semaphore_mem>>
        %dma_wait3A_1606 = tpu.memref_squeeze %dma_wait3A_1605 : memref<1x!tpu.dma_semaphore, #tpu.memory_space<semaphore_mem>> -> memref<!tpu.dma_semaphore, #tpu.memory_space<semaphore_mem>>
        %dma_wait3A_1607 = arith.constant 0 : i32
        %dma_wait3A_1608 = arith.constant 0 : i32
        %dma_wait3A_1609 = tpu.memref_slice %arg11[%add3A_731, %dma_wait3A_1607, %dma_wait3A_1608] : memref<4096x50x1000xf32, #tpu.memory_space<hbm>> -> memref<1x50x1000xf32, #tpu.memory_space<hbm>>
        %dma_wait3A_1610 = tpu.memref_squeeze %dma_wait3A_1609 : memref<1x50x1000xf32, #tpu.memory_space<hbm>> -> memref<50x1000xf32, #tpu.memory_space<hbm>>
        %dma_wait3A_1611 = arith.constant 0 : i32
        %dma_wait3A_1612 = arith.constant 768 : i32
        %dma_wait3A_1613 = tpu.memref_slice %dma_wait3A_1610[%dma_wait3A_1611, %dma_wait3A_1612] : memref<50x1000xf32, #tpu.memory_space<hbm>> -> memref<50x128xf32, #tpu.memory_space<hbm>>
        %dma_wait3A_1614 = arith.constant 0 : i32
        %dma_wait3A_1615 = arith.constant 0 : i32
        %dma_wait3A_1616 = tpu.memref_slice %arg13[%dma_wait3A_1591, %dma_wait3A_1592, %dma_wait3A_1614, %dma_wait3A_1615] : memref<2x8x50x128xf32, #tpu.memory_space<vmem>> -> memref<1x1x50x128xf32, #tpu.memory_space<vmem>>
        %dma_wait3A_1617 = tpu.memref_squeeze %dma_wait3A_1616 : memref<1x1x50x128xf32, #tpu.memory_space<vmem>> -> memref<50x128xf32, #tpu.memory_space<vmem>>
        tpu.wait_dma2 semaphore(%dma_wait3A_1606 : memref<!tpu.dma_semaphore, #tpu.memory_space<semaphore_mem>>) src(%dma_wait3A_1617 : memref<50x128xf32, #tpu.memory_space<vmem>>) dst(%dma_wait3A_1613 : memref<50x128xf32, #tpu.memory_space<hbm>>)
        %add3A_1618 = arith.constant 2 : i32
        %add3A_1619 = arith.addi %add3A_730, %add3A_1618 : i32
        %mul3A_1620 = arith.constant 56 : i32
        %mul3A_1621 = arith.muli %add3A_1619, %mul3A_1620 : i32
        %multiple_of3A_1622 = tpu.assume_multiple %mul3A_1621, 8 : i32
        %dma_start3A_1623 = arith.constant 0 : i32
        %dma_start3A_1624 = arith.constant 0 : i32
        %dma_start3A_1625 = arith.constant 0 : i32
        %dma_start3A_1626 = arith.constant 0 : i32
        %dma_start3A_1627 = arith.constant 0 : i32
        %dma_start3A_1628 = tpu.memref_slice %arg13[%dma_start3A_1623, %dma_start3A_1624, %dma_start3A_1626, %dma_start3A_1627] : memref<2x8x50x128xf32, #tpu.memory_space<vmem>> -> memref<1x1x50x128xf32, #tpu.memory_space<vmem>>
        %dma_start3A_1629 = tpu.memref_squeeze %dma_start3A_1628 : memref<1x1x50x128xf32, #tpu.memory_space<vmem>> -> memref<50x128xf32, #tpu.memory_space<vmem>>
        %dma_start3A_1630 = tpu.memref_slice %arg12[%multiple_of3A_1622] : memref<7168xi32, #tpu.memory_space<vmem>> -> memref<50xi32, #tpu.memory_space<vmem>>
        %dma_start3A_1631 = arith.constant 0 : i32
        %dma_start3A_1632 = arith.constant 0 : i32
        %dma_start3A_1633 = tpu.memref_slice %arg3[%dma_start3A_1631, %dma_start3A_1632] : memref<1000x128xf32, #tpu.memory_space<hbm>> -> memref<1000x128xf32, #tpu.memory_space<hbm>>
        %dma_start3A_1634 = tpu.memref_slice %arg15[%dma_start3A_1625] : memref<2x!tpu.dma_semaphore, #tpu.memory_space<semaphore_mem>> -> memref<1x!tpu.dma_semaphore, #tpu.memory_space<semaphore_mem>>
        %dma_start3A_1635 = tpu.memref_squeeze %dma_start3A_1634 : memref<1x!tpu.dma_semaphore, #tpu.memory_space<semaphore_mem>> -> memref<!tpu.dma_semaphore, #tpu.memory_space<semaphore_mem>>
        tpu.enqueue_indirect_dma source(%dma_start3A_1633 : memref<1000x128xf32, #tpu.memory_space<hbm>>) target(%dma_start3A_1629 : memref<50x128xf32, #tpu.memory_space<vmem>>) offsets(%dma_start3A_1630 : memref<50xi32, #tpu.memory_space<vmem>>) semaphore(%dma_start3A_1635 : memref<!tpu.dma_semaphore, #tpu.memory_space<semaphore_mem>>)
        %add3A_1636 = arith.constant 2 : i32
        %add3A_1637 = arith.addi %add3A_730, %add3A_1636 : i32
        %mul3A_1638 = arith.constant 56 : i32
        %mul3A_1639 = arith.muli %add3A_1637, %mul3A_1638 : i32
        %multiple_of3A_1640 = tpu.assume_multiple %mul3A_1639, 8 : i32
        %dma_start3A_1641 = arith.constant 0 : i32
        %dma_start3A_1642 = arith.constant 1 : i32
        %dma_start3A_1643 = arith.constant 0 : i32
        %dma_start3A_1644 = arith.constant 0 : i32
        %dma_start3A_1645 = arith.constant 0 : i32
        %dma_start3A_1646 = tpu.memref_slice %arg13[%dma_start3A_1641, %dma_start3A_1642, %dma_start3A_1644, %dma_start3A_1645] : memref<2x8x50x128xf32, #tpu.memory_space<vmem>> -> memref<1x1x50x128xf32, #tpu.memory_space<vmem>>
        %dma_start3A_1647 = tpu.memref_squeeze %dma_start3A_1646 : memref<1x1x50x128xf32, #tpu.memory_space<vmem>> -> memref<50x128xf32, #tpu.memory_space<vmem>>
        %dma_start3A_1648 = tpu.memref_slice %arg12[%multiple_of3A_1640] : memref<7168xi32, #tpu.memory_space<vmem>> -> memref<50xi32, #tpu.memory_space<vmem>>
        %dma_start3A_1649 = arith.constant 0 : i32
        %dma_start3A_1650 = arith.constant 0 : i32
        %dma_start3A_1651 = tpu.memref_slice %arg4[%dma_start3A_1649, %dma_start3A_1650] : memref<1000x128xf32, #tpu.memory_space<hbm>> -> memref<1000x128xf32, #tpu.memory_space<hbm>>
        %dma_start3A_1652 = tpu.memref_slice %arg15[%dma_start3A_1643] : memref<2x!tpu.dma_semaphore, #tpu.memory_space<semaphore_mem>> -> memref<1x!tpu.dma_semaphore, #tpu.memory_space<semaphore_mem>>
        %dma_start3A_1653 = tpu.memref_squeeze %dma_start3A_1652 : memref<1x!tpu.dma_semaphore, #tpu.memory_space<semaphore_mem>> -> memref<!tpu.dma_semaphore, #tpu.memory_space<semaphore_mem>>
        tpu.enqueue_indirect_dma source(%dma_start3A_1651 : memref<1000x128xf32, #tpu.memory_space<hbm>>) target(%dma_start3A_1647 : memref<50x128xf32, #tpu.memory_space<vmem>>) offsets(%dma_start3A_1648 : memref<50xi32, #tpu.memory_space<vmem>>) semaphore(%dma_start3A_1653 : memref<!tpu.dma_semaphore, #tpu.memory_space<semaphore_mem>>)
        %add3A_1654 = arith.constant 2 : i32
        %add3A_1655 = arith.addi %add3A_730, %add3A_1654 : i32
        %mul3A_1656 = arith.constant 56 : i32
        %mul3A_1657 = arith.muli %add3A_1655, %mul3A_1656 : i32
        %multiple_of3A_1658 = tpu.assume_multiple %mul3A_1657, 8 : i32
        %dma_start3A_1659 = arith.constant 0 : i32
        %dma_start3A_1660 = arith.constant 2 : i32
        %dma_start3A_1661 = arith.constant 0 : i32
        %dma_start3A_1662 = arith.constant 0 : i32
        %dma_start3A_1663 = arith.constant 0 : i32
        %dma_start3A_1664 = tpu.memref_slice %arg13[%dma_start3A_1659, %dma_start3A_1660, %dma_start3A_1662, %dma_start3A_1663] : memref<2x8x50x128xf32, #tpu.memory_space<vmem>> -> memref<1x1x50x128xf32, #tpu.memory_space<vmem>>
        %dma_start3A_1665 = tpu.memref_squeeze %dma_start3A_1664 : memref<1x1x50x128xf32, #tpu.memory_space<vmem>> -> memref<50x128xf32, #tpu.memory_space<vmem>>
        %dma_start3A_1666 = tpu.memref_slice %arg12[%multiple_of3A_1658] : memref<7168xi32, #tpu.memory_space<vmem>> -> memref<50xi32, #tpu.memory_space<vmem>>
        %dma_start3A_1667 = arith.constant 0 : i32
        %dma_start3A_1668 = arith.constant 0 : i32
        %dma_start3A_1669 = tpu.memref_slice %arg5[%dma_start3A_1667, %dma_start3A_1668] : memref<1000x128xf32, #tpu.memory_space<hbm>> -> memref<1000x128xf32, #tpu.memory_space<hbm>>
        %dma_start3A_1670 = tpu.memref_slice %arg15[%dma_start3A_1661] : memref<2x!tpu.dma_semaphore, #tpu.memory_space<semaphore_mem>> -> memref<1x!tpu.dma_semaphore, #tpu.memory_space<semaphore_mem>>
        %dma_start3A_1671 = tpu.memref_squeeze %dma_start3A_1670 : memref<1x!tpu.dma_semaphore, #tpu.memory_space<semaphore_mem>> -> memref<!tpu.dma_semaphore, #tpu.memory_space<semaphore_mem>>
        tpu.enqueue_indirect_dma source(%dma_start3A_1669 : memref<1000x128xf32, #tpu.memory_space<hbm>>) target(%dma_start3A_1665 : memref<50x128xf32, #tpu.memory_space<vmem>>) offsets(%dma_start3A_1666 : memref<50xi32, #tpu.memory_space<vmem>>) semaphore(%dma_start3A_1671 : memref<!tpu.dma_semaphore, #tpu.memory_space<semaphore_mem>>)
        %add3A_1672 = arith.constant 2 : i32
        %add3A_1673 = arith.addi %add3A_730, %add3A_1672 : i32
        %mul3A_1674 = arith.constant 56 : i32
        %mul3A_1675 = arith.muli %add3A_1673, %mul3A_1674 : i32
        %multiple_of3A_1676 = tpu.assume_multiple %mul3A_1675, 8 : i32
        %dma_start3A_1677 = arith.constant 0 : i32
        %dma_start3A_1678 = arith.constant 3 : i32
        %dma_start3A_1679 = arith.constant 0 : i32
        %dma_start3A_1680 = arith.constant 0 : i32
        %dma_start3A_1681 = arith.constant 0 : i32
        %dma_start3A_1682 = tpu.memref_slice %arg13[%dma_start3A_1677, %dma_start3A_1678, %dma_start3A_1680, %dma_start3A_1681] : memref<2x8x50x128xf32, #tpu.memory_space<vmem>> -> memref<1x1x50x128xf32, #tpu.memory_space<vmem>>
        %dma_start3A_1683 = tpu.memref_squeeze %dma_start3A_1682 : memref<1x1x50x128xf32, #tpu.memory_space<vmem>> -> memref<50x128xf32, #tpu.memory_space<vmem>>
        %dma_start3A_1684 = tpu.memref_slice %arg12[%multiple_of3A_1676] : memref<7168xi32, #tpu.memory_space<vmem>> -> memref<50xi32, #tpu.memory_space<vmem>>
        %dma_start3A_1685 = arith.constant 0 : i32
        %dma_start3A_1686 = arith.constant 0 : i32
        %dma_start3A_1687 = tpu.memref_slice %arg6[%dma_start3A_1685, %dma_start3A_1686] : memref<1000x128xf32, #tpu.memory_space<hbm>> -> memref<1000x128xf32, #tpu.memory_space<hbm>>
        %dma_start3A_1688 = tpu.memref_slice %arg15[%dma_start3A_1679] : memref<2x!tpu.dma_semaphore, #tpu.memory_space<semaphore_mem>> -> memref<1x!tpu.dma_semaphore, #tpu.memory_space<semaphore_mem>>
        %dma_start3A_1689 = tpu.memref_squeeze %dma_start3A_1688 : memref<1x!tpu.dma_semaphore, #tpu.memory_space<semaphore_mem>> -> memref<!tpu.dma_semaphore, #tpu.memory_space<semaphore_mem>>
        tpu.enqueue_indirect_dma source(%dma_start3A_1687 : memref<1000x128xf32, #tpu.memory_space<hbm>>) target(%dma_start3A_1683 : memref<50x128xf32, #tpu.memory_space<vmem>>) offsets(%dma_start3A_1684 : memref<50xi32, #tpu.memory_space<vmem>>) semaphore(%dma_start3A_1689 : memref<!tpu.dma_semaphore, #tpu.memory_space<semaphore_mem>>)
        %add3A_1690 = arith.constant 2 : i32
        %add3A_1691 = arith.addi %add3A_730, %add3A_1690 : i32
        %mul3A_1692 = arith.constant 56 : i32
        %mul3A_1693 = arith.muli %add3A_1691, %mul3A_1692 : i32
        %multiple_of3A_1694 = tpu.assume_multiple %mul3A_1693, 8 : i32
        %dma_start3A_1695 = arith.constant 0 : i32
        %dma_start3A_1696 = arith.constant 4 : i32
        %dma_start3A_1697 = arith.constant 0 : i32
        %dma_start3A_1698 = arith.constant 0 : i32
        %dma_start3A_1699 = arith.constant 0 : i32
        %dma_start3A_1700 = tpu.memref_slice %arg13[%dma_start3A_1695, %dma_start3A_1696, %dma_start3A_1698, %dma_start3A_1699] : memref<2x8x50x128xf32, #tpu.memory_space<vmem>> -> memref<1x1x50x128xf32, #tpu.memory_space<vmem>>
        %dma_start3A_1701 = tpu.memref_squeeze %dma_start3A_1700 : memref<1x1x50x128xf32, #tpu.memory_space<vmem>> -> memref<50x128xf32, #tpu.memory_space<vmem>>
        %dma_start3A_1702 = tpu.memref_slice %arg12[%multiple_of3A_1694] : memref<7168xi32, #tpu.memory_space<vmem>> -> memref<50xi32, #tpu.memory_space<vmem>>
        %dma_start3A_1703 = arith.constant 0 : i32
        %dma_start3A_1704 = arith.constant 0 : i32
        %dma_start3A_1705 = tpu.memref_slice %arg7[%dma_start3A_1703, %dma_start3A_1704] : memref<1000x128xf32, #tpu.memory_space<hbm>> -> memref<1000x128xf32, #tpu.memory_space<hbm>>
        %dma_start3A_1706 = tpu.memref_slice %arg15[%dma_start3A_1697] : memref<2x!tpu.dma_semaphore, #tpu.memory_space<semaphore_mem>> -> memref<1x!tpu.dma_semaphore, #tpu.memory_space<semaphore_mem>>
        %dma_start3A_1707 = tpu.memref_squeeze %dma_start3A_1706 : memref<1x!tpu.dma_semaphore, #tpu.memory_space<semaphore_mem>> -> memref<!tpu.dma_semaphore, #tpu.memory_space<semaphore_mem>>
        tpu.enqueue_indirect_dma source(%dma_start3A_1705 : memref<1000x128xf32, #tpu.memory_space<hbm>>) target(%dma_start3A_1701 : memref<50x128xf32, #tpu.memory_space<vmem>>) offsets(%dma_start3A_1702 : memref<50xi32, #tpu.memory_space<vmem>>) semaphore(%dma_start3A_1707 : memref<!tpu.dma_semaphore, #tpu.memory_space<semaphore_mem>>)
        %add3A_1708 = arith.constant 2 : i32
        %add3A_1709 = arith.addi %add3A_730, %add3A_1708 : i32
        %mul3A_1710 = arith.constant 56 : i32
        %mul3A_1711 = arith.muli %add3A_1709, %mul3A_1710 : i32
        %multiple_of3A_1712 = tpu.assume_multiple %mul3A_1711, 8 : i32
        %dma_start3A_1713 = arith.constant 0 : i32
        %dma_start3A_1714 = arith.constant 5 : i32
        %dma_start3A_1715 = arith.constant 0 : i32
        %dma_start3A_1716 = arith.constant 0 : i32
        %dma_start3A_1717 = arith.constant 0 : i32
        %dma_start3A_1718 = tpu.memref_slice %arg13[%dma_start3A_1713, %dma_start3A_1714, %dma_start3A_1716, %dma_start3A_1717] : memref<2x8x50x128xf32, #tpu.memory_space<vmem>> -> memref<1x1x50x128xf32, #tpu.memory_space<vmem>>
        %dma_start3A_1719 = tpu.memref_squeeze %dma_start3A_1718 : memref<1x1x50x128xf32, #tpu.memory_space<vmem>> -> memref<50x128xf32, #tpu.memory_space<vmem>>
        %dma_start3A_1720 = tpu.memref_slice %arg12[%multiple_of3A_1712] : memref<7168xi32, #tpu.memory_space<vmem>> -> memref<50xi32, #tpu.memory_space<vmem>>
        %dma_start3A_1721 = arith.constant 0 : i32
        %dma_start3A_1722 = arith.constant 0 : i32
        %dma_start3A_1723 = tpu.memref_slice %arg8[%dma_start3A_1721, %dma_start3A_1722] : memref<1000x128xf32, #tpu.memory_space<hbm>> -> memref<1000x128xf32, #tpu.memory_space<hbm>>
        %dma_start3A_1724 = tpu.memref_slice %arg15[%dma_start3A_1715] : memref<2x!tpu.dma_semaphore, #tpu.memory_space<semaphore_mem>> -> memref<1x!tpu.dma_semaphore, #tpu.memory_space<semaphore_mem>>
        %dma_start3A_1725 = tpu.memref_squeeze %dma_start3A_1724 : memref<1x!tpu.dma_semaphore, #tpu.memory_space<semaphore_mem>> -> memref<!tpu.dma_semaphore, #tpu.memory_space<semaphore_mem>>
        tpu.enqueue_indirect_dma source(%dma_start3A_1723 : memref<1000x128xf32, #tpu.memory_space<hbm>>) target(%dma_start3A_1719 : memref<50x128xf32, #tpu.memory_space<vmem>>) offsets(%dma_start3A_1720 : memref<50xi32, #tpu.memory_space<vmem>>) semaphore(%dma_start3A_1725 : memref<!tpu.dma_semaphore, #tpu.memory_space<semaphore_mem>>)
        %add3A_1726 = arith.constant 2 : i32
        %add3A_1727 = arith.addi %add3A_730, %add3A_1726 : i32
        %mul3A_1728 = arith.constant 56 : i32
        %mul3A_1729 = arith.muli %add3A_1727, %mul3A_1728 : i32
        %multiple_of3A_1730 = tpu.assume_multiple %mul3A_1729, 8 : i32
        %dma_start3A_1731 = arith.constant 0 : i32
        %dma_start3A_1732 = arith.constant 6 : i32
        %dma_start3A_1733 = arith.constant 0 : i32
        %dma_start3A_1734 = arith.constant 0 : i32
        %dma_start3A_1735 = arith.constant 0 : i32
        %dma_start3A_1736 = tpu.memref_slice %arg13[%dma_start3A_1731, %dma_start3A_1732, %dma_start3A_1734, %dma_start3A_1735] : memref<2x8x50x128xf32, #tpu.memory_space<vmem>> -> memref<1x1x50x128xf32, #tpu.memory_space<vmem>>
        %dma_start3A_1737 = tpu.memref_squeeze %dma_start3A_1736 : memref<1x1x50x128xf32, #tpu.memory_space<vmem>> -> memref<50x128xf32, #tpu.memory_space<vmem>>
        %dma_start3A_1738 = tpu.memref_slice %arg12[%multiple_of3A_1730] : memref<7168xi32, #tpu.memory_space<vmem>> -> memref<50xi32, #tpu.memory_space<vmem>>
        %dma_start3A_1739 = arith.constant 0 : i32
        %dma_start3A_1740 = arith.constant 0 : i32
        %dma_start3A_1741 = tpu.memref_slice %arg9[%dma_start3A_1739, %dma_start3A_1740] : memref<1000x128xf32, #tpu.memory_space<hbm>> -> memref<1000x128xf32, #tpu.memory_space<hbm>>
        %dma_start3A_1742 = tpu.memref_slice %arg15[%dma_start3A_1733] : memref<2x!tpu.dma_semaphore, #tpu.memory_space<semaphore_mem>> -> memref<1x!tpu.dma_semaphore, #tpu.memory_space<semaphore_mem>>
        %dma_start3A_1743 = tpu.memref_squeeze %dma_start3A_1742 : memref<1x!tpu.dma_semaphore, #tpu.memory_space<semaphore_mem>> -> memref<!tpu.dma_semaphore, #tpu.memory_space<semaphore_mem>>
        tpu.enqueue_indirect_dma source(%dma_start3A_1741 : memref<1000x128xf32, #tpu.memory_space<hbm>>) target(%dma_start3A_1737 : memref<50x128xf32, #tpu.memory_space<vmem>>) offsets(%dma_start3A_1738 : memref<50xi32, #tpu.memory_space<vmem>>) semaphore(%dma_start3A_1743 : memref<!tpu.dma_semaphore, #tpu.memory_space<semaphore_mem>>)
        %add3A_1744 = arith.constant 2 : i32
        %add3A_1745 = arith.addi %add3A_730, %add3A_1744 : i32
        %mul3A_1746 = arith.constant 56 : i32
        %mul3A_1747 = arith.muli %add3A_1745, %mul3A_1746 : i32
        %multiple_of3A_1748 = tpu.assume_multiple %mul3A_1747, 8 : i32
        %dma_start3A_1749 = arith.constant 0 : i32
        %dma_start3A_1750 = arith.constant 7 : i32
        %dma_start3A_1751 = arith.constant 0 : i32
        %dma_start3A_1752 = arith.constant 0 : i32
        %dma_start3A_1753 = arith.constant 0 : i32
        %dma_start3A_1754 = tpu.memref_slice %arg13[%dma_start3A_1749, %dma_start3A_1750, %dma_start3A_1752, %dma_start3A_1753] : memref<2x8x50x128xf32, #tpu.memory_space<vmem>> -> memref<1x1x50x128xf32, #tpu.memory_space<vmem>>
        %dma_start3A_1755 = tpu.memref_squeeze %dma_start3A_1754 : memref<1x1x50x128xf32, #tpu.memory_space<vmem>> -> memref<50x128xf32, #tpu.memory_space<vmem>>
        %dma_start3A_1756 = tpu.memref_slice %arg12[%multiple_of3A_1748] : memref<7168xi32, #tpu.memory_space<vmem>> -> memref<50xi32, #tpu.memory_space<vmem>>
        %dma_start3A_1757 = arith.constant 0 : i32
        %dma_start3A_1758 = arith.constant 0 : i32
        %dma_start3A_1759 = tpu.memref_slice %arg10[%dma_start3A_1757, %dma_start3A_1758] : memref<1000x128xf32, #tpu.memory_space<hbm>> -> memref<1000x128xf32, #tpu.memory_space<hbm>>
        %dma_start3A_1760 = tpu.memref_slice %arg15[%dma_start3A_1751] : memref<2x!tpu.dma_semaphore, #tpu.memory_space<semaphore_mem>> -> memref<1x!tpu.dma_semaphore, #tpu.memory_space<semaphore_mem>>
        %dma_start3A_1761 = tpu.memref_squeeze %dma_start3A_1760 : memref<1x!tpu.dma_semaphore, #tpu.memory_space<semaphore_mem>> -> memref<!tpu.dma_semaphore, #tpu.memory_space<semaphore_mem>>
        tpu.enqueue_indirect_dma source(%dma_start3A_1759 : memref<1000x128xf32, #tpu.memory_space<hbm>>) target(%dma_start3A_1755 : memref<50x128xf32, #tpu.memory_space<vmem>>) offsets(%dma_start3A_1756 : memref<50xi32, #tpu.memory_space<vmem>>) semaphore(%dma_start3A_1761 : memref<!tpu.dma_semaphore, #tpu.memory_space<semaphore_mem>>)
      } else {
      }
      %add3A_1077 = arith.constant 1 : i32
      %add3A_1078 = arith.addi %mul3A_728, %add3A_1077 : i32
      %add3A_1079 = arith.addi %mul3A_2, %add3A_1078 : i32
      %mul3A_1080 = arith.constant 56 : i32
      %mul3A_1081 = arith.muli %add3A_1078, %mul3A_1080 : i32
      %multiple_of3A_1082 = tpu.assume_multiple %mul3A_1081, 8 : i32
      %dma_wait3A_1083 = arith.constant 1 : i32
      %dma_wait3A_1084 = arith.constant 0 : i32
      %dma_wait3A_1085 = arith.constant 1 : i32
      %dma_wait3A_1086 = arith.constant 0 : i32
      %dma_wait3A_1087 = arith.constant 0 : i32
      %dma_wait3A_1088 = tpu.memref_slice %arg13[%dma_wait3A_1083, %dma_wait3A_1084, %dma_wait3A_1086, %dma_wait3A_1087] : memref<2x8x50x128xf32, #tpu.memory_space<vmem>> -> memref<1x1x50x128xf32, #tpu.memory_space<vmem>>
      %dma_wait3A_1089 = tpu.memref_squeeze %dma_wait3A_1088 : memref<1x1x50x128xf32, #tpu.memory_space<vmem>> -> memref<50x128xf32, #tpu.memory_space<vmem>>
      %dma_wait3A_1090 = tpu.memref_slice %arg12[%multiple_of3A_1082] : memref<7168xi32, #tpu.memory_space<vmem>> -> memref<50xi32, #tpu.memory_space<vmem>>
      %dma_wait3A_1091 = arith.constant 0 : i32
      %dma_wait3A_1092 = arith.constant 0 : i32
      %dma_wait3A_1093 = tpu.memref_slice %arg3[%dma_wait3A_1091, %dma_wait3A_1092] : memref<1000x128xf32, #tpu.memory_space<hbm>> -> memref<1000x128xf32, #tpu.memory_space<hbm>>
      %dma_wait3A_1094 = tpu.memref_slice %arg15[%dma_wait3A_1085] : memref<2x!tpu.dma_semaphore, #tpu.memory_space<semaphore_mem>> -> memref<1x!tpu.dma_semaphore, #tpu.memory_space<semaphore_mem>>
      %dma_wait3A_1095 = tpu.memref_squeeze %dma_wait3A_1094 : memref<1x!tpu.dma_semaphore, #tpu.memory_space<semaphore_mem>> -> memref<!tpu.dma_semaphore, #tpu.memory_space<semaphore_mem>>
      tpu.wait_indirect_dma semaphore(%dma_wait3A_1095 : memref<!tpu.dma_semaphore, #tpu.memory_space<semaphore_mem>>) src(%dma_wait3A_1093 : memref<1000x128xf32, #tpu.memory_space<hbm>>) dst(%dma_wait3A_1089 : memref<50x128xf32, #tpu.memory_space<vmem>>)
      %mul3A_1096 = arith.constant 56 : i32
      %mul3A_1097 = arith.muli %add3A_1078, %mul3A_1096 : i32
      %multiple_of3A_1098 = tpu.assume_multiple %mul3A_1097, 8 : i32
      %dma_wait3A_1099 = arith.constant 1 : i32
      %dma_wait3A_1100 = arith.constant 1 : i32
      %dma_wait3A_1101 = arith.constant 1 : i32
      %dma_wait3A_1102 = arith.constant 0 : i32
      %dma_wait3A_1103 = arith.constant 0 : i32
      %dma_wait3A_1104 = tpu.memref_slice %arg13[%dma_wait3A_1099, %dma_wait3A_1100, %dma_wait3A_1102, %dma_wait3A_1103] : memref<2x8x50x128xf32, #tpu.memory_space<vmem>> -> memref<1x1x50x128xf32, #tpu.memory_space<vmem>>
      %dma_wait3A_1105 = tpu.memref_squeeze %dma_wait3A_1104 : memref<1x1x50x128xf32, #tpu.memory_space<vmem>> -> memref<50x128xf32, #tpu.memory_space<vmem>>
      %dma_wait3A_1106 = tpu.memref_slice %arg12[%multiple_of3A_1098] : memref<7168xi32, #tpu.memory_space<vmem>> -> memref<50xi32, #tpu.memory_space<vmem>>
      %dma_wait3A_1107 = arith.constant 0 : i32
      %dma_wait3A_1108 = arith.constant 0 : i32
      %dma_wait3A_1109 = tpu.memref_slice %arg4[%dma_wait3A_1107, %dma_wait3A_1108] : memref<1000x128xf32, #tpu.memory_space<hbm>> -> memref<1000x128xf32, #tpu.memory_space<hbm>>
      %dma_wait3A_1110 = tpu.memref_slice %arg15[%dma_wait3A_1101] : memref<2x!tpu.dma_semaphore, #tpu.memory_space<semaphore_mem>> -> memref<1x!tpu.dma_semaphore, #tpu.memory_space<semaphore_mem>>
      %dma_wait3A_1111 = tpu.memref_squeeze %dma_wait3A_1110 : memref<1x!tpu.dma_semaphore, #tpu.memory_space<semaphore_mem>> -> memref<!tpu.dma_semaphore, #tpu.memory_space<semaphore_mem>>
      tpu.wait_indirect_dma semaphore(%dma_wait3A_1111 : memref<!tpu.dma_semaphore, #tpu.memory_space<semaphore_mem>>) src(%dma_wait3A_1109 : memref<1000x128xf32, #tpu.memory_space<hbm>>) dst(%dma_wait3A_1105 : memref<50x128xf32, #tpu.memory_space<vmem>>)
      %mul3A_1112 = arith.constant 56 : i32
      %mul3A_1113 = arith.muli %add3A_1078, %mul3A_1112 : i32
      %multiple_of3A_1114 = tpu.assume_multiple %mul3A_1113, 8 : i32
      %dma_wait3A_1115 = arith.constant 1 : i32
      %dma_wait3A_1116 = arith.constant 2 : i32
      %dma_wait3A_1117 = arith.constant 1 : i32
      %dma_wait3A_1118 = arith.constant 0 : i32
      %dma_wait3A_1119 = arith.constant 0 : i32
      %dma_wait3A_1120 = tpu.memref_slice %arg13[%dma_wait3A_1115, %dma_wait3A_1116, %dma_wait3A_1118, %dma_wait3A_1119] : memref<2x8x50x128xf32, #tpu.memory_space<vmem>> -> memref<1x1x50x128xf32, #tpu.memory_space<vmem>>
      %dma_wait3A_1121 = tpu.memref_squeeze %dma_wait3A_1120 : memref<1x1x50x128xf32, #tpu.memory_space<vmem>> -> memref<50x128xf32, #tpu.memory_space<vmem>>
      %dma_wait3A_1122 = tpu.memref_slice %arg12[%multiple_of3A_1114] : memref<7168xi32, #tpu.memory_space<vmem>> -> memref<50xi32, #tpu.memory_space<vmem>>
      %dma_wait3A_1123 = arith.constant 0 : i32
      %dma_wait3A_1124 = arith.constant 0 : i32
      %dma_wait3A_1125 = tpu.memref_slice %arg5[%dma_wait3A_1123, %dma_wait3A_1124] : memref<1000x128xf32, #tpu.memory_space<hbm>> -> memref<1000x128xf32, #tpu.memory_space<hbm>>
      %dma_wait3A_1126 = tpu.memref_slice %arg15[%dma_wait3A_1117] : memref<2x!tpu.dma_semaphore, #tpu.memory_space<semaphore_mem>> -> memref<1x!tpu.dma_semaphore, #tpu.memory_space<semaphore_mem>>
      %dma_wait3A_1127 = tpu.memref_squeeze %dma_wait3A_1126 : memref<1x!tpu.dma_semaphore, #tpu.memory_space<semaphore_mem>> -> memref<!tpu.dma_semaphore, #tpu.memory_space<semaphore_mem>>
      tpu.wait_indirect_dma semaphore(%dma_wait3A_1127 : memref<!tpu.dma_semaphore, #tpu.memory_space<semaphore_mem>>) src(%dma_wait3A_1125 : memref<1000x128xf32, #tpu.memory_space<hbm>>) dst(%dma_wait3A_1121 : memref<50x128xf32, #tpu.memory_space<vmem>>)
      %mul3A_1128 = arith.constant 56 : i32
      %mul3A_1129 = arith.muli %add3A_1078, %mul3A_1128 : i32
      %multiple_of3A_1130 = tpu.assume_multiple %mul3A_1129, 8 : i32
      %dma_wait3A_1131 = arith.constant 1 : i32
      %dma_wait3A_1132 = arith.constant 3 : i32
      %dma_wait3A_1133 = arith.constant 1 : i32
      %dma_wait3A_1134 = arith.constant 0 : i32
      %dma_wait3A_1135 = arith.constant 0 : i32
      %dma_wait3A_1136 = tpu.memref_slice %arg13[%dma_wait3A_1131, %dma_wait3A_1132, %dma_wait3A_1134, %dma_wait3A_1135] : memref<2x8x50x128xf32, #tpu.memory_space<vmem>> -> memref<1x1x50x128xf32, #tpu.memory_space<vmem>>
      %dma_wait3A_1137 = tpu.memref_squeeze %dma_wait3A_1136 : memref<1x1x50x128xf32, #tpu.memory_space<vmem>> -> memref<50x128xf32, #tpu.memory_space<vmem>>
      %dma_wait3A_1138 = tpu.memref_slice %arg12[%multiple_of3A_1130] : memref<7168xi32, #tpu.memory_space<vmem>> -> memref<50xi32, #tpu.memory_space<vmem>>
      %dma_wait3A_1139 = arith.constant 0 : i32
      %dma_wait3A_1140 = arith.constant 0 : i32
      %dma_wait3A_1141 = tpu.memref_slice %arg6[%dma_wait3A_1139, %dma_wait3A_1140] : memref<1000x128xf32, #tpu.memory_space<hbm>> -> memref<1000x128xf32, #tpu.memory_space<hbm>>
      %dma_wait3A_1142 = tpu.memref_slice %arg15[%dma_wait3A_1133] : memref<2x!tpu.dma_semaphore, #tpu.memory_space<semaphore_mem>> -> memref<1x!tpu.dma_semaphore, #tpu.memory_space<semaphore_mem>>
      %dma_wait3A_1143 = tpu.memref_squeeze %dma_wait3A_1142 : memref<1x!tpu.dma_semaphore, #tpu.memory_space<semaphore_mem>> -> memref<!tpu.dma_semaphore, #tpu.memory_space<semaphore_mem>>
      tpu.wait_indirect_dma semaphore(%dma_wait3A_1143 : memref<!tpu.dma_semaphore, #tpu.memory_space<semaphore_mem>>) src(%dma_wait3A_1141 : memref<1000x128xf32, #tpu.memory_space<hbm>>) dst(%dma_wait3A_1137 : memref<50x128xf32, #tpu.memory_space<vmem>>)
      %mul3A_1144 = arith.constant 56 : i32
      %mul3A_1145 = arith.muli %add3A_1078, %mul3A_1144 : i32
      %multiple_of3A_1146 = tpu.assume_multiple %mul3A_1145, 8 : i32
      %dma_wait3A_1147 = arith.constant 1 : i32
      %dma_wait3A_1148 = arith.constant 4 : i32
      %dma_wait3A_1149 = arith.constant 1 : i32
      %dma_wait3A_1150 = arith.constant 0 : i32
      %dma_wait3A_1151 = arith.constant 0 : i32
      %dma_wait3A_1152 = tpu.memref_slice %arg13[%dma_wait3A_1147, %dma_wait3A_1148, %dma_wait3A_1150, %dma_wait3A_1151] : memref<2x8x50x128xf32, #tpu.memory_space<vmem>> -> memref<1x1x50x128xf32, #tpu.memory_space<vmem>>
      %dma_wait3A_1153 = tpu.memref_squeeze %dma_wait3A_1152 : memref<1x1x50x128xf32, #tpu.memory_space<vmem>> -> memref<50x128xf32, #tpu.memory_space<vmem>>
      %dma_wait3A_1154 = tpu.memref_slice %arg12[%multiple_of3A_1146] : memref<7168xi32, #tpu.memory_space<vmem>> -> memref<50xi32, #tpu.memory_space<vmem>>
      %dma_wait3A_1155 = arith.constant 0 : i32
      %dma_wait3A_1156 = arith.constant 0 : i32
      %dma_wait3A_1157 = tpu.memref_slice %arg7[%dma_wait3A_1155, %dma_wait3A_1156] : memref<1000x128xf32, #tpu.memory_space<hbm>> -> memref<1000x128xf32, #tpu.memory_space<hbm>>
      %dma_wait3A_1158 = tpu.memref_slice %arg15[%dma_wait3A_1149] : memref<2x!tpu.dma_semaphore, #tpu.memory_space<semaphore_mem>> -> memref<1x!tpu.dma_semaphore, #tpu.memory_space<semaphore_mem>>
      %dma_wait3A_1159 = tpu.memref_squeeze %dma_wait3A_1158 : memref<1x!tpu.dma_semaphore, #tpu.memory_space<semaphore_mem>> -> memref<!tpu.dma_semaphore, #tpu.memory_space<semaphore_mem>>
      tpu.wait_indirect_dma semaphore(%dma_wait3A_1159 : memref<!tpu.dma_semaphore, #tpu.memory_space<semaphore_mem>>) src(%dma_wait3A_1157 : memref<1000x128xf32, #tpu.memory_space<hbm>>) dst(%dma_wait3A_1153 : memref<50x128xf32, #tpu.memory_space<vmem>>)
      %mul3A_1160 = arith.constant 56 : i32
      %mul3A_1161 = arith.muli %add3A_1078, %mul3A_1160 : i32
      %multiple_of3A_1162 = tpu.assume_multiple %mul3A_1161, 8 : i32
      %dma_wait3A_1163 = arith.constant 1 : i32
      %dma_wait3A_1164 = arith.constant 5 : i32
      %dma_wait3A_1165 = arith.constant 1 : i32
      %dma_wait3A_1166 = arith.constant 0 : i32
      %dma_wait3A_1167 = arith.constant 0 : i32
      %dma_wait3A_1168 = tpu.memref_slice %arg13[%dma_wait3A_1163, %dma_wait3A_1164, %dma_wait3A_1166, %dma_wait3A_1167] : memref<2x8x50x128xf32, #tpu.memory_space<vmem>> -> memref<1x1x50x128xf32, #tpu.memory_space<vmem>>
      %dma_wait3A_1169 = tpu.memref_squeeze %dma_wait3A_1168 : memref<1x1x50x128xf32, #tpu.memory_space<vmem>> -> memref<50x128xf32, #tpu.memory_space<vmem>>
      %dma_wait3A_1170 = tpu.memref_slice %arg12[%multiple_of3A_1162] : memref<7168xi32, #tpu.memory_space<vmem>> -> memref<50xi32, #tpu.memory_space<vmem>>
      %dma_wait3A_1171 = arith.constant 0 : i32
      %dma_wait3A_1172 = arith.constant 0 : i32
      %dma_wait3A_1173 = tpu.memref_slice %arg8[%dma_wait3A_1171, %dma_wait3A_1172] : memref<1000x128xf32, #tpu.memory_space<hbm>> -> memref<1000x128xf32, #tpu.memory_space<hbm>>
      %dma_wait3A_1174 = tpu.memref_slice %arg15[%dma_wait3A_1165] : memref<2x!tpu.dma_semaphore, #tpu.memory_space<semaphore_mem>> -> memref<1x!tpu.dma_semaphore, #tpu.memory_space<semaphore_mem>>
      %dma_wait3A_1175 = tpu.memref_squeeze %dma_wait3A_1174 : memref<1x!tpu.dma_semaphore, #tpu.memory_space<semaphore_mem>> -> memref<!tpu.dma_semaphore, #tpu.memory_space<semaphore_mem>>
      tpu.wait_indirect_dma semaphore(%dma_wait3A_1175 : memref<!tpu.dma_semaphore, #tpu.memory_space<semaphore_mem>>) src(%dma_wait3A_1173 : memref<1000x128xf32, #tpu.memory_space<hbm>>) dst(%dma_wait3A_1169 : memref<50x128xf32, #tpu.memory_space<vmem>>)
      %mul3A_1176 = arith.constant 56 : i32
      %mul3A_1177 = arith.muli %add3A_1078, %mul3A_1176 : i32
      %multiple_of3A_1178 = tpu.assume_multiple %mul3A_1177, 8 : i32
      %dma_wait3A_1179 = arith.constant 1 : i32
      %dma_wait3A_1180 = arith.constant 6 : i32
      %dma_wait3A_1181 = arith.constant 1 : i32
      %dma_wait3A_1182 = arith.constant 0 : i32
      %dma_wait3A_1183 = arith.constant 0 : i32
      %dma_wait3A_1184 = tpu.memref_slice %arg13[%dma_wait3A_1179, %dma_wait3A_1180, %dma_wait3A_1182, %dma_wait3A_1183] : memref<2x8x50x128xf32, #tpu.memory_space<vmem>> -> memref<1x1x50x128xf32, #tpu.memory_space<vmem>>
      %dma_wait3A_1185 = tpu.memref_squeeze %dma_wait3A_1184 : memref<1x1x50x128xf32, #tpu.memory_space<vmem>> -> memref<50x128xf32, #tpu.memory_space<vmem>>
      %dma_wait3A_1186 = tpu.memref_slice %arg12[%multiple_of3A_1178] : memref<7168xi32, #tpu.memory_space<vmem>> -> memref<50xi32, #tpu.memory_space<vmem>>
      %dma_wait3A_1187 = arith.constant 0 : i32
      %dma_wait3A_1188 = arith.constant 0 : i32
      %dma_wait3A_1189 = tpu.memref_slice %arg9[%dma_wait3A_1187, %dma_wait3A_1188] : memref<1000x128xf32, #tpu.memory_space<hbm>> -> memref<1000x128xf32, #tpu.memory_space<hbm>>
      %dma_wait3A_1190 = tpu.memref_slice %arg15[%dma_wait3A_1181] : memref<2x!tpu.dma_semaphore, #tpu.memory_space<semaphore_mem>> -> memref<1x!tpu.dma_semaphore, #tpu.memory_space<semaphore_mem>>
      %dma_wait3A_1191 = tpu.memref_squeeze %dma_wait3A_1190 : memref<1x!tpu.dma_semaphore, #tpu.memory_space<semaphore_mem>> -> memref<!tpu.dma_semaphore, #tpu.memory_space<semaphore_mem>>
      tpu.wait_indirect_dma semaphore(%dma_wait3A_1191 : memref<!tpu.dma_semaphore, #tpu.memory_space<semaphore_mem>>) src(%dma_wait3A_1189 : memref<1000x128xf32, #tpu.memory_space<hbm>>) dst(%dma_wait3A_1185 : memref<50x128xf32, #tpu.memory_space<vmem>>)
      %mul3A_1192 = arith.constant 56 : i32
      %mul3A_1193 = arith.muli %add3A_1078, %mul3A_1192 : i32
      %multiple_of3A_1194 = tpu.assume_multiple %mul3A_1193, 8 : i32
      %dma_wait3A_1195 = arith.constant 1 : i32
      %dma_wait3A_1196 = arith.constant 7 : i32
      %dma_wait3A_1197 = arith.constant 1 : i32
      %dma_wait3A_1198 = arith.constant 0 : i32
      %dma_wait3A_1199 = arith.constant 0 : i32
      %dma_wait3A_1200 = tpu.memref_slice %arg13[%dma_wait3A_1195, %dma_wait3A_1196, %dma_wait3A_1198, %dma_wait3A_1199] : memref<2x8x50x128xf32, #tpu.memory_space<vmem>> -> memref<1x1x50x128xf32, #tpu.memory_space<vmem>>
      %dma_wait3A_1201 = tpu.memref_squeeze %dma_wait3A_1200 : memref<1x1x50x128xf32, #tpu.memory_space<vmem>> -> memref<50x128xf32, #tpu.memory_space<vmem>>
      %dma_wait3A_1202 = tpu.memref_slice %arg12[%multiple_of3A_1194] : memref<7168xi32, #tpu.memory_space<vmem>> -> memref<50xi32, #tpu.memory_space<vmem>>
      %dma_wait3A_1203 = arith.constant 0 : i32
      %dma_wait3A_1204 = arith.constant 0 : i32
      %dma_wait3A_1205 = tpu.memref_slice %arg10[%dma_wait3A_1203, %dma_wait3A_1204] : memref<1000x128xf32, #tpu.memory_space<hbm>> -> memref<1000x128xf32, #tpu.memory_space<hbm>>
      %dma_wait3A_1206 = tpu.memref_slice %arg15[%dma_wait3A_1197] : memref<2x!tpu.dma_semaphore, #tpu.memory_space<semaphore_mem>> -> memref<1x!tpu.dma_semaphore, #tpu.memory_space<semaphore_mem>>
      %dma_wait3A_1207 = tpu.memref_squeeze %dma_wait3A_1206 : memref<1x!tpu.dma_semaphore, #tpu.memory_space<semaphore_mem>> -> memref<!tpu.dma_semaphore, #tpu.memory_space<semaphore_mem>>
      tpu.wait_indirect_dma semaphore(%dma_wait3A_1207 : memref<!tpu.dma_semaphore, #tpu.memory_space<semaphore_mem>>) src(%dma_wait3A_1205 : memref<1000x128xf32, #tpu.memory_space<hbm>>) dst(%dma_wait3A_1201 : memref<50x128xf32, #tpu.memory_space<vmem>>)
      %dma_start3A_1208 = arith.constant 1 : i32
      %dma_start3A_1209 = arith.constant 0 : i32
      %dma_start3A_1210 = arith.constant 1 : i32
      %dma_start3A_1211 = arith.constant 0 : i32
      %dma_start3A_1212 = arith.constant 0 : i32
      %dma_start3A_1213 = tpu.memref_slice %arg13[%dma_start3A_1208, %dma_start3A_1209, %dma_start3A_1211, %dma_start3A_1212] : memref<2x8x50x128xf32, #tpu.memory_space<vmem>> -> memref<1x1x50x128xf32, #tpu.memory_space<vmem>>
      %dma_start3A_1214 = tpu.memref_squeeze %dma_start3A_1213 : memref<1x1x50x128xf32, #tpu.memory_space<vmem>> -> memref<50x128xf32, #tpu.memory_space<vmem>>
      %dma_start3A_1215 = arith.constant 0 : i32
      %dma_start3A_1216 = arith.constant 0 : i32
      %dma_start3A_1217 = tpu.memref_slice %arg11[%add3A_1079, %dma_start3A_1215, %dma_start3A_1216] : memref<4096x50x1000xf32, #tpu.memory_space<hbm>> -> memref<1x50x1000xf32, #tpu.memory_space<hbm>>
      %dma_start3A_1218 = tpu.memref_squeeze %dma_start3A_1217 : memref<1x50x1000xf32, #tpu.memory_space<hbm>> -> memref<50x1000xf32, #tpu.memory_space<hbm>>
      %dma_start3A_1219 = arith.constant 0 : i32
      %dma_start3A_1220 = arith.constant 0 : i32
      %dma_start3A_1221 = tpu.memref_slice %dma_start3A_1218[%dma_start3A_1219, %dma_start3A_1220] : memref<50x1000xf32, #tpu.memory_space<hbm>> -> memref<50x128xf32, #tpu.memory_space<hbm>>
      %dma_start3A_1222 = tpu.memref_slice %arg16[%dma_start3A_1210] : memref<2x!tpu.dma_semaphore, #tpu.memory_space<semaphore_mem>> -> memref<1x!tpu.dma_semaphore, #tpu.memory_space<semaphore_mem>>
      %dma_start3A_1223 = tpu.memref_squeeze %dma_start3A_1222 : memref<1x!tpu.dma_semaphore, #tpu.memory_space<semaphore_mem>> -> memref<!tpu.dma_semaphore, #tpu.memory_space<semaphore_mem>>
      %dma_start3A_1224 = arith.constant 0 : i32
      %dma_start3A_1225 = arith.constant 0 : i32
      %dma_start3A_1226 = tpu.memref_slice %arg11[%add3A_1079, %dma_start3A_1224, %dma_start3A_1225] : memref<4096x50x1000xf32, #tpu.memory_space<hbm>> -> memref<1x50x1000xf32, #tpu.memory_space<hbm>>
      %dma_start3A_1227 = tpu.memref_squeeze %dma_start3A_1226 : memref<1x50x1000xf32, #tpu.memory_space<hbm>> -> memref<50x1000xf32, #tpu.memory_space<hbm>>
      %dma_start3A_1228 = arith.constant 0 : i32
      %dma_start3A_1229 = arith.constant 0 : i32
      %dma_start3A_1230 = tpu.memref_slice %dma_start3A_1227[%dma_start3A_1228, %dma_start3A_1229] : memref<50x1000xf32, #tpu.memory_space<hbm>> -> memref<50x128xf32, #tpu.memory_space<hbm>>
      %dma_start3A_1231 = arith.constant 0 : i32
      %dma_start3A_1232 = arith.constant 0 : i32
      %dma_start3A_1233 = tpu.memref_slice %arg13[%dma_start3A_1208, %dma_start3A_1209, %dma_start3A_1231, %dma_start3A_1232] : memref<2x8x50x128xf32, #tpu.memory_space<vmem>> -> memref<1x1x50x128xf32, #tpu.memory_space<vmem>>
      %dma_start3A_1234 = tpu.memref_squeeze %dma_start3A_1233 : memref<1x1x50x128xf32, #tpu.memory_space<vmem>> -> memref<50x128xf32, #tpu.memory_space<vmem>>
      tpu.enqueue_dma source(%dma_start3A_1234 : memref<50x128xf32, #tpu.memory_space<vmem>>) target(%dma_start3A_1230 : memref<50x128xf32, #tpu.memory_space<hbm>>) target_semaphore(%dma_start3A_1223 : memref<!tpu.dma_semaphore, #tpu.memory_space<semaphore_mem>>)
      %dma_start3A_1235 = arith.constant 1 : i32
      %dma_start3A_1236 = arith.constant 1 : i32
      %dma_start3A_1237 = arith.constant 1 : i32
      %dma_start3A_1238 = arith.constant 0 : i32
      %dma_start3A_1239 = arith.constant 0 : i32
      %dma_start3A_1240 = tpu.memref_slice %arg13[%dma_start3A_1235, %dma_start3A_1236, %dma_start3A_1238, %dma_start3A_1239] : memref<2x8x50x128xf32, #tpu.memory_space<vmem>> -> memref<1x1x50x128xf32, #tpu.memory_space<vmem>>
      %dma_start3A_1241 = tpu.memref_squeeze %dma_start3A_1240 : memref<1x1x50x128xf32, #tpu.memory_space<vmem>> -> memref<50x128xf32, #tpu.memory_space<vmem>>
      %dma_start3A_1242 = arith.constant 0 : i32
      %dma_start3A_1243 = arith.constant 0 : i32
      %dma_start3A_1244 = tpu.memref_slice %arg11[%add3A_1079, %dma_start3A_1242, %dma_start3A_1243] : memref<4096x50x1000xf32, #tpu.memory_space<hbm>> -> memref<1x50x1000xf32, #tpu.memory_space<hbm>>
      %dma_start3A_1245 = tpu.memref_squeeze %dma_start3A_1244 : memref<1x50x1000xf32, #tpu.memory_space<hbm>> -> memref<50x1000xf32, #tpu.memory_space<hbm>>
      %dma_start3A_1246 = arith.constant 0 : i32
      %dma_start3A_1247 = arith.constant 128 : i32
      %dma_start3A_1248 = tpu.memref_slice %dma_start3A_1245[%dma_start3A_1246, %dma_start3A_1247] : memref<50x1000xf32, #tpu.memory_space<hbm>> -> memref<50x128xf32, #tpu.memory_space<hbm>>
      %dma_start3A_1249 = tpu.memref_slice %arg16[%dma_start3A_1237] : memref<2x!tpu.dma_semaphore, #tpu.memory_space<semaphore_mem>> -> memref<1x!tpu.dma_semaphore, #tpu.memory_space<semaphore_mem>>
      %dma_start3A_1250 = tpu.memref_squeeze %dma_start3A_1249 : memref<1x!tpu.dma_semaphore, #tpu.memory_space<semaphore_mem>> -> memref<!tpu.dma_semaphore, #tpu.memory_space<semaphore_mem>>
      %dma_start3A_1251 = arith.constant 0 : i32
      %dma_start3A_1252 = arith.constant 0 : i32
      %dma_start3A_1253 = tpu.memref_slice %arg11[%add3A_1079, %dma_start3A_1251, %dma_start3A_1252] : memref<4096x50x1000xf32, #tpu.memory_space<hbm>> -> memref<1x50x1000xf32, #tpu.memory_space<hbm>>
      %dma_start3A_1254 = tpu.memref_squeeze %dma_start3A_1253 : memref<1x50x1000xf32, #tpu.memory_space<hbm>> -> memref<50x1000xf32, #tpu.memory_space<hbm>>
      %dma_start3A_1255 = arith.constant 0 : i32
      %dma_start3A_1256 = arith.constant 128 : i32
      %dma_start3A_1257 = tpu.memref_slice %dma_start3A_1254[%dma_start3A_1255, %dma_start3A_1256] : memref<50x1000xf32, #tpu.memory_space<hbm>> -> memref<50x128xf32, #tpu.memory_space<hbm>>
      %dma_start3A_1258 = arith.constant 0 : i32
      %dma_start3A_1259 = arith.constant 0 : i32
      %dma_start3A_1260 = tpu.memref_slice %arg13[%dma_start3A_1235, %dma_start3A_1236, %dma_start3A_1258, %dma_start3A_1259] : memref<2x8x50x128xf32, #tpu.memory_space<vmem>> -> memref<1x1x50x128xf32, #tpu.memory_space<vmem>>
      %dma_start3A_1261 = tpu.memref_squeeze %dma_start3A_1260 : memref<1x1x50x128xf32, #tpu.memory_space<vmem>> -> memref<50x128xf32, #tpu.memory_space<vmem>>
      tpu.enqueue_dma source(%dma_start3A_1261 : memref<50x128xf32, #tpu.memory_space<vmem>>) target(%dma_start3A_1257 : memref<50x128xf32, #tpu.memory_space<hbm>>) target_semaphore(%dma_start3A_1250 : memref<!tpu.dma_semaphore, #tpu.memory_space<semaphore_mem>>)
      %dma_start3A_1262 = arith.constant 1 : i32
      %dma_start3A_1263 = arith.constant 2 : i32
      %dma_start3A_1264 = arith.constant 1 : i32
      %dma_start3A_1265 = arith.constant 0 : i32
      %dma_start3A_1266 = arith.constant 0 : i32
      %dma_start3A_1267 = tpu.memref_slice %arg13[%dma_start3A_1262, %dma_start3A_1263, %dma_start3A_1265, %dma_start3A_1266] : memref<2x8x50x128xf32, #tpu.memory_space<vmem>> -> memref<1x1x50x128xf32, #tpu.memory_space<vmem>>
      %dma_start3A_1268 = tpu.memref_squeeze %dma_start3A_1267 : memref<1x1x50x128xf32, #tpu.memory_space<vmem>> -> memref<50x128xf32, #tpu.memory_space<vmem>>
      %dma_start3A_1269 = arith.constant 0 : i32
      %dma_start3A_1270 = arith.constant 0 : i32
      %dma_start3A_1271 = tpu.memref_slice %arg11[%add3A_1079, %dma_start3A_1269, %dma_start3A_1270] : memref<4096x50x1000xf32, #tpu.memory_space<hbm>> -> memref<1x50x1000xf32, #tpu.memory_space<hbm>>
      %dma_start3A_1272 = tpu.memref_squeeze %dma_start3A_1271 : memref<1x50x1000xf32, #tpu.memory_space<hbm>> -> memref<50x1000xf32, #tpu.memory_space<hbm>>
      %dma_start3A_1273 = arith.constant 0 : i32
      %dma_start3A_1274 = arith.constant 256 : i32
      %dma_start3A_1275 = tpu.memref_slice %dma_start3A_1272[%dma_start3A_1273, %dma_start3A_1274] : memref<50x1000xf32, #tpu.memory_space<hbm>> -> memref<50x128xf32, #tpu.memory_space<hbm>>
      %dma_start3A_1276 = tpu.memref_slice %arg16[%dma_start3A_1264] : memref<2x!tpu.dma_semaphore, #tpu.memory_space<semaphore_mem>> -> memref<1x!tpu.dma_semaphore, #tpu.memory_space<semaphore_mem>>
      %dma_start3A_1277 = tpu.memref_squeeze %dma_start3A_1276 : memref<1x!tpu.dma_semaphore, #tpu.memory_space<semaphore_mem>> -> memref<!tpu.dma_semaphore, #tpu.memory_space<semaphore_mem>>
      %dma_start3A_1278 = arith.constant 0 : i32
      %dma_start3A_1279 = arith.constant 0 : i32
      %dma_start3A_1280 = tpu.memref_slice %arg11[%add3A_1079, %dma_start3A_1278, %dma_start3A_1279] : memref<4096x50x1000xf32, #tpu.memory_space<hbm>> -> memref<1x50x1000xf32, #tpu.memory_space<hbm>>
      %dma_start3A_1281 = tpu.memref_squeeze %dma_start3A_1280 : memref<1x50x1000xf32, #tpu.memory_space<hbm>> -> memref<50x1000xf32, #tpu.memory_space<hbm>>
      %dma_start3A_1282 = arith.constant 0 : i32
      %dma_start3A_1283 = arith.constant 256 : i32
      %dma_start3A_1284 = tpu.memref_slice %dma_start3A_1281[%dma_start3A_1282, %dma_start3A_1283] : memref<50x1000xf32, #tpu.memory_space<hbm>> -> memref<50x128xf32, #tpu.memory_space<hbm>>
      %dma_start3A_1285 = arith.constant 0 : i32
      %dma_start3A_1286 = arith.constant 0 : i32
      %dma_start3A_1287 = tpu.memref_slice %arg13[%dma_start3A_1262, %dma_start3A_1263, %dma_start3A_1285, %dma_start3A_1286] : memref<2x8x50x128xf32, #tpu.memory_space<vmem>> -> memref<1x1x50x128xf32, #tpu.memory_space<vmem>>
      %dma_start3A_1288 = tpu.memref_squeeze %dma_start3A_1287 : memref<1x1x50x128xf32, #tpu.memory_space<vmem>> -> memref<50x128xf32, #tpu.memory_space<vmem>>
      tpu.enqueue_dma source(%dma_start3A_1288 : memref<50x128xf32, #tpu.memory_space<vmem>>) target(%dma_start3A_1284 : memref<50x128xf32, #tpu.memory_space<hbm>>) target_semaphore(%dma_start3A_1277 : memref<!tpu.dma_semaphore, #tpu.memory_space<semaphore_mem>>)
      %dma_start3A_1289 = arith.constant 1 : i32
      %dma_start3A_1290 = arith.constant 3 : i32
      %dma_start3A_1291 = arith.constant 1 : i32
      %dma_start3A_1292 = arith.constant 0 : i32
      %dma_start3A_1293 = arith.constant 0 : i32
      %dma_start3A_1294 = tpu.memref_slice %arg13[%dma_start3A_1289, %dma_start3A_1290, %dma_start3A_1292, %dma_start3A_1293] : memref<2x8x50x128xf32, #tpu.memory_space<vmem>> -> memref<1x1x50x128xf32, #tpu.memory_space<vmem>>
      %dma_start3A_1295 = tpu.memref_squeeze %dma_start3A_1294 : memref<1x1x50x128xf32, #tpu.memory_space<vmem>> -> memref<50x128xf32, #tpu.memory_space<vmem>>
      %dma_start3A_1296 = arith.constant 0 : i32
      %dma_start3A_1297 = arith.constant 0 : i32
      %dma_start3A_1298 = tpu.memref_slice %arg11[%add3A_1079, %dma_start3A_1296, %dma_start3A_1297] : memref<4096x50x1000xf32, #tpu.memory_space<hbm>> -> memref<1x50x1000xf32, #tpu.memory_space<hbm>>
      %dma_start3A_1299 = tpu.memref_squeeze %dma_start3A_1298 : memref<1x50x1000xf32, #tpu.memory_space<hbm>> -> memref<50x1000xf32, #tpu.memory_space<hbm>>
      %dma_start3A_1300 = arith.constant 0 : i32
      %dma_start3A_1301 = arith.constant 384 : i32
      %dma_start3A_1302 = tpu.memref_slice %dma_start3A_1299[%dma_start3A_1300, %dma_start3A_1301] : memref<50x1000xf32, #tpu.memory_space<hbm>> -> memref<50x128xf32, #tpu.memory_space<hbm>>
      %dma_start3A_1303 = tpu.memref_slice %arg16[%dma_start3A_1291] : memref<2x!tpu.dma_semaphore, #tpu.memory_space<semaphore_mem>> -> memref<1x!tpu.dma_semaphore, #tpu.memory_space<semaphore_mem>>
      %dma_start3A_1304 = tpu.memref_squeeze %dma_start3A_1303 : memref<1x!tpu.dma_semaphore, #tpu.memory_space<semaphore_mem>> -> memref<!tpu.dma_semaphore, #tpu.memory_space<semaphore_mem>>
      %dma_start3A_1305 = arith.constant 0 : i32
      %dma_start3A_1306 = arith.constant 0 : i32
      %dma_start3A_1307 = tpu.memref_slice %arg11[%add3A_1079, %dma_start3A_1305, %dma_start3A_1306] : memref<4096x50x1000xf32, #tpu.memory_space<hbm>> -> memref<1x50x1000xf32, #tpu.memory_space<hbm>>
      %dma_start3A_1308 = tpu.memref_squeeze %dma_start3A_1307 : memref<1x50x1000xf32, #tpu.memory_space<hbm>> -> memref<50x1000xf32, #tpu.memory_space<hbm>>
      %dma_start3A_1309 = arith.constant 0 : i32
      %dma_start3A_1310 = arith.constant 384 : i32
      %dma_start3A_1311 = tpu.memref_slice %dma_start3A_1308[%dma_start3A_1309, %dma_start3A_1310] : memref<50x1000xf32, #tpu.memory_space<hbm>> -> memref<50x128xf32, #tpu.memory_space<hbm>>
      %dma_start3A_1312 = arith.constant 0 : i32
      %dma_start3A_1313 = arith.constant 0 : i32
      %dma_start3A_1314 = tpu.memref_slice %arg13[%dma_start3A_1289, %dma_start3A_1290, %dma_start3A_1312, %dma_start3A_1313] : memref<2x8x50x128xf32, #tpu.memory_space<vmem>> -> memref<1x1x50x128xf32, #tpu.memory_space<vmem>>
      %dma_start3A_1315 = tpu.memref_squeeze %dma_start3A_1314 : memref<1x1x50x128xf32, #tpu.memory_space<vmem>> -> memref<50x128xf32, #tpu.memory_space<vmem>>
      tpu.enqueue_dma source(%dma_start3A_1315 : memref<50x128xf32, #tpu.memory_space<vmem>>) target(%dma_start3A_1311 : memref<50x128xf32, #tpu.memory_space<hbm>>) target_semaphore(%dma_start3A_1304 : memref<!tpu.dma_semaphore, #tpu.memory_space<semaphore_mem>>)
      %dma_start3A_1316 = arith.constant 1 : i32
      %dma_start3A_1317 = arith.constant 4 : i32
      %dma_start3A_1318 = arith.constant 1 : i32
      %dma_start3A_1319 = arith.constant 0 : i32
      %dma_start3A_1320 = arith.constant 0 : i32
      %dma_start3A_1321 = tpu.memref_slice %arg13[%dma_start3A_1316, %dma_start3A_1317, %dma_start3A_1319, %dma_start3A_1320] : memref<2x8x50x128xf32, #tpu.memory_space<vmem>> -> memref<1x1x50x128xf32, #tpu.memory_space<vmem>>
      %dma_start3A_1322 = tpu.memref_squeeze %dma_start3A_1321 : memref<1x1x50x128xf32, #tpu.memory_space<vmem>> -> memref<50x128xf32, #tpu.memory_space<vmem>>
      %dma_start3A_1323 = arith.constant 0 : i32
      %dma_start3A_1324 = arith.constant 0 : i32
      %dma_start3A_1325 = tpu.memref_slice %arg11[%add3A_1079, %dma_start3A_1323, %dma_start3A_1324] : memref<4096x50x1000xf32, #tpu.memory_space<hbm>> -> memref<1x50x1000xf32, #tpu.memory_space<hbm>>
      %dma_start3A_1326 = tpu.memref_squeeze %dma_start3A_1325 : memref<1x50x1000xf32, #tpu.memory_space<hbm>> -> memref<50x1000xf32, #tpu.memory_space<hbm>>
      %dma_start3A_1327 = arith.constant 0 : i32
      %dma_start3A_1328 = arith.constant 512 : i32
      %dma_start3A_1329 = tpu.memref_slice %dma_start3A_1326[%dma_start3A_1327, %dma_start3A_1328] : memref<50x1000xf32, #tpu.memory_space<hbm>> -> memref<50x128xf32, #tpu.memory_space<hbm>>
      %dma_start3A_1330 = tpu.memref_slice %arg16[%dma_start3A_1318] : memref<2x!tpu.dma_semaphore, #tpu.memory_space<semaphore_mem>> -> memref<1x!tpu.dma_semaphore, #tpu.memory_space<semaphore_mem>>
      %dma_start3A_1331 = tpu.memref_squeeze %dma_start3A_1330 : memref<1x!tpu.dma_semaphore, #tpu.memory_space<semaphore_mem>> -> memref<!tpu.dma_semaphore, #tpu.memory_space<semaphore_mem>>
      %dma_start3A_1332 = arith.constant 0 : i32
      %dma_start3A_1333 = arith.constant 0 : i32
      %dma_start3A_1334 = tpu.memref_slice %arg11[%add3A_1079, %dma_start3A_1332, %dma_start3A_1333] : memref<4096x50x1000xf32, #tpu.memory_space<hbm>> -> memref<1x50x1000xf32, #tpu.memory_space<hbm>>
      %dma_start3A_1335 = tpu.memref_squeeze %dma_start3A_1334 : memref<1x50x1000xf32, #tpu.memory_space<hbm>> -> memref<50x1000xf32, #tpu.memory_space<hbm>>
      %dma_start3A_1336 = arith.constant 0 : i32
      %dma_start3A_1337 = arith.constant 512 : i32
      %dma_start3A_1338 = tpu.memref_slice %dma_start3A_1335[%dma_start3A_1336, %dma_start3A_1337] : memref<50x1000xf32, #tpu.memory_space<hbm>> -> memref<50x128xf32, #tpu.memory_space<hbm>>
      %dma_start3A_1339 = arith.constant 0 : i32
      %dma_start3A_1340 = arith.constant 0 : i32
      %dma_start3A_1341 = tpu.memref_slice %arg13[%dma_start3A_1316, %dma_start3A_1317, %dma_start3A_1339, %dma_start3A_1340] : memref<2x8x50x128xf32, #tpu.memory_space<vmem>> -> memref<1x1x50x128xf32, #tpu.memory_space<vmem>>
      %dma_start3A_1342 = tpu.memref_squeeze %dma_start3A_1341 : memref<1x1x50x128xf32, #tpu.memory_space<vmem>> -> memref<50x128xf32, #tpu.memory_space<vmem>>
      tpu.enqueue_dma source(%dma_start3A_1342 : memref<50x128xf32, #tpu.memory_space<vmem>>) target(%dma_start3A_1338 : memref<50x128xf32, #tpu.memory_space<hbm>>) target_semaphore(%dma_start3A_1331 : memref<!tpu.dma_semaphore, #tpu.memory_space<semaphore_mem>>)
      %dma_start3A_1343 = arith.constant 1 : i32
      %dma_start3A_1344 = arith.constant 5 : i32
      %dma_start3A_1345 = arith.constant 1 : i32
      %dma_start3A_1346 = arith.constant 0 : i32
      %dma_start3A_1347 = arith.constant 0 : i32
      %dma_start3A_1348 = tpu.memref_slice %arg13[%dma_start3A_1343, %dma_start3A_1344, %dma_start3A_1346, %dma_start3A_1347] : memref<2x8x50x128xf32, #tpu.memory_space<vmem>> -> memref<1x1x50x128xf32, #tpu.memory_space<vmem>>
      %dma_start3A_1349 = tpu.memref_squeeze %dma_start3A_1348 : memref<1x1x50x128xf32, #tpu.memory_space<vmem>> -> memref<50x128xf32, #tpu.memory_space<vmem>>
      %dma_start3A_1350 = arith.constant 0 : i32
      %dma_start3A_1351 = arith.constant 0 : i32
      %dma_start3A_1352 = tpu.memref_slice %arg11[%add3A_1079, %dma_start3A_1350, %dma_start3A_1351] : memref<4096x50x1000xf32, #tpu.memory_space<hbm>> -> memref<1x50x1000xf32, #tpu.memory_space<hbm>>
      %dma_start3A_1353 = tpu.memref_squeeze %dma_start3A_1352 : memref<1x50x1000xf32, #tpu.memory_space<hbm>> -> memref<50x1000xf32, #tpu.memory_space<hbm>>
      %dma_start3A_1354 = arith.constant 0 : i32
      %dma_start3A_1355 = arith.constant 640 : i32
      %dma_start3A_1356 = tpu.memref_slice %dma_start3A_1353[%dma_start3A_1354, %dma_start3A_1355] : memref<50x1000xf32, #tpu.memory_space<hbm>> -> memref<50x128xf32, #tpu.memory_space<hbm>>
      %dma_start3A_1357 = tpu.memref_slice %arg16[%dma_start3A_1345] : memref<2x!tpu.dma_semaphore, #tpu.memory_space<semaphore_mem>> -> memref<1x!tpu.dma_semaphore, #tpu.memory_space<semaphore_mem>>
      %dma_start3A_1358 = tpu.memref_squeeze %dma_start3A_1357 : memref<1x!tpu.dma_semaphore, #tpu.memory_space<semaphore_mem>> -> memref<!tpu.dma_semaphore, #tpu.memory_space<semaphore_mem>>
      %dma_start3A_1359 = arith.constant 0 : i32
      %dma_start3A_1360 = arith.constant 0 : i32
      %dma_start3A_1361 = tpu.memref_slice %arg11[%add3A_1079, %dma_start3A_1359, %dma_start3A_1360] : memref<4096x50x1000xf32, #tpu.memory_space<hbm>> -> memref<1x50x1000xf32, #tpu.memory_space<hbm>>
      %dma_start3A_1362 = tpu.memref_squeeze %dma_start3A_1361 : memref<1x50x1000xf32, #tpu.memory_space<hbm>> -> memref<50x1000xf32, #tpu.memory_space<hbm>>
      %dma_start3A_1363 = arith.constant 0 : i32
      %dma_start3A_1364 = arith.constant 640 : i32
      %dma_start3A_1365 = tpu.memref_slice %dma_start3A_1362[%dma_start3A_1363, %dma_start3A_1364] : memref<50x1000xf32, #tpu.memory_space<hbm>> -> memref<50x128xf32, #tpu.memory_space<hbm>>
      %dma_start3A_1366 = arith.constant 0 : i32
      %dma_start3A_1367 = arith.constant 0 : i32
      %dma_start3A_1368 = tpu.memref_slice %arg13[%dma_start3A_1343, %dma_start3A_1344, %dma_start3A_1366, %dma_start3A_1367] : memref<2x8x50x128xf32, #tpu.memory_space<vmem>> -> memref<1x1x50x128xf32, #tpu.memory_space<vmem>>
      %dma_start3A_1369 = tpu.memref_squeeze %dma_start3A_1368 : memref<1x1x50x128xf32, #tpu.memory_space<vmem>> -> memref<50x128xf32, #tpu.memory_space<vmem>>
      tpu.enqueue_dma source(%dma_start3A_1369 : memref<50x128xf32, #tpu.memory_space<vmem>>) target(%dma_start3A_1365 : memref<50x128xf32, #tpu.memory_space<hbm>>) target_semaphore(%dma_start3A_1358 : memref<!tpu.dma_semaphore, #tpu.memory_space<semaphore_mem>>)
      %dma_start3A_1370 = arith.constant 1 : i32
      %dma_start3A_1371 = arith.constant 6 : i32
      %dma_start3A_1372 = arith.constant 1 : i32
      %dma_start3A_1373 = arith.constant 0 : i32
      %dma_start3A_1374 = arith.constant 0 : i32
      %dma_start3A_1375 = tpu.memref_slice %arg13[%dma_start3A_1370, %dma_start3A_1371, %dma_start3A_1373, %dma_start3A_1374] : memref<2x8x50x128xf32, #tpu.memory_space<vmem>> -> memref<1x1x50x128xf32, #tpu.memory_space<vmem>>
      %dma_start3A_1376 = tpu.memref_squeeze %dma_start3A_1375 : memref<1x1x50x128xf32, #tpu.memory_space<vmem>> -> memref<50x128xf32, #tpu.memory_space<vmem>>
      %dma_start3A_1377 = arith.constant 0 : i32
      %dma_start3A_1378 = arith.constant 0 : i32
      %dma_start3A_1379 = tpu.memref_slice %arg11[%add3A_1079, %dma_start3A_1377, %dma_start3A_1378] : memref<4096x50x1000xf32, #tpu.memory_space<hbm>> -> memref<1x50x1000xf32, #tpu.memory_space<hbm>>
      %dma_start3A_1380 = tpu.memref_squeeze %dma_start3A_1379 : memref<1x50x1000xf32, #tpu.memory_space<hbm>> -> memref<50x1000xf32, #tpu.memory_space<hbm>>
      %dma_start3A_1381 = arith.constant 0 : i32
      %dma_start3A_1382 = arith.constant 768 : i32
      %dma_start3A_1383 = tpu.memref_slice %dma_start3A_1380[%dma_start3A_1381, %dma_start3A_1382] : memref<50x1000xf32, #tpu.memory_space<hbm>> -> memref<50x128xf32, #tpu.memory_space<hbm>>
      %dma_start3A_1384 = tpu.memref_slice %arg16[%dma_start3A_1372] : memref<2x!tpu.dma_semaphore, #tpu.memory_space<semaphore_mem>> -> memref<1x!tpu.dma_semaphore, #tpu.memory_space<semaphore_mem>>
      %dma_start3A_1385 = tpu.memref_squeeze %dma_start3A_1384 : memref<1x!tpu.dma_semaphore, #tpu.memory_space<semaphore_mem>> -> memref<!tpu.dma_semaphore, #tpu.memory_space<semaphore_mem>>
      %dma_start3A_1386 = arith.constant 0 : i32
      %dma_start3A_1387 = arith.constant 0 : i32
      %dma_start3A_1388 = tpu.memref_slice %arg11[%add3A_1079, %dma_start3A_1386, %dma_start3A_1387] : memref<4096x50x1000xf32, #tpu.memory_space<hbm>> -> memref<1x50x1000xf32, #tpu.memory_space<hbm>>
      %dma_start3A_1389 = tpu.memref_squeeze %dma_start3A_1388 : memref<1x50x1000xf32, #tpu.memory_space<hbm>> -> memref<50x1000xf32, #tpu.memory_space<hbm>>
      %dma_start3A_1390 = arith.constant 0 : i32
      %dma_start3A_1391 = arith.constant 768 : i32
      %dma_start3A_1392 = tpu.memref_slice %dma_start3A_1389[%dma_start3A_1390, %dma_start3A_1391] : memref<50x1000xf32, #tpu.memory_space<hbm>> -> memref<50x128xf32, #tpu.memory_space<hbm>>
      %dma_start3A_1393 = arith.constant 0 : i32
      %dma_start3A_1394 = arith.constant 0 : i32
      %dma_start3A_1395 = tpu.memref_slice %arg13[%dma_start3A_1370, %dma_start3A_1371, %dma_start3A_1393, %dma_start3A_1394] : memref<2x8x50x128xf32, #tpu.memory_space<vmem>> -> memref<1x1x50x128xf32, #tpu.memory_space<vmem>>
      %dma_start3A_1396 = tpu.memref_squeeze %dma_start3A_1395 : memref<1x1x50x128xf32, #tpu.memory_space<vmem>> -> memref<50x128xf32, #tpu.memory_space<vmem>>
      tpu.enqueue_dma source(%dma_start3A_1396 : memref<50x128xf32, #tpu.memory_space<vmem>>) target(%dma_start3A_1392 : memref<50x128xf32, #tpu.memory_space<hbm>>) target_semaphore(%dma_start3A_1385 : memref<!tpu.dma_semaphore, #tpu.memory_space<semaphore_mem>>)
      %ge3A_1397 = arith.constant 1 : i32
      %ge3A_1398 = arith.cmpi sge, %add3A_1078, %ge3A_1397 : i32
      %convert_element_type3A_1399 = arith.extui %ge3A_1398 : i1 to i32
      %cond3A_1400 = arith.constant 0 : i32
      %cond3A_1401 = arith.cmpi ne, %convert_element_type3A_1399, %cond3A_1400 : i32
      scf.if %cond3A_1401 {
        %sub3A_1429 = arith.constant 1 : i32
        %sub3A_1430 = arith.subi %add3A_1079, %sub3A_1429 : i32
        %dma_wait3A_1431 = arith.constant 0 : i32
        %dma_wait3A_1432 = arith.constant 0 : i32
        %dma_wait3A_1433 = tpu.memref_slice %arg11[%sub3A_1430, %dma_wait3A_1431, %dma_wait3A_1432] : memref<4096x50x1000xf32, #tpu.memory_space<hbm>> -> memref<1x50x1000xf32, #tpu.memory_space<hbm>>
        %dma_wait3A_1434 = tpu.memref_squeeze %dma_wait3A_1433 : memref<1x50x1000xf32, #tpu.memory_space<hbm>> -> memref<50x1000xf32, #tpu.memory_space<hbm>>
        %dma_wait3A_1435 = arith.constant 0 : i32
        %dma_wait3A_1436 = arith.constant 896 : i32
        %dma_wait3A_1437 = tpu.memref_slice %dma_wait3A_1434[%dma_wait3A_1435, %dma_wait3A_1436] : memref<50x1000xf32, #tpu.memory_space<hbm>> -> memref<50x104xf32, #tpu.memory_space<hbm>>
        %dma_wait3A_1438 = arith.constant 0 : i32
        %dma_wait3A_1439 = arith.constant 0 : i32
        %dma_wait3A_1440 = tpu.memref_slice %arg11[%sub3A_1430, %dma_wait3A_1438, %dma_wait3A_1439] : memref<4096x50x1000xf32, #tpu.memory_space<hbm>> -> memref<1x50x1000xf32, #tpu.memory_space<hbm>>
        %dma_wait3A_1441 = tpu.memref_squeeze %dma_wait3A_1440 : memref<1x50x1000xf32, #tpu.memory_space<hbm>> -> memref<50x1000xf32, #tpu.memory_space<hbm>>
        %dma_wait3A_1442 = arith.constant 0 : i32
        %dma_wait3A_1443 = arith.constant 896 : i32
        %dma_wait3A_1444 = tpu.memref_slice %dma_wait3A_1441[%dma_wait3A_1442, %dma_wait3A_1443] : memref<50x1000xf32, #tpu.memory_space<hbm>> -> memref<50x104xf32, #tpu.memory_space<hbm>>
        tpu.wait_dma2 semaphore(%arg17 : memref<!tpu.dma_semaphore, #tpu.memory_space<semaphore_mem>>) src(%arg14 : memref<50x104xf32, #tpu.memory_space<vmem>>) dst(%dma_wait3A_1444 : memref<50x104xf32, #tpu.memory_space<hbm>>)
      } else {
      }
      %scan3A_1402 = arith.constant 0 : i32
      %scan3A_1403 = arith.constant 0 : i32
      %scan3A_1404 = arith.constant 50 : i32
      %scan3A_1405 = arith.addi %scan3A_1403, %scan3A_1404 : i32
      %scan3A_1406 = arith.constant 1 : i32
      scf.for %scan3A_1429 = %scan3A_1403 to %scan3A_1405 step %scan3A_1406  : i32 {
        %get3A = arith.constant 1 : i32
        %get3A_1430 = arith.constant 7 : i32
        %get3A_1431 = arith.index_cast %get3A : i32 to index
        %get3A_1432 = arith.index_cast %get3A_1430 : i32 to index
        %get3A_1433 = arith.index_cast %scan3A_1429 : i32 to index
        %get3A_1434 = arith.constant 0 : index
        %get3A_1435 = tpu.vector_load %arg13[%get3A_1431, %get3A_1432, %get3A_1433, %get3A_1434] {strides = array<i32>} : memref<2x8x50x128xf32, #tpu.memory_space<vmem>>, vector<1x1x1x16xf32>,
        %get3A_1436 = vector.shape_cast %get3A_1435 : vector<1x1x1x16xf32> to vector<16xf32>
        %swap3A = arith.index_cast %scan3A_1429 : i32 to index
        %swap3A_1437 = arith.constant 0 : index
        %swap3A_1438 = tpu.vector_load %arg14[%swap3A, %swap3A_1437] {strides = array<i32>} : memref<50x104xf32, #tpu.memory_space<vmem>>, vector<1x16xf32>,
        %swap3A_1439 = vector.shape_cast %swap3A_1438 : vector<1x16xf32> to vector<16xf32>
        %swap3A_1440 = vector.shape_cast %get3A_1436 : vector<16xf32> to vector<1x16xf32>
        tpu.vector_store %arg14[%swap3A, %swap3A_1437], %swap3A_1440 {strides = array<i32>} : memref<50x104xf32, #tpu.memory_space<vmem>>, vector<1x16xf32>,
        %get3A_1441 = arith.constant 1 : i32
        %get3A_1442 = arith.constant 7 : i32
        %get3A_1443 = arith.index_cast %get3A_1441 : i32 to index
        %get3A_1444 = arith.index_cast %get3A_1442 : i32 to index
        %get3A_1445 = arith.index_cast %scan3A_1429 : i32 to index
        %get3A_1446 = arith.constant 16 : index
        %get3A_1447 = tpu.vector_load %arg13[%get3A_1443, %get3A_1444, %get3A_1445, %get3A_1446] {strides = array<i32>} : memref<2x8x50x128xf32, #tpu.memory_space<vmem>>, vector<1x1x1x16xf32>,
        %get3A_1448 = vector.shape_cast %get3A_1447 : vector<1x1x1x16xf32> to vector<16xf32>
        %swap3A_1449 = arith.index_cast %scan3A_1429 : i32 to index
        %swap3A_1450 = arith.constant 16 : index
        %swap3A_1451 = tpu.vector_load %arg14[%swap3A_1449, %swap3A_1450] {strides = array<i32>} : memref<50x104xf32, #tpu.memory_space<vmem>>, vector<1x16xf32>,
        %swap3A_1452 = vector.shape_cast %swap3A_1451 : vector<1x16xf32> to vector<16xf32>
        %swap3A_1453 = vector.shape_cast %get3A_1448 : vector<16xf32> to vector<1x16xf32>
        tpu.vector_store %arg14[%swap3A_1449, %swap3A_1450], %swap3A_1453 {strides = array<i32>} : memref<50x104xf32, #tpu.memory_space<vmem>>, vector<1x16xf32>,
        %get3A_1454 = arith.constant 1 : i32
        %get3A_1455 = arith.constant 7 : i32
        %get3A_1456 = arith.index_cast %get3A_1454 : i32 to index
        %get3A_1457 = arith.index_cast %get3A_1455 : i32 to index
        %get3A_1458 = arith.index_cast %scan3A_1429 : i32 to index
        %get3A_1459 = arith.constant 32 : index
        %get3A_1460 = tpu.vector_load %arg13[%get3A_1456, %get3A_1457, %get3A_1458, %get3A_1459] {strides = array<i32>} : memref<2x8x50x128xf32, #tpu.memory_space<vmem>>, vector<1x1x1x16xf32>,
        %get3A_1461 = vector.shape_cast %get3A_1460 : vector<1x1x1x16xf32> to vector<16xf32>
        %swap3A_1462 = arith.index_cast %scan3A_1429 : i32 to index
        %swap3A_1463 = arith.constant 32 : index
        %swap3A_1464 = tpu.vector_load %arg14[%swap3A_1462, %swap3A_1463] {strides = array<i32>} : memref<50x104xf32, #tpu.memory_space<vmem>>, vector<1x16xf32>,
        %swap3A_1465 = vector.shape_cast %swap3A_1464 : vector<1x16xf32> to vector<16xf32>
        %swap3A_1466 = vector.shape_cast %get3A_1461 : vector<16xf32> to vector<1x16xf32>
        tpu.vector_store %arg14[%swap3A_1462, %swap3A_1463], %swap3A_1466 {strides = array<i32>} : memref<50x104xf32, #tpu.memory_space<vmem>>, vector<1x16xf32>,
        %get3A_1467 = arith.constant 1 : i32
        %get3A_1468 = arith.constant 7 : i32
        %get3A_1469 = arith.index_cast %get3A_1467 : i32 to index
        %get3A_1470 = arith.index_cast %get3A_1468 : i32 to index
        %get3A_1471 = arith.index_cast %scan3A_1429 : i32 to index
        %get3A_1472 = arith.constant 48 : index
        %get3A_1473 = tpu.vector_load %arg13[%get3A_1469, %get3A_1470, %get3A_1471, %get3A_1472] {strides = array<i32>} : memref<2x8x50x128xf32, #tpu.memory_space<vmem>>, vector<1x1x1x16xf32>,
        %get3A_1474 = vector.shape_cast %get3A_1473 : vector<1x1x1x16xf32> to vector<16xf32>
        %swap3A_1475 = arith.index_cast %scan3A_1429 : i32 to index
        %swap3A_1476 = arith.constant 48 : index
        %swap3A_1477 = tpu.vector_load %arg14[%swap3A_1475, %swap3A_1476] {strides = array<i32>} : memref<50x104xf32, #tpu.memory_space<vmem>>, vector<1x16xf32>,
        %swap3A_1478 = vector.shape_cast %swap3A_1477 : vector<1x16xf32> to vector<16xf32>
        %swap3A_1479 = vector.shape_cast %get3A_1474 : vector<16xf32> to vector<1x16xf32>
        tpu.vector_store %arg14[%swap3A_1475, %swap3A_1476], %swap3A_1479 {strides = array<i32>} : memref<50x104xf32, #tpu.memory_space<vmem>>, vector<1x16xf32>,
        %get3A_1480 = arith.constant 1 : i32
        %get3A_1481 = arith.constant 7 : i32
        %get3A_1482 = arith.index_cast %get3A_1480 : i32 to index
        %get3A_1483 = arith.index_cast %get3A_1481 : i32 to index
        %get3A_1484 = arith.index_cast %scan3A_1429 : i32 to index
        %get3A_1485 = arith.constant 64 : index
        %get3A_1486 = tpu.vector_load %arg13[%get3A_1482, %get3A_1483, %get3A_1484, %get3A_1485] {strides = array<i32>} : memref<2x8x50x128xf32, #tpu.memory_space<vmem>>, vector<1x1x1x16xf32>,
        %get3A_1487 = vector.shape_cast %get3A_1486 : vector<1x1x1x16xf32> to vector<16xf32>
        %swap3A_1488 = arith.index_cast %scan3A_1429 : i32 to index
        %swap3A_1489 = arith.constant 64 : index
        %swap3A_1490 = tpu.vector_load %arg14[%swap3A_1488, %swap3A_1489] {strides = array<i32>} : memref<50x104xf32, #tpu.memory_space<vmem>>, vector<1x16xf32>,
        %swap3A_1491 = vector.shape_cast %swap3A_1490 : vector<1x16xf32> to vector<16xf32>
        %swap3A_1492 = vector.shape_cast %get3A_1487 : vector<16xf32> to vector<1x16xf32>
        tpu.vector_store %arg14[%swap3A_1488, %swap3A_1489], %swap3A_1492 {strides = array<i32>} : memref<50x104xf32, #tpu.memory_space<vmem>>, vector<1x16xf32>,
        %get3A_1493 = arith.constant 1 : i32
        %get3A_1494 = arith.constant 7 : i32
        %get3A_1495 = arith.index_cast %get3A_1493 : i32 to index
        %get3A_1496 = arith.index_cast %get3A_1494 : i32 to index
        %get3A_1497 = arith.index_cast %scan3A_1429 : i32 to index
        %get3A_1498 = arith.constant 80 : index
        %get3A_1499 = tpu.vector_load %arg13[%get3A_1495, %get3A_1496, %get3A_1497, %get3A_1498] {strides = array<i32>} : memref<2x8x50x128xf32, #tpu.memory_space<vmem>>, vector<1x1x1x16xf32>,
        %get3A_1500 = vector.shape_cast %get3A_1499 : vector<1x1x1x16xf32> to vector<16xf32>
        %swap3A_1501 = arith.index_cast %scan3A_1429 : i32 to index
        %swap3A_1502 = arith.constant 80 : index
        %swap3A_1503 = tpu.vector_load %arg14[%swap3A_1501, %swap3A_1502] {strides = array<i32>} : memref<50x104xf32, #tpu.memory_space<vmem>>, vector<1x16xf32>,
        %swap3A_1504 = vector.shape_cast %swap3A_1503 : vector<1x16xf32> to vector<16xf32>
        %swap3A_1505 = vector.shape_cast %get3A_1500 : vector<16xf32> to vector<1x16xf32>
        tpu.vector_store %arg14[%swap3A_1501, %swap3A_1502], %swap3A_1505 {strides = array<i32>} : memref<50x104xf32, #tpu.memory_space<vmem>>, vector<1x16xf32>,
        %get3A_1506 = arith.constant 1 : i32
        %get3A_1507 = arith.constant 7 : i32
        %get3A_1508 = arith.index_cast %get3A_1506 : i32 to index
        %get3A_1509 = arith.index_cast %get3A_1507 : i32 to index
        %get3A_1510 = arith.index_cast %scan3A_1429 : i32 to index
        %get3A_1511 = arith.constant 88 : index
        %get3A_1512 = tpu.vector_load %arg13[%get3A_1508, %get3A_1509, %get3A_1510, %get3A_1511] {strides = array<i32>} : memref<2x8x50x128xf32, #tpu.memory_space<vmem>>, vector<1x1x1x16xf32>,
        %get3A_1513 = vector.shape_cast %get3A_1512 : vector<1x1x1x16xf32> to vector<16xf32>
        %swap3A_1514 = arith.index_cast %scan3A_1429 : i32 to index
        %swap3A_1515 = arith.constant 88 : index
        %swap3A_1516 = tpu.vector_load %arg14[%swap3A_1514, %swap3A_1515] {strides = array<i32>} : memref<50x104xf32, #tpu.memory_space<vmem>>, vector<1x16xf32>,
        %swap3A_1517 = vector.shape_cast %swap3A_1516 : vector<1x16xf32> to vector<16xf32>
        %swap3A_1518 = vector.shape_cast %get3A_1513 : vector<16xf32> to vector<1x16xf32>
        tpu.vector_store %arg14[%swap3A_1514, %swap3A_1515], %swap3A_1518 {strides = array<i32>} : memref<50x104xf32, #tpu.memory_space<vmem>>, vector<1x16xf32>,
      }
      %scan3A_1407 = arith.constant 50 : i32
      %dma_start3A_1408 = arith.constant 0 : i32
      %dma_start3A_1409 = arith.constant 0 : i32
      %dma_start3A_1410 = tpu.memref_slice %arg11[%add3A_1079, %dma_start3A_1408, %dma_start3A_1409] : memref<4096x50x1000xf32, #tpu.memory_space<hbm>> -> memref<1x50x1000xf32, #tpu.memory_space<hbm>>
      %dma_start3A_1411 = tpu.memref_squeeze %dma_start3A_1410 : memref<1x50x1000xf32, #tpu.memory_space<hbm>> -> memref<50x1000xf32, #tpu.memory_space<hbm>>
      %dma_start3A_1412 = arith.constant 0 : i32
      %dma_start3A_1413 = arith.constant 896 : i32
      %dma_start3A_1414 = tpu.memref_slice %dma_start3A_1411[%dma_start3A_1412, %dma_start3A_1413] : memref<50x1000xf32, #tpu.memory_space<hbm>> -> memref<50x104xf32, #tpu.memory_space<hbm>>
      %dma_start3A_1415 = arith.constant 0 : i32
      %dma_start3A_1416 = arith.constant 0 : i32
      %dma_start3A_1417 = tpu.memref_slice %arg11[%add3A_1079, %dma_start3A_1415, %dma_start3A_1416] : memref<4096x50x1000xf32, #tpu.memory_space<hbm>> -> memref<1x50x1000xf32, #tpu.memory_space<hbm>>
      %dma_start3A_1418 = tpu.memref_squeeze %dma_start3A_1417 : memref<1x50x1000xf32, #tpu.memory_space<hbm>> -> memref<50x1000xf32, #tpu.memory_space<hbm>>
      %dma_start3A_1419 = arith.constant 0 : i32
      %dma_start3A_1420 = arith.constant 896 : i32
      %dma_start3A_1421 = tpu.memref_slice %dma_start3A_1418[%dma_start3A_1419, %dma_start3A_1420] : memref<50x1000xf32, #tpu.memory_space<hbm>> -> memref<50x104xf32, #tpu.memory_space<hbm>>
      tpu.enqueue_dma source(%arg14 : memref<50x104xf32, #tpu.memory_space<vmem>>) target(%dma_start3A_1421 : memref<50x104xf32, #tpu.memory_space<hbm>>) target_semaphore(%arg17 : memref<!tpu.dma_semaphore, #tpu.memory_space<semaphore_mem>>)
      %add3A_1422 = arith.constant 2 : i32
      %add3A_1423 = arith.addi %add3A_1078, %add3A_1422 : i32
      %lt3A_1424 = arith.constant 128 : i32
      %lt3A_1425 = arith.cmpi slt, %add3A_1423, %lt3A_1424 : i32
      %convert_element_type3A_1426 = arith.extui %lt3A_1425 : i1 to i32
      %cond3A_1427 = arith.constant 0 : i32
      %cond3A_1428 = arith.cmpi ne, %convert_element_type3A_1426, %cond3A_1427 : i32
      scf.if %cond3A_1428 {
        %dma_wait3A_1429 = arith.constant 1 : i32
        %dma_wait3A_1430 = arith.constant 0 : i32
        %dma_wait3A_1431 = arith.constant 1 : i32
        %dma_wait3A_1432 = arith.constant 0 : i32
        %dma_wait3A_1433 = arith.constant 0 : i32
        %dma_wait3A_1434 = tpu.memref_slice %arg13[%dma_wait3A_1429, %dma_wait3A_1430, %dma_wait3A_1432, %dma_wait3A_1433] : memref<2x8x50x128xf32, #tpu.memory_space<vmem>> -> memref<1x1x50x128xf32, #tpu.memory_space<vmem>>
        %dma_wait3A_1435 = tpu.memref_squeeze %dma_wait3A_1434 : memref<1x1x50x128xf32, #tpu.memory_space<vmem>> -> memref<50x128xf32, #tpu.memory_space<vmem>>
        %dma_wait3A_1436 = arith.constant 0 : i32
        %dma_wait3A_1437 = arith.constant 0 : i32
        %dma_wait3A_1438 = tpu.memref_slice %arg11[%add3A_1079, %dma_wait3A_1436, %dma_wait3A_1437] : memref<4096x50x1000xf32, #tpu.memory_space<hbm>> -> memref<1x50x1000xf32, #tpu.memory_space<hbm>>
        %dma_wait3A_1439 = tpu.memref_squeeze %dma_wait3A_1438 : memref<1x50x1000xf32, #tpu.memory_space<hbm>> -> memref<50x1000xf32, #tpu.memory_space<hbm>>
        %dma_wait3A_1440 = arith.constant 0 : i32
        %dma_wait3A_1441 = arith.constant 0 : i32
        %dma_wait3A_1442 = tpu.memref_slice %dma_wait3A_1439[%dma_wait3A_1440, %dma_wait3A_1441] : memref<50x1000xf32, #tpu.memory_space<hbm>> -> memref<50x128xf32, #tpu.memory_space<hbm>>
        %dma_wait3A_1443 = tpu.memref_slice %arg16[%dma_wait3A_1431] : memref<2x!tpu.dma_semaphore, #tpu.memory_space<semaphore_mem>> -> memref<1x!tpu.dma_semaphore, #tpu.memory_space<semaphore_mem>>
        %dma_wait3A_1444 = tpu.memref_squeeze %dma_wait3A_1443 : memref<1x!tpu.dma_semaphore, #tpu.memory_space<semaphore_mem>> -> memref<!tpu.dma_semaphore, #tpu.memory_space<semaphore_mem>>
        %dma_wait3A_1445 = arith.constant 0 : i32
        %dma_wait3A_1446 = arith.constant 0 : i32
        %dma_wait3A_1447 = tpu.memref_slice %arg11[%add3A_1079, %dma_wait3A_1445, %dma_wait3A_1446] : memref<4096x50x1000xf32, #tpu.memory_space<hbm>> -> memref<1x50x1000xf32, #tpu.memory_space<hbm>>
        %dma_wait3A_1448 = tpu.memref_squeeze %dma_wait3A_1447 : memref<1x50x1000xf32, #tpu.memory_space<hbm>> -> memref<50x1000xf32, #tpu.memory_space<hbm>>
        %dma_wait3A_1449 = arith.constant 0 : i32
        %dma_wait3A_1450 = arith.constant 0 : i32
        %dma_wait3A_1451 = tpu.memref_slice %dma_wait3A_1448[%dma_wait3A_1449, %dma_wait3A_1450] : memref<50x1000xf32, #tpu.memory_space<hbm>> -> memref<50x128xf32, #tpu.memory_space<hbm>>
        %dma_wait3A_1452 = arith.constant 0 : i32
        %dma_wait3A_1453 = arith.constant 0 : i32
        %dma_wait3A_1454 = tpu.memref_slice %arg13[%dma_wait3A_1429, %dma_wait3A_1430, %dma_wait3A_1452, %dma_wait3A_1453] : memref<2x8x50x128xf32, #tpu.memory_space<vmem>> -> memref<1x1x50x128xf32, #tpu.memory_space<vmem>>
        %dma_wait3A_1455 = tpu.memref_squeeze %dma_wait3A_1454 : memref<1x1x50x128xf32, #tpu.memory_space<vmem>> -> memref<50x128xf32, #tpu.memory_space<vmem>>
        tpu.wait_dma2 semaphore(%dma_wait3A_1444 : memref<!tpu.dma_semaphore, #tpu.memory_space<semaphore_mem>>) src(%dma_wait3A_1455 : memref<50x128xf32, #tpu.memory_space<vmem>>) dst(%dma_wait3A_1451 : memref<50x128xf32, #tpu.memory_space<hbm>>)
        %dma_wait3A_1456 = arith.constant 1 : i32
        %dma_wait3A_1457 = arith.constant 1 : i32
        %dma_wait3A_1458 = arith.constant 1 : i32
        %dma_wait3A_1459 = arith.constant 0 : i32
        %dma_wait3A_1460 = arith.constant 0 : i32
        %dma_wait3A_1461 = tpu.memref_slice %arg13[%dma_wait3A_1456, %dma_wait3A_1457, %dma_wait3A_1459, %dma_wait3A_1460] : memref<2x8x50x128xf32, #tpu.memory_space<vmem>> -> memref<1x1x50x128xf32, #tpu.memory_space<vmem>>
        %dma_wait3A_1462 = tpu.memref_squeeze %dma_wait3A_1461 : memref<1x1x50x128xf32, #tpu.memory_space<vmem>> -> memref<50x128xf32, #tpu.memory_space<vmem>>
        %dma_wait3A_1463 = arith.constant 0 : i32
        %dma_wait3A_1464 = arith.constant 0 : i32
        %dma_wait3A_1465 = tpu.memref_slice %arg11[%add3A_1079, %dma_wait3A_1463, %dma_wait3A_1464] : memref<4096x50x1000xf32, #tpu.memory_space<hbm>> -> memref<1x50x1000xf32, #tpu.memory_space<hbm>>
        %dma_wait3A_1466 = tpu.memref_squeeze %dma_wait3A_1465 : memref<1x50x1000xf32, #tpu.memory_space<hbm>> -> memref<50x1000xf32, #tpu.memory_space<hbm>>
        %dma_wait3A_1467 = arith.constant 0 : i32
        %dma_wait3A_1468 = arith.constant 128 : i32
        %dma_wait3A_1469 = tpu.memref_slice %dma_wait3A_1466[%dma_wait3A_1467, %dma_wait3A_1468] : memref<50x1000xf32, #tpu.memory_space<hbm>> -> memref<50x128xf32, #tpu.memory_space<hbm>>
        %dma_wait3A_1470 = tpu.memref_slice %arg16[%dma_wait3A_1458] : memref<2x!tpu.dma_semaphore, #tpu.memory_space<semaphore_mem>> -> memref<1x!tpu.dma_semaphore, #tpu.memory_space<semaphore_mem>>
        %dma_wait3A_1471 = tpu.memref_squeeze %dma_wait3A_1470 : memref<1x!tpu.dma_semaphore, #tpu.memory_space<semaphore_mem>> -> memref<!tpu.dma_semaphore, #tpu.memory_space<semaphore_mem>>
        %dma_wait3A_1472 = arith.constant 0 : i32
        %dma_wait3A_1473 = arith.constant 0 : i32
        %dma_wait3A_1474 = tpu.memref_slice %arg11[%add3A_1079, %dma_wait3A_1472, %dma_wait3A_1473] : memref<4096x50x1000xf32, #tpu.memory_space<hbm>> -> memref<1x50x1000xf32, #tpu.memory_space<hbm>>
        %dma_wait3A_1475 = tpu.memref_squeeze %dma_wait3A_1474 : memref<1x50x1000xf32, #tpu.memory_space<hbm>> -> memref<50x1000xf32, #tpu.memory_space<hbm>>
        %dma_wait3A_1476 = arith.constant 0 : i32
        %dma_wait3A_1477 = arith.constant 128 : i32
        %dma_wait3A_1478 = tpu.memref_slice %dma_wait3A_1475[%dma_wait3A_1476, %dma_wait3A_1477] : memref<50x1000xf32, #tpu.memory_space<hbm>> -> memref<50x128xf32, #tpu.memory_space<hbm>>
        %dma_wait3A_1479 = arith.constant 0 : i32
        %dma_wait3A_1480 = arith.constant 0 : i32
        %dma_wait3A_1481 = tpu.memref_slice %arg13[%dma_wait3A_1456, %dma_wait3A_1457, %dma_wait3A_1479, %dma_wait3A_1480] : memref<2x8x50x128xf32, #tpu.memory_space<vmem>> -> memref<1x1x50x128xf32, #tpu.memory_space<vmem>>
        %dma_wait3A_1482 = tpu.memref_squeeze %dma_wait3A_1481 : memref<1x1x50x128xf32, #tpu.memory_space<vmem>> -> memref<50x128xf32, #tpu.memory_space<vmem>>
        tpu.wait_dma2 semaphore(%dma_wait3A_1471 : memref<!tpu.dma_semaphore, #tpu.memory_space<semaphore_mem>>) src(%dma_wait3A_1482 : memref<50x128xf32, #tpu.memory_space<vmem>>) dst(%dma_wait3A_1478 : memref<50x128xf32, #tpu.memory_space<hbm>>)
        %dma_wait3A_1483 = arith.constant 1 : i32
        %dma_wait3A_1484 = arith.constant 2 : i32
        %dma_wait3A_1485 = arith.constant 1 : i32
        %dma_wait3A_1486 = arith.constant 0 : i32
        %dma_wait3A_1487 = arith.constant 0 : i32
        %dma_wait3A_1488 = tpu.memref_slice %arg13[%dma_wait3A_1483, %dma_wait3A_1484, %dma_wait3A_1486, %dma_wait3A_1487] : memref<2x8x50x128xf32, #tpu.memory_space<vmem>> -> memref<1x1x50x128xf32, #tpu.memory_space<vmem>>
        %dma_wait3A_1489 = tpu.memref_squeeze %dma_wait3A_1488 : memref<1x1x50x128xf32, #tpu.memory_space<vmem>> -> memref<50x128xf32, #tpu.memory_space<vmem>>
        %dma_wait3A_1490 = arith.constant 0 : i32
        %dma_wait3A_1491 = arith.constant 0 : i32
        %dma_wait3A_1492 = tpu.memref_slice %arg11[%add3A_1079, %dma_wait3A_1490, %dma_wait3A_1491] : memref<4096x50x1000xf32, #tpu.memory_space<hbm>> -> memref<1x50x1000xf32, #tpu.memory_space<hbm>>
        %dma_wait3A_1493 = tpu.memref_squeeze %dma_wait3A_1492 : memref<1x50x1000xf32, #tpu.memory_space<hbm>> -> memref<50x1000xf32, #tpu.memory_space<hbm>>
        %dma_wait3A_1494 = arith.constant 0 : i32
        %dma_wait3A_1495 = arith.constant 256 : i32
        %dma_wait3A_1496 = tpu.memref_slice %dma_wait3A_1493[%dma_wait3A_1494, %dma_wait3A_1495] : memref<50x1000xf32, #tpu.memory_space<hbm>> -> memref<50x128xf32, #tpu.memory_space<hbm>>
        %dma_wait3A_1497 = tpu.memref_slice %arg16[%dma_wait3A_1485] : memref<2x!tpu.dma_semaphore, #tpu.memory_space<semaphore_mem>> -> memref<1x!tpu.dma_semaphore, #tpu.memory_space<semaphore_mem>>
        %dma_wait3A_1498 = tpu.memref_squeeze %dma_wait3A_1497 : memref<1x!tpu.dma_semaphore, #tpu.memory_space<semaphore_mem>> -> memref<!tpu.dma_semaphore, #tpu.memory_space<semaphore_mem>>
        %dma_wait3A_1499 = arith.constant 0 : i32
        %dma_wait3A_1500 = arith.constant 0 : i32
        %dma_wait3A_1501 = tpu.memref_slice %arg11[%add3A_1079, %dma_wait3A_1499, %dma_wait3A_1500] : memref<4096x50x1000xf32, #tpu.memory_space<hbm>> -> memref<1x50x1000xf32, #tpu.memory_space<hbm>>
        %dma_wait3A_1502 = tpu.memref_squeeze %dma_wait3A_1501 : memref<1x50x1000xf32, #tpu.memory_space<hbm>> -> memref<50x1000xf32, #tpu.memory_space<hbm>>
        %dma_wait3A_1503 = arith.constant 0 : i32
        %dma_wait3A_1504 = arith.constant 256 : i32
        %dma_wait3A_1505 = tpu.memref_slice %dma_wait3A_1502[%dma_wait3A_1503, %dma_wait3A_1504] : memref<50x1000xf32, #tpu.memory_space<hbm>> -> memref<50x128xf32, #tpu.memory_space<hbm>>
        %dma_wait3A_1506 = arith.constant 0 : i32
        %dma_wait3A_1507 = arith.constant 0 : i32
        %dma_wait3A_1508 = tpu.memref_slice %arg13[%dma_wait3A_1483, %dma_wait3A_1484, %dma_wait3A_1506, %dma_wait3A_1507] : memref<2x8x50x128xf32, #tpu.memory_space<vmem>> -> memref<1x1x50x128xf32, #tpu.memory_space<vmem>>
        %dma_wait3A_1509 = tpu.memref_squeeze %dma_wait3A_1508 : memref<1x1x50x128xf32, #tpu.memory_space<vmem>> -> memref<50x128xf32, #tpu.memory_space<vmem>>
        tpu.wait_dma2 semaphore(%dma_wait3A_1498 : memref<!tpu.dma_semaphore, #tpu.memory_space<semaphore_mem>>) src(%dma_wait3A_1509 : memref<50x128xf32, #tpu.memory_space<vmem>>) dst(%dma_wait3A_1505 : memref<50x128xf32, #tpu.memory_space<hbm>>)
        %dma_wait3A_1510 = arith.constant 1 : i32
        %dma_wait3A_1511 = arith.constant 3 : i32
        %dma_wait3A_1512 = arith.constant 1 : i32
        %dma_wait3A_1513 = arith.constant 0 : i32
        %dma_wait3A_1514 = arith.constant 0 : i32
        %dma_wait3A_1515 = tpu.memref_slice %arg13[%dma_wait3A_1510, %dma_wait3A_1511, %dma_wait3A_1513, %dma_wait3A_1514] : memref<2x8x50x128xf32, #tpu.memory_space<vmem>> -> memref<1x1x50x128xf32, #tpu.memory_space<vmem>>
        %dma_wait3A_1516 = tpu.memref_squeeze %dma_wait3A_1515 : memref<1x1x50x128xf32, #tpu.memory_space<vmem>> -> memref<50x128xf32, #tpu.memory_space<vmem>>
        %dma_wait3A_1517 = arith.constant 0 : i32
        %dma_wait3A_1518 = arith.constant 0 : i32
        %dma_wait3A_1519 = tpu.memref_slice %arg11[%add3A_1079, %dma_wait3A_1517, %dma_wait3A_1518] : memref<4096x50x1000xf32, #tpu.memory_space<hbm>> -> memref<1x50x1000xf32, #tpu.memory_space<hbm>>
        %dma_wait3A_1520 = tpu.memref_squeeze %dma_wait3A_1519 : memref<1x50x1000xf32, #tpu.memory_space<hbm>> -> memref<50x1000xf32, #tpu.memory_space<hbm>>
        %dma_wait3A_1521 = arith.constant 0 : i32
        %dma_wait3A_1522 = arith.constant 384 : i32
        %dma_wait3A_1523 = tpu.memref_slice %dma_wait3A_1520[%dma_wait3A_1521, %dma_wait3A_1522] : memref<50x1000xf32, #tpu.memory_space<hbm>> -> memref<50x128xf32, #tpu.memory_space<hbm>>
        %dma_wait3A_1524 = tpu.memref_slice %arg16[%dma_wait3A_1512] : memref<2x!tpu.dma_semaphore, #tpu.memory_space<semaphore_mem>> -> memref<1x!tpu.dma_semaphore, #tpu.memory_space<semaphore_mem>>
        %dma_wait3A_1525 = tpu.memref_squeeze %dma_wait3A_1524 : memref<1x!tpu.dma_semaphore, #tpu.memory_space<semaphore_mem>> -> memref<!tpu.dma_semaphore, #tpu.memory_space<semaphore_mem>>
        %dma_wait3A_1526 = arith.constant 0 : i32
        %dma_wait3A_1527 = arith.constant 0 : i32
        %dma_wait3A_1528 = tpu.memref_slice %arg11[%add3A_1079, %dma_wait3A_1526, %dma_wait3A_1527] : memref<4096x50x1000xf32, #tpu.memory_space<hbm>> -> memref<1x50x1000xf32, #tpu.memory_space<hbm>>
        %dma_wait3A_1529 = tpu.memref_squeeze %dma_wait3A_1528 : memref<1x50x1000xf32, #tpu.memory_space<hbm>> -> memref<50x1000xf32, #tpu.memory_space<hbm>>
        %dma_wait3A_1530 = arith.constant 0 : i32
        %dma_wait3A_1531 = arith.constant 384 : i32
        %dma_wait3A_1532 = tpu.memref_slice %dma_wait3A_1529[%dma_wait3A_1530, %dma_wait3A_1531] : memref<50x1000xf32, #tpu.memory_space<hbm>> -> memref<50x128xf32, #tpu.memory_space<hbm>>
        %dma_wait3A_1533 = arith.constant 0 : i32
        %dma_wait3A_1534 = arith.constant 0 : i32
        %dma_wait3A_1535 = tpu.memref_slice %arg13[%dma_wait3A_1510, %dma_wait3A_1511, %dma_wait3A_1533, %dma_wait3A_1534] : memref<2x8x50x128xf32, #tpu.memory_space<vmem>> -> memref<1x1x50x128xf32, #tpu.memory_space<vmem>>
        %dma_wait3A_1536 = tpu.memref_squeeze %dma_wait3A_1535 : memref<1x1x50x128xf32, #tpu.memory_space<vmem>> -> memref<50x128xf32, #tpu.memory_space<vmem>>
        tpu.wait_dma2 semaphore(%dma_wait3A_1525 : memref<!tpu.dma_semaphore, #tpu.memory_space<semaphore_mem>>) src(%dma_wait3A_1536 : memref<50x128xf32, #tpu.memory_space<vmem>>) dst(%dma_wait3A_1532 : memref<50x128xf32, #tpu.memory_space<hbm>>)
        %dma_wait3A_1537 = arith.constant 1 : i32
        %dma_wait3A_1538 = arith.constant 4 : i32
        %dma_wait3A_1539 = arith.constant 1 : i32
        %dma_wait3A_1540 = arith.constant 0 : i32
        %dma_wait3A_1541 = arith.constant 0 : i32
        %dma_wait3A_1542 = tpu.memref_slice %arg13[%dma_wait3A_1537, %dma_wait3A_1538, %dma_wait3A_1540, %dma_wait3A_1541] : memref<2x8x50x128xf32, #tpu.memory_space<vmem>> -> memref<1x1x50x128xf32, #tpu.memory_space<vmem>>
        %dma_wait3A_1543 = tpu.memref_squeeze %dma_wait3A_1542 : memref<1x1x50x128xf32, #tpu.memory_space<vmem>> -> memref<50x128xf32, #tpu.memory_space<vmem>>
        %dma_wait3A_1544 = arith.constant 0 : i32
        %dma_wait3A_1545 = arith.constant 0 : i32
        %dma_wait3A_1546 = tpu.memref_slice %arg11[%add3A_1079, %dma_wait3A_1544, %dma_wait3A_1545] : memref<4096x50x1000xf32, #tpu.memory_space<hbm>> -> memref<1x50x1000xf32, #tpu.memory_space<hbm>>
        %dma_wait3A_1547 = tpu.memref_squeeze %dma_wait3A_1546 : memref<1x50x1000xf32, #tpu.memory_space<hbm>> -> memref<50x1000xf32, #tpu.memory_space<hbm>>
        %dma_wait3A_1548 = arith.constant 0 : i32
        %dma_wait3A_1549 = arith.constant 512 : i32
        %dma_wait3A_1550 = tpu.memref_slice %dma_wait3A_1547[%dma_wait3A_1548, %dma_wait3A_1549] : memref<50x1000xf32, #tpu.memory_space<hbm>> -> memref<50x128xf32, #tpu.memory_space<hbm>>
        %dma_wait3A_1551 = tpu.memref_slice %arg16[%dma_wait3A_1539] : memref<2x!tpu.dma_semaphore, #tpu.memory_space<semaphore_mem>> -> memref<1x!tpu.dma_semaphore, #tpu.memory_space<semaphore_mem>>
        %dma_wait3A_1552 = tpu.memref_squeeze %dma_wait3A_1551 : memref<1x!tpu.dma_semaphore, #tpu.memory_space<semaphore_mem>> -> memref<!tpu.dma_semaphore, #tpu.memory_space<semaphore_mem>>
        %dma_wait3A_1553 = arith.constant 0 : i32
        %dma_wait3A_1554 = arith.constant 0 : i32
        %dma_wait3A_1555 = tpu.memref_slice %arg11[%add3A_1079, %dma_wait3A_1553, %dma_wait3A_1554] : memref<4096x50x1000xf32, #tpu.memory_space<hbm>> -> memref<1x50x1000xf32, #tpu.memory_space<hbm>>
        %dma_wait3A_1556 = tpu.memref_squeeze %dma_wait3A_1555 : memref<1x50x1000xf32, #tpu.memory_space<hbm>> -> memref<50x1000xf32, #tpu.memory_space<hbm>>
        %dma_wait3A_1557 = arith.constant 0 : i32
        %dma_wait3A_1558 = arith.constant 512 : i32
        %dma_wait3A_1559 = tpu.memref_slice %dma_wait3A_1556[%dma_wait3A_1557, %dma_wait3A_1558] : memref<50x1000xf32, #tpu.memory_space<hbm>> -> memref<50x128xf32, #tpu.memory_space<hbm>>
        %dma_wait3A_1560 = arith.constant 0 : i32
        %dma_wait3A_1561 = arith.constant 0 : i32
        %dma_wait3A_1562 = tpu.memref_slice %arg13[%dma_wait3A_1537, %dma_wait3A_1538, %dma_wait3A_1560, %dma_wait3A_1561] : memref<2x8x50x128xf32, #tpu.memory_space<vmem>> -> memref<1x1x50x128xf32, #tpu.memory_space<vmem>>
        %dma_wait3A_1563 = tpu.memref_squeeze %dma_wait3A_1562 : memref<1x1x50x128xf32, #tpu.memory_space<vmem>> -> memref<50x128xf32, #tpu.memory_space<vmem>>
        tpu.wait_dma2 semaphore(%dma_wait3A_1552 : memref<!tpu.dma_semaphore, #tpu.memory_space<semaphore_mem>>) src(%dma_wait3A_1563 : memref<50x128xf32, #tpu.memory_space<vmem>>) dst(%dma_wait3A_1559 : memref<50x128xf32, #tpu.memory_space<hbm>>)
        %dma_wait3A_1564 = arith.constant 1 : i32
        %dma_wait3A_1565 = arith.constant 5 : i32
        %dma_wait3A_1566 = arith.constant 1 : i32
        %dma_wait3A_1567 = arith.constant 0 : i32
        %dma_wait3A_1568 = arith.constant 0 : i32
        %dma_wait3A_1569 = tpu.memref_slice %arg13[%dma_wait3A_1564, %dma_wait3A_1565, %dma_wait3A_1567, %dma_wait3A_1568] : memref<2x8x50x128xf32, #tpu.memory_space<vmem>> -> memref<1x1x50x128xf32, #tpu.memory_space<vmem>>
        %dma_wait3A_1570 = tpu.memref_squeeze %dma_wait3A_1569 : memref<1x1x50x128xf32, #tpu.memory_space<vmem>> -> memref<50x128xf32, #tpu.memory_space<vmem>>
        %dma_wait3A_1571 = arith.constant 0 : i32
        %dma_wait3A_1572 = arith.constant 0 : i32
        %dma_wait3A_1573 = tpu.memref_slice %arg11[%add3A_1079, %dma_wait3A_1571, %dma_wait3A_1572] : memref<4096x50x1000xf32, #tpu.memory_space<hbm>> -> memref<1x50x1000xf32, #tpu.memory_space<hbm>>
        %dma_wait3A_1574 = tpu.memref_squeeze %dma_wait3A_1573 : memref<1x50x1000xf32, #tpu.memory_space<hbm>> -> memref<50x1000xf32, #tpu.memory_space<hbm>>
        %dma_wait3A_1575 = arith.constant 0 : i32
        %dma_wait3A_1576 = arith.constant 640 : i32
        %dma_wait3A_1577 = tpu.memref_slice %dma_wait3A_1574[%dma_wait3A_1575, %dma_wait3A_1576] : memref<50x1000xf32, #tpu.memory_space<hbm>> -> memref<50x128xf32, #tpu.memory_space<hbm>>
        %dma_wait3A_1578 = tpu.memref_slice %arg16[%dma_wait3A_1566] : memref<2x!tpu.dma_semaphore, #tpu.memory_space<semaphore_mem>> -> memref<1x!tpu.dma_semaphore, #tpu.memory_space<semaphore_mem>>
        %dma_wait3A_1579 = tpu.memref_squeeze %dma_wait3A_1578 : memref<1x!tpu.dma_semaphore, #tpu.memory_space<semaphore_mem>> -> memref<!tpu.dma_semaphore, #tpu.memory_space<semaphore_mem>>
        %dma_wait3A_1580 = arith.constant 0 : i32
        %dma_wait3A_1581 = arith.constant 0 : i32
        %dma_wait3A_1582 = tpu.memref_slice %arg11[%add3A_1079, %dma_wait3A_1580, %dma_wait3A_1581] : memref<4096x50x1000xf32, #tpu.memory_space<hbm>> -> memref<1x50x1000xf32, #tpu.memory_space<hbm>>
        %dma_wait3A_1583 = tpu.memref_squeeze %dma_wait3A_1582 : memref<1x50x1000xf32, #tpu.memory_space<hbm>> -> memref<50x1000xf32, #tpu.memory_space<hbm>>
        %dma_wait3A_1584 = arith.constant 0 : i32
        %dma_wait3A_1585 = arith.constant 640 : i32
        %dma_wait3A_1586 = tpu.memref_slice %dma_wait3A_1583[%dma_wait3A_1584, %dma_wait3A_1585] : memref<50x1000xf32, #tpu.memory_space<hbm>> -> memref<50x128xf32, #tpu.memory_space<hbm>>
        %dma_wait3A_1587 = arith.constant 0 : i32
        %dma_wait3A_1588 = arith.constant 0 : i32
        %dma_wait3A_1589 = tpu.memref_slice %arg13[%dma_wait3A_1564, %dma_wait3A_1565, %dma_wait3A_1587, %dma_wait3A_1588] : memref<2x8x50x128xf32, #tpu.memory_space<vmem>> -> memref<1x1x50x128xf32, #tpu.memory_space<vmem>>
        %dma_wait3A_1590 = tpu.memref_squeeze %dma_wait3A_1589 : memref<1x1x50x128xf32, #tpu.memory_space<vmem>> -> memref<50x128xf32, #tpu.memory_space<vmem>>
        tpu.wait_dma2 semaphore(%dma_wait3A_1579 : memref<!tpu.dma_semaphore, #tpu.memory_space<semaphore_mem>>) src(%dma_wait3A_1590 : memref<50x128xf32, #tpu.memory_space<vmem>>) dst(%dma_wait3A_1586 : memref<50x128xf32, #tpu.memory_space<hbm>>)
        %dma_wait3A_1591 = arith.constant 1 : i32
        %dma_wait3A_1592 = arith.constant 6 : i32
        %dma_wait3A_1593 = arith.constant 1 : i32
        %dma_wait3A_1594 = arith.constant 0 : i32
        %dma_wait3A_1595 = arith.constant 0 : i32
        %dma_wait3A_1596 = tpu.memref_slice %arg13[%dma_wait3A_1591, %dma_wait3A_1592, %dma_wait3A_1594, %dma_wait3A_1595] : memref<2x8x50x128xf32, #tpu.memory_space<vmem>> -> memref<1x1x50x128xf32, #tpu.memory_space<vmem>>
        %dma_wait3A_1597 = tpu.memref_squeeze %dma_wait3A_1596 : memref<1x1x50x128xf32, #tpu.memory_space<vmem>> -> memref<50x128xf32, #tpu.memory_space<vmem>>
        %dma_wait3A_1598 = arith.constant 0 : i32
        %dma_wait3A_1599 = arith.constant 0 : i32
        %dma_wait3A_1600 = tpu.memref_slice %arg11[%add3A_1079, %dma_wait3A_1598, %dma_wait3A_1599] : memref<4096x50x1000xf32, #tpu.memory_space<hbm>> -> memref<1x50x1000xf32, #tpu.memory_space<hbm>>
        %dma_wait3A_1601 = tpu.memref_squeeze %dma_wait3A_1600 : memref<1x50x1000xf32, #tpu.memory_space<hbm>> -> memref<50x1000xf32, #tpu.memory_space<hbm>>
        %dma_wait3A_1602 = arith.constant 0 : i32
        %dma_wait3A_1603 = arith.constant 768 : i32
        %dma_wait3A_1604 = tpu.memref_slice %dma_wait3A_1601[%dma_wait3A_1602, %dma_wait3A_1603] : memref<50x1000xf32, #tpu.memory_space<hbm>> -> memref<50x128xf32, #tpu.memory_space<hbm>>
        %dma_wait3A_1605 = tpu.memref_slice %arg16[%dma_wait3A_1593] : memref<2x!tpu.dma_semaphore, #tpu.memory_space<semaphore_mem>> -> memref<1x!tpu.dma_semaphore, #tpu.memory_space<semaphore_mem>>
        %dma_wait3A_1606 = tpu.memref_squeeze %dma_wait3A_1605 : memref<1x!tpu.dma_semaphore, #tpu.memory_space<semaphore_mem>> -> memref<!tpu.dma_semaphore, #tpu.memory_space<semaphore_mem>>
        %dma_wait3A_1607 = arith.constant 0 : i32
        %dma_wait3A_1608 = arith.constant 0 : i32
        %dma_wait3A_1609 = tpu.memref_slice %arg11[%add3A_1079, %dma_wait3A_1607, %dma_wait3A_1608] : memref<4096x50x1000xf32, #tpu.memory_space<hbm>> -> memref<1x50x1000xf32, #tpu.memory_space<hbm>>
        %dma_wait3A_1610 = tpu.memref_squeeze %dma_wait3A_1609 : memref<1x50x1000xf32, #tpu.memory_space<hbm>> -> memref<50x1000xf32, #tpu.memory_space<hbm>>
        %dma_wait3A_1611 = arith.constant 0 : i32
        %dma_wait3A_1612 = arith.constant 768 : i32
        %dma_wait3A_1613 = tpu.memref_slice %dma_wait3A_1610[%dma_wait3A_1611, %dma_wait3A_1612] : memref<50x1000xf32, #tpu.memory_space<hbm>> -> memref<50x128xf32, #tpu.memory_space<hbm>>
        %dma_wait3A_1614 = arith.constant 0 : i32
        %dma_wait3A_1615 = arith.constant 0 : i32
        %dma_wait3A_1616 = tpu.memref_slice %arg13[%dma_wait3A_1591, %dma_wait3A_1592, %dma_wait3A_1614, %dma_wait3A_1615] : memref<2x8x50x128xf32, #tpu.memory_space<vmem>> -> memref<1x1x50x128xf32, #tpu.memory_space<vmem>>
        %dma_wait3A_1617 = tpu.memref_squeeze %dma_wait3A_1616 : memref<1x1x50x128xf32, #tpu.memory_space<vmem>> -> memref<50x128xf32, #tpu.memory_space<vmem>>
        tpu.wait_dma2 semaphore(%dma_wait3A_1606 : memref<!tpu.dma_semaphore, #tpu.memory_space<semaphore_mem>>) src(%dma_wait3A_1617 : memref<50x128xf32, #tpu.memory_space<vmem>>) dst(%dma_wait3A_1613 : memref<50x128xf32, #tpu.memory_space<hbm>>)
        %add3A_1618 = arith.constant 2 : i32
        %add3A_1619 = arith.addi %add3A_1078, %add3A_1618 : i32
        %mul3A_1620 = arith.constant 56 : i32
        %mul3A_1621 = arith.muli %add3A_1619, %mul3A_1620 : i32
        %multiple_of3A_1622 = tpu.assume_multiple %mul3A_1621, 8 : i32
        %dma_start3A_1623 = arith.constant 1 : i32
        %dma_start3A_1624 = arith.constant 0 : i32
        %dma_start3A_1625 = arith.constant 1 : i32
        %dma_start3A_1626 = arith.constant 0 : i32
        %dma_start3A_1627 = arith.constant 0 : i32
        %dma_start3A_1628 = tpu.memref_slice %arg13[%dma_start3A_1623, %dma_start3A_1624, %dma_start3A_1626, %dma_start3A_1627] : memref<2x8x50x128xf32, #tpu.memory_space<vmem>> -> memref<1x1x50x128xf32, #tpu.memory_space<vmem>>
        %dma_start3A_1629 = tpu.memref_squeeze %dma_start3A_1628 : memref<1x1x50x128xf32, #tpu.memory_space<vmem>> -> memref<50x128xf32, #tpu.memory_space<vmem>>
        %dma_start3A_1630 = tpu.memref_slice %arg12[%multiple_of3A_1622] : memref<7168xi32, #tpu.memory_space<vmem>> -> memref<50xi32, #tpu.memory_space<vmem>>
        %dma_start3A_1631 = arith.constant 0 : i32
        %dma_start3A_1632 = arith.constant 0 : i32
        %dma_start3A_1633 = tpu.memref_slice %arg3[%dma_start3A_1631, %dma_start3A_1632] : memref<1000x128xf32, #tpu.memory_space<hbm>> -> memref<1000x128xf32, #tpu.memory_space<hbm>>
        %dma_start3A_1634 = tpu.memref_slice %arg15[%dma_start3A_1625] : memref<2x!tpu.dma_semaphore, #tpu.memory_space<semaphore_mem>> -> memref<1x!tpu.dma_semaphore, #tpu.memory_space<semaphore_mem>>
        %dma_start3A_1635 = tpu.memref_squeeze %dma_start3A_1634 : memref<1x!tpu.dma_semaphore, #tpu.memory_space<semaphore_mem>> -> memref<!tpu.dma_semaphore, #tpu.memory_space<semaphore_mem>>
        tpu.enqueue_indirect_dma source(%dma_start3A_1633 : memref<1000x128xf32, #tpu.memory_space<hbm>>) target(%dma_start3A_1629 : memref<50x128xf32, #tpu.memory_space<vmem>>) offsets(%dma_start3A_1630 : memref<50xi32, #tpu.memory_space<vmem>>) semaphore(%dma_start3A_1635 : memref<!tpu.dma_semaphore, #tpu.memory_space<semaphore_mem>>)
        %add3A_1636 = arith.constant 2 : i32
        %add3A_1637 = arith.addi %add3A_1078, %add3A_1636 : i32
        %mul3A_1638 = arith.constant 56 : i32
        %mul3A_1639 = arith.muli %add3A_1637, %mul3A_1638 : i32
        %multiple_of3A_1640 = tpu.assume_multiple %mul3A_1639, 8 : i32
        %dma_start3A_1641 = arith.constant 1 : i32
        %dma_start3A_1642 = arith.constant 1 : i32
        %dma_start3A_1643 = arith.constant 1 : i32
        %dma_start3A_1644 = arith.constant 0 : i32
        %dma_start3A_1645 = arith.constant 0 : i32
        %dma_start3A_1646 = tpu.memref_slice %arg13[%dma_start3A_1641, %dma_start3A_1642, %dma_start3A_1644, %dma_start3A_1645] : memref<2x8x50x128xf32, #tpu.memory_space<vmem>> -> memref<1x1x50x128xf32, #tpu.memory_space<vmem>>
        %dma_start3A_1647 = tpu.memref_squeeze %dma_start3A_1646 : memref<1x1x50x128xf32, #tpu.memory_space<vmem>> -> memref<50x128xf32, #tpu.memory_space<vmem>>
        %dma_start3A_1648 = tpu.memref_slice %arg12[%multiple_of3A_1640] : memref<7168xi32, #tpu.memory_space<vmem>> -> memref<50xi32, #tpu.memory_space<vmem>>
        %dma_start3A_1649 = arith.constant 0 : i32
        %dma_start3A_1650 = arith.constant 0 : i32
        %dma_start3A_1651 = tpu.memref_slice %arg4[%dma_start3A_1649, %dma_start3A_1650] : memref<1000x128xf32, #tpu.memory_space<hbm>> -> memref<1000x128xf32, #tpu.memory_space<hbm>>
        %dma_start3A_1652 = tpu.memref_slice %arg15[%dma_start3A_1643] : memref<2x!tpu.dma_semaphore, #tpu.memory_space<semaphore_mem>> -> memref<1x!tpu.dma_semaphore, #tpu.memory_space<semaphore_mem>>
        %dma_start3A_1653 = tpu.memref_squeeze %dma_start3A_1652 : memref<1x!tpu.dma_semaphore, #tpu.memory_space<semaphore_mem>> -> memref<!tpu.dma_semaphore, #tpu.memory_space<semaphore_mem>>
        tpu.enqueue_indirect_dma source(%dma_start3A_1651 : memref<1000x128xf32, #tpu.memory_space<hbm>>) target(%dma_start3A_1647 : memref<50x128xf32, #tpu.memory_space<vmem>>) offsets(%dma_start3A_1648 : memref<50xi32, #tpu.memory_space<vmem>>) semaphore(%dma_start3A_1653 : memref<!tpu.dma_semaphore, #tpu.memory_space<semaphore_mem>>)
        %add3A_1654 = arith.constant 2 : i32
        %add3A_1655 = arith.addi %add3A_1078, %add3A_1654 : i32
        %mul3A_1656 = arith.constant 56 : i32
        %mul3A_1657 = arith.muli %add3A_1655, %mul3A_1656 : i32
        %multiple_of3A_1658 = tpu.assume_multiple %mul3A_1657, 8 : i32
        %dma_start3A_1659 = arith.constant 1 : i32
        %dma_start3A_1660 = arith.constant 2 : i32
        %dma_start3A_1661 = arith.constant 1 : i32
        %dma_start3A_1662 = arith.constant 0 : i32
        %dma_start3A_1663 = arith.constant 0 : i32
        %dma_start3A_1664 = tpu.memref_slice %arg13[%dma_start3A_1659, %dma_start3A_1660, %dma_start3A_1662, %dma_start3A_1663] : memref<2x8x50x128xf32, #tpu.memory_space<vmem>> -> memref<1x1x50x128xf32, #tpu.memory_space<vmem>>
        %dma_start3A_1665 = tpu.memref_squeeze %dma_start3A_1664 : memref<1x1x50x128xf32, #tpu.memory_space<vmem>> -> memref<50x128xf32, #tpu.memory_space<vmem>>
        %dma_start3A_1666 = tpu.memref_slice %arg12[%multiple_of3A_1658] : memref<7168xi32, #tpu.memory_space<vmem>> -> memref<50xi32, #tpu.memory_space<vmem>>
        %dma_start3A_1667 = arith.constant 0 : i32
        %dma_start3A_1668 = arith.constant 0 : i32
        %dma_start3A_1669 = tpu.memref_slice %arg5[%dma_start3A_1667, %dma_start3A_1668] : memref<1000x128xf32, #tpu.memory_space<hbm>> -> memref<1000x128xf32, #tpu.memory_space<hbm>>
        %dma_start3A_1670 = tpu.memref_slice %arg15[%dma_start3A_1661] : memref<2x!tpu.dma_semaphore, #tpu.memory_space<semaphore_mem>> -> memref<1x!tpu.dma_semaphore, #tpu.memory_space<semaphore_mem>>
        %dma_start3A_1671 = tpu.memref_squeeze %dma_start3A_1670 : memref<1x!tpu.dma_semaphore, #tpu.memory_space<semaphore_mem>> -> memref<!tpu.dma_semaphore, #tpu.memory_space<semaphore_mem>>
        tpu.enqueue_indirect_dma source(%dma_start3A_1669 : memref<1000x128xf32, #tpu.memory_space<hbm>>) target(%dma_start3A_1665 : memref<50x128xf32, #tpu.memory_space<vmem>>) offsets(%dma_start3A_1666 : memref<50xi32, #tpu.memory_space<vmem>>) semaphore(%dma_start3A_1671 : memref<!tpu.dma_semaphore, #tpu.memory_space<semaphore_mem>>)
        %add3A_1672 = arith.constant 2 : i32
        %add3A_1673 = arith.addi %add3A_1078, %add3A_1672 : i32
        %mul3A_1674 = arith.constant 56 : i32
        %mul3A_1675 = arith.muli %add3A_1673, %mul3A_1674 : i32
        %multiple_of3A_1676 = tpu.assume_multiple %mul3A_1675, 8 : i32
        %dma_start3A_1677 = arith.constant 1 : i32
        %dma_start3A_1678 = arith.constant 3 : i32
        %dma_start3A_1679 = arith.constant 1 : i32
        %dma_start3A_1680 = arith.constant 0 : i32
        %dma_start3A_1681 = arith.constant 0 : i32
        %dma_start3A_1682 = tpu.memref_slice %arg13[%dma_start3A_1677, %dma_start3A_1678, %dma_start3A_1680, %dma_start3A_1681] : memref<2x8x50x128xf32, #tpu.memory_space<vmem>> -> memref<1x1x50x128xf32, #tpu.memory_space<vmem>>
        %dma_start3A_1683 = tpu.memref_squeeze %dma_start3A_1682 : memref<1x1x50x128xf32, #tpu.memory_space<vmem>> -> memref<50x128xf32, #tpu.memory_space<vmem>>
        %dma_start3A_1684 = tpu.memref_slice %arg12[%multiple_of3A_1676] : memref<7168xi32, #tpu.memory_space<vmem>> -> memref<50xi32, #tpu.memory_space<vmem>>
        %dma_start3A_1685 = arith.constant 0 : i32
        %dma_start3A_1686 = arith.constant 0 : i32
        %dma_start3A_1687 = tpu.memref_slice %arg6[%dma_start3A_1685, %dma_start3A_1686] : memref<1000x128xf32, #tpu.memory_space<hbm>> -> memref<1000x128xf32, #tpu.memory_space<hbm>>
        %dma_start3A_1688 = tpu.memref_slice %arg15[%dma_start3A_1679] : memref<2x!tpu.dma_semaphore, #tpu.memory_space<semaphore_mem>> -> memref<1x!tpu.dma_semaphore, #tpu.memory_space<semaphore_mem>>
        %dma_start3A_1689 = tpu.memref_squeeze %dma_start3A_1688 : memref<1x!tpu.dma_semaphore, #tpu.memory_space<semaphore_mem>> -> memref<!tpu.dma_semaphore, #tpu.memory_space<semaphore_mem>>
        tpu.enqueue_indirect_dma source(%dma_start3A_1687 : memref<1000x128xf32, #tpu.memory_space<hbm>>) target(%dma_start3A_1683 : memref<50x128xf32, #tpu.memory_space<vmem>>) offsets(%dma_start3A_1684 : memref<50xi32, #tpu.memory_space<vmem>>) semaphore(%dma_start3A_1689 : memref<!tpu.dma_semaphore, #tpu.memory_space<semaphore_mem>>)
        %add3A_1690 = arith.constant 2 : i32
        %add3A_1691 = arith.addi %add3A_1078, %add3A_1690 : i32
        %mul3A_1692 = arith.constant 56 : i32
        %mul3A_1693 = arith.muli %add3A_1691, %mul3A_1692 : i32
        %multiple_of3A_1694 = tpu.assume_multiple %mul3A_1693, 8 : i32
        %dma_start3A_1695 = arith.constant 1 : i32
        %dma_start3A_1696 = arith.constant 4 : i32
        %dma_start3A_1697 = arith.constant 1 : i32
        %dma_start3A_1698 = arith.constant 0 : i32
        %dma_start3A_1699 = arith.constant 0 : i32
        %dma_start3A_1700 = tpu.memref_slice %arg13[%dma_start3A_1695, %dma_start3A_1696, %dma_start3A_1698, %dma_start3A_1699] : memref<2x8x50x128xf32, #tpu.memory_space<vmem>> -> memref<1x1x50x128xf32, #tpu.memory_space<vmem>>
        %dma_start3A_1701 = tpu.memref_squeeze %dma_start3A_1700 : memref<1x1x50x128xf32, #tpu.memory_space<vmem>> -> memref<50x128xf32, #tpu.memory_space<vmem>>
        %dma_start3A_1702 = tpu.memref_slice %arg12[%multiple_of3A_1694] : memref<7168xi32, #tpu.memory_space<vmem>> -> memref<50xi32, #tpu.memory_space<vmem>>
        %dma_start3A_1703 = arith.constant 0 : i32
        %dma_start3A_1704 = arith.constant 0 : i32
        %dma_start3A_1705 = tpu.memref_slice %arg7[%dma_start3A_1703, %dma_start3A_1704] : memref<1000x128xf32, #tpu.memory_space<hbm>> -> memref<1000x128xf32, #tpu.memory_space<hbm>>
        %dma_start3A_1706 = tpu.memref_slice %arg15[%dma_start3A_1697] : memref<2x!tpu.dma_semaphore, #tpu.memory_space<semaphore_mem>> -> memref<1x!tpu.dma_semaphore, #tpu.memory_space<semaphore_mem>>
        %dma_start3A_1707 = tpu.memref_squeeze %dma_start3A_1706 : memref<1x!tpu.dma_semaphore, #tpu.memory_space<semaphore_mem>> -> memref<!tpu.dma_semaphore, #tpu.memory_space<semaphore_mem>>
        tpu.enqueue_indirect_dma source(%dma_start3A_1705 : memref<1000x128xf32, #tpu.memory_space<hbm>>) target(%dma_start3A_1701 : memref<50x128xf32, #tpu.memory_space<vmem>>) offsets(%dma_start3A_1702 : memref<50xi32, #tpu.memory_space<vmem>>) semaphore(%dma_start3A_1707 : memref<!tpu.dma_semaphore, #tpu.memory_space<semaphore_mem>>)
        %add3A_1708 = arith.constant 2 : i32
        %add3A_1709 = arith.addi %add3A_1078, %add3A_1708 : i32
        %mul3A_1710 = arith.constant 56 : i32
        %mul3A_1711 = arith.muli %add3A_1709, %mul3A_1710 : i32
        %multiple_of3A_1712 = tpu.assume_multiple %mul3A_1711, 8 : i32
        %dma_start3A_1713 = arith.constant 1 : i32
        %dma_start3A_1714 = arith.constant 5 : i32
        %dma_start3A_1715 = arith.constant 1 : i32
        %dma_start3A_1716 = arith.constant 0 : i32
        %dma_start3A_1717 = arith.constant 0 : i32
        %dma_start3A_1718 = tpu.memref_slice %arg13[%dma_start3A_1713, %dma_start3A_1714, %dma_start3A_1716, %dma_start3A_1717] : memref<2x8x50x128xf32, #tpu.memory_space<vmem>> -> memref<1x1x50x128xf32, #tpu.memory_space<vmem>>
        %dma_start3A_1719 = tpu.memref_squeeze %dma_start3A_1718 : memref<1x1x50x128xf32, #tpu.memory_space<vmem>> -> memref<50x128xf32, #tpu.memory_space<vmem>>
        %dma_start3A_1720 = tpu.memref_slice %arg12[%multiple_of3A_1712] : memref<7168xi32, #tpu.memory_space<vmem>> -> memref<50xi32, #tpu.memory_space<vmem>>
        %dma_start3A_1721 = arith.constant 0 : i32
        %dma_start3A_1722 = arith.constant 0 : i32
        %dma_start3A_1723 = tpu.memref_slice %arg8[%dma_start3A_1721, %dma_start3A_1722] : memref<1000x128xf32, #tpu.memory_space<hbm>> -> memref<1000x128xf32, #tpu.memory_space<hbm>>
        %dma_start3A_1724 = tpu.memref_slice %arg15[%dma_start3A_1715] : memref<2x!tpu.dma_semaphore, #tpu.memory_space<semaphore_mem>> -> memref<1x!tpu.dma_semaphore, #tpu.memory_space<semaphore_mem>>
        %dma_start3A_1725 = tpu.memref_squeeze %dma_start3A_1724 : memref<1x!tpu.dma_semaphore, #tpu.memory_space<semaphore_mem>> -> memref<!tpu.dma_semaphore, #tpu.memory_space<semaphore_mem>>
        tpu.enqueue_indirect_dma source(%dma_start3A_1723 : memref<1000x128xf32, #tpu.memory_space<hbm>>) target(%dma_start3A_1719 : memref<50x128xf32, #tpu.memory_space<vmem>>) offsets(%dma_start3A_1720 : memref<50xi32, #tpu.memory_space<vmem>>) semaphore(%dma_start3A_1725 : memref<!tpu.dma_semaphore, #tpu.memory_space<semaphore_mem>>)
        %add3A_1726 = arith.constant 2 : i32
        %add3A_1727 = arith.addi %add3A_1078, %add3A_1726 : i32
        %mul3A_1728 = arith.constant 56 : i32
        %mul3A_1729 = arith.muli %add3A_1727, %mul3A_1728 : i32
        %multiple_of3A_1730 = tpu.assume_multiple %mul3A_1729, 8 : i32
        %dma_start3A_1731 = arith.constant 1 : i32
        %dma_start3A_1732 = arith.constant 6 : i32
        %dma_start3A_1733 = arith.constant 1 : i32
        %dma_start3A_1734 = arith.constant 0 : i32
        %dma_start3A_1735 = arith.constant 0 : i32
        %dma_start3A_1736 = tpu.memref_slice %arg13[%dma_start3A_1731, %dma_start3A_1732, %dma_start3A_1734, %dma_start3A_1735] : memref<2x8x50x128xf32, #tpu.memory_space<vmem>> -> memref<1x1x50x128xf32, #tpu.memory_space<vmem>>
        %dma_start3A_1737 = tpu.memref_squeeze %dma_start3A_1736 : memref<1x1x50x128xf32, #tpu.memory_space<vmem>> -> memref<50x128xf32, #tpu.memory_space<vmem>>
        %dma_start3A_1738 = tpu.memref_slice %arg12[%multiple_of3A_1730] : memref<7168xi32, #tpu.memory_space<vmem>> -> memref<50xi32, #tpu.memory_space<vmem>>
        %dma_start3A_1739 = arith.constant 0 : i32
        %dma_start3A_1740 = arith.constant 0 : i32
        %dma_start3A_1741 = tpu.memref_slice %arg9[%dma_start3A_1739, %dma_start3A_1740] : memref<1000x128xf32, #tpu.memory_space<hbm>> -> memref<1000x128xf32, #tpu.memory_space<hbm>>
        %dma_start3A_1742 = tpu.memref_slice %arg15[%dma_start3A_1733] : memref<2x!tpu.dma_semaphore, #tpu.memory_space<semaphore_mem>> -> memref<1x!tpu.dma_semaphore, #tpu.memory_space<semaphore_mem>>
        %dma_start3A_1743 = tpu.memref_squeeze %dma_start3A_1742 : memref<1x!tpu.dma_semaphore, #tpu.memory_space<semaphore_mem>> -> memref<!tpu.dma_semaphore, #tpu.memory_space<semaphore_mem>>
        tpu.enqueue_indirect_dma source(%dma_start3A_1741 : memref<1000x128xf32, #tpu.memory_space<hbm>>) target(%dma_start3A_1737 : memref<50x128xf32, #tpu.memory_space<vmem>>) offsets(%dma_start3A_1738 : memref<50xi32, #tpu.memory_space<vmem>>) semaphore(%dma_start3A_1743 : memref<!tpu.dma_semaphore, #tpu.memory_space<semaphore_mem>>)
        %add3A_1744 = arith.constant 2 : i32
        %add3A_1745 = arith.addi %add3A_1078, %add3A_1744 : i32
        %mul3A_1746 = arith.constant 56 : i32
        %mul3A_1747 = arith.muli %add3A_1745, %mul3A_1746 : i32
        %multiple_of3A_1748 = tpu.assume_multiple %mul3A_1747, 8 : i32
        %dma_start3A_1749 = arith.constant 1 : i32
        %dma_start3A_1750 = arith.constant 7 : i32
        %dma_start3A_1751 = arith.constant 1 : i32
        %dma_start3A_1752 = arith.constant 0 : i32
        %dma_start3A_1753 = arith.constant 0 : i32
        %dma_start3A_1754 = tpu.memref_slice %arg13[%dma_start3A_1749, %dma_start3A_1750, %dma_start3A_1752, %dma_start3A_1753] : memref<2x8x50x128xf32, #tpu.memory_space<vmem>> -> memref<1x1x50x128xf32, #tpu.memory_space<vmem>>
        %dma_start3A_1755 = tpu.memref_squeeze %dma_start3A_1754 : memref<1x1x50x128xf32, #tpu.memory_space<vmem>> -> memref<50x128xf32, #tpu.memory_space<vmem>>
        %dma_start3A_1756 = tpu.memref_slice %arg12[%multiple_of3A_1748] : memref<7168xi32, #tpu.memory_space<vmem>> -> memref<50xi32, #tpu.memory_space<vmem>>
        %dma_start3A_1757 = arith.constant 0 : i32
        %dma_start3A_1758 = arith.constant 0 : i32
        %dma_start3A_1759 = tpu.memref_slice %arg10[%dma_start3A_1757, %dma_start3A_1758] : memref<1000x128xf32, #tpu.memory_space<hbm>> -> memref<1000x128xf32, #tpu.memory_space<hbm>>
        %dma_start3A_1760 = tpu.memref_slice %arg15[%dma_start3A_1751] : memref<2x!tpu.dma_semaphore, #tpu.memory_space<semaphore_mem>> -> memref<1x!tpu.dma_semaphore, #tpu.memory_space<semaphore_mem>>
        %dma_start3A_1761 = tpu.memref_squeeze %dma_start3A_1760 : memref<1x!tpu.dma_semaphore, #tpu.memory_space<semaphore_mem>> -> memref<!tpu.dma_semaphore, #tpu.memory_space<semaphore_mem>>
        tpu.enqueue_indirect_dma source(%dma_start3A_1759 : memref<1000x128xf32, #tpu.memory_space<hbm>>) target(%dma_start3A_1755 : memref<50x128xf32, #tpu.memory_space<vmem>>) offsets(%dma_start3A_1756 : memref<50xi32, #tpu.memory_space<vmem>>) semaphore(%dma_start3A_1761 : memref<!tpu.dma_semaphore, #tpu.memory_space<semaphore_mem>>)
      } else {
      }
    }
    %scan3A_247 = arith.constant 64 : i32
    %add3A_248 = arith.constant 128 : i32
    %add3A_249 = arith.addi %mul3A_2, %add3A_248 : i32
    %sub3A = arith.constant 2 : i32
    %sub3A_250 = arith.subi %add3A_249, %sub3A : i32
    %add3A_251 = arith.constant 0 : i32
    %add3A_252 = arith.addi %sub3A_250, %add3A_251 : i32
    %dma_wait3A = arith.constant 0 : i32
    %dma_wait3A_253 = arith.constant 0 : i32
    %dma_wait3A_254 = arith.constant 0 : i32
    %dma_wait3A_255 = arith.constant 0 : i32
    %dma_wait3A_256 = arith.constant 0 : i32
    %dma_wait3A_257 = tpu.memref_slice %arg13[%dma_wait3A, %dma_wait3A_253, %dma_wait3A_255, %dma_wait3A_256] : memref<2x8x50x128xf32, #tpu.memory_space<vmem>> -> memref<1x1x50x128xf32, #tpu.memory_space<vmem>>
    %dma_wait3A_258 = tpu.memref_squeeze %dma_wait3A_257 : memref<1x1x50x128xf32, #tpu.memory_space<vmem>> -> memref<50x128xf32, #tpu.memory_space<vmem>>
    %dma_wait3A_259 = arith.constant 0 : i32
    %dma_wait3A_260 = arith.constant 0 : i32
    %dma_wait3A_261 = tpu.memref_slice %arg11[%add3A_252, %dma_wait3A_259, %dma_wait3A_260] : memref<4096x50x1000xf32, #tpu.memory_space<hbm>> -> memref<1x50x1000xf32, #tpu.memory_space<hbm>>
    %dma_wait3A_262 = tpu.memref_squeeze %dma_wait3A_261 : memref<1x50x1000xf32, #tpu.memory_space<hbm>> -> memref<50x1000xf32, #tpu.memory_space<hbm>>
    %dma_wait3A_263 = arith.constant 0 : i32
    %dma_wait3A_264 = arith.constant 0 : i32
    %dma_wait3A_265 = tpu.memref_slice %dma_wait3A_262[%dma_wait3A_263, %dma_wait3A_264] : memref<50x1000xf32, #tpu.memory_space<hbm>> -> memref<50x128xf32, #tpu.memory_space<hbm>>
    %dma_wait3A_266 = tpu.memref_slice %arg16[%dma_wait3A_254] : memref<2x!tpu.dma_semaphore, #tpu.memory_space<semaphore_mem>> -> memref<1x!tpu.dma_semaphore, #tpu.memory_space<semaphore_mem>>
    %dma_wait3A_267 = tpu.memref_squeeze %dma_wait3A_266 : memref<1x!tpu.dma_semaphore, #tpu.memory_space<semaphore_mem>> -> memref<!tpu.dma_semaphore, #tpu.memory_space<semaphore_mem>>
    %dma_wait3A_268 = arith.constant 0 : i32
    %dma_wait3A_269 = arith.constant 0 : i32
    %dma_wait3A_270 = tpu.memref_slice %arg11[%add3A_252, %dma_wait3A_268, %dma_wait3A_269] : memref<4096x50x1000xf32, #tpu.memory_space<hbm>> -> memref<1x50x1000xf32, #tpu.memory_space<hbm>>
    %dma_wait3A_271 = tpu.memref_squeeze %dma_wait3A_270 : memref<1x50x1000xf32, #tpu.memory_space<hbm>> -> memref<50x1000xf32, #tpu.memory_space<hbm>>
    %dma_wait3A_272 = arith.constant 0 : i32
    %dma_wait3A_273 = arith.constant 0 : i32
    %dma_wait3A_274 = tpu.memref_slice %dma_wait3A_271[%dma_wait3A_272, %dma_wait3A_273] : memref<50x1000xf32, #tpu.memory_space<hbm>> -> memref<50x128xf32, #tpu.memory_space<hbm>>
    %dma_wait3A_275 = arith.constant 0 : i32
    %dma_wait3A_276 = arith.constant 0 : i32
    %dma_wait3A_277 = tpu.memref_slice %arg13[%dma_wait3A, %dma_wait3A_253, %dma_wait3A_275, %dma_wait3A_276] : memref<2x8x50x128xf32, #tpu.memory_space<vmem>> -> memref<1x1x50x128xf32, #tpu.memory_space<vmem>>
    %dma_wait3A_278 = tpu.memref_squeeze %dma_wait3A_277 : memref<1x1x50x128xf32, #tpu.memory_space<vmem>> -> memref<50x128xf32, #tpu.memory_space<vmem>>
    tpu.wait_dma2 semaphore(%dma_wait3A_267 : memref<!tpu.dma_semaphore, #tpu.memory_space<semaphore_mem>>) src(%dma_wait3A_278 : memref<50x128xf32, #tpu.memory_space<vmem>>) dst(%dma_wait3A_274 : memref<50x128xf32, #tpu.memory_space<hbm>>)
    %add3A_279 = arith.constant 128 : i32
    %add3A_280 = arith.addi %mul3A_2, %add3A_279 : i32
    %sub3A_281 = arith.constant 2 : i32
    %sub3A_282 = arith.subi %add3A_280, %sub3A_281 : i32
    %add3A_283 = arith.constant 0 : i32
    %add3A_284 = arith.addi %sub3A_282, %add3A_283 : i32
    %dma_wait3A_285 = arith.constant 0 : i32
    %dma_wait3A_286 = arith.constant 1 : i32
    %dma_wait3A_287 = arith.constant 0 : i32
    %dma_wait3A_288 = arith.constant 0 : i32
    %dma_wait3A_289 = arith.constant 0 : i32
    %dma_wait3A_290 = tpu.memref_slice %arg13[%dma_wait3A_285, %dma_wait3A_286, %dma_wait3A_288, %dma_wait3A_289] : memref<2x8x50x128xf32, #tpu.memory_space<vmem>> -> memref<1x1x50x128xf32, #tpu.memory_space<vmem>>
    %dma_wait3A_291 = tpu.memref_squeeze %dma_wait3A_290 : memref<1x1x50x128xf32, #tpu.memory_space<vmem>> -> memref<50x128xf32, #tpu.memory_space<vmem>>
    %dma_wait3A_292 = arith.constant 0 : i32
    %dma_wait3A_293 = arith.constant 0 : i32
    %dma_wait3A_294 = tpu.memref_slice %arg11[%add3A_284, %dma_wait3A_292, %dma_wait3A_293] : memref<4096x50x1000xf32, #tpu.memory_space<hbm>> -> memref<1x50x1000xf32, #tpu.memory_space<hbm>>
    %dma_wait3A_295 = tpu.memref_squeeze %dma_wait3A_294 : memref<1x50x1000xf32, #tpu.memory_space<hbm>> -> memref<50x1000xf32, #tpu.memory_space<hbm>>
    %dma_wait3A_296 = arith.constant 0 : i32
    %dma_wait3A_297 = arith.constant 128 : i32
    %dma_wait3A_298 = tpu.memref_slice %dma_wait3A_295[%dma_wait3A_296, %dma_wait3A_297] : memref<50x1000xf32, #tpu.memory_space<hbm>> -> memref<50x128xf32, #tpu.memory_space<hbm>>
    %dma_wait3A_299 = tpu.memref_slice %arg16[%dma_wait3A_287] : memref<2x!tpu.dma_semaphore, #tpu.memory_space<semaphore_mem>> -> memref<1x!tpu.dma_semaphore, #tpu.memory_space<semaphore_mem>>
    %dma_wait3A_300 = tpu.memref_squeeze %dma_wait3A_299 : memref<1x!tpu.dma_semaphore, #tpu.memory_space<semaphore_mem>> -> memref<!tpu.dma_semaphore, #tpu.memory_space<semaphore_mem>>
    %dma_wait3A_301 = arith.constant 0 : i32
    %dma_wait3A_302 = arith.constant 0 : i32
    %dma_wait3A_303 = tpu.memref_slice %arg11[%add3A_284, %dma_wait3A_301, %dma_wait3A_302] : memref<4096x50x1000xf32, #tpu.memory_space<hbm>> -> memref<1x50x1000xf32, #tpu.memory_space<hbm>>
    %dma_wait3A_304 = tpu.memref_squeeze %dma_wait3A_303 : memref<1x50x1000xf32, #tpu.memory_space<hbm>> -> memref<50x1000xf32, #tpu.memory_space<hbm>>
    %dma_wait3A_305 = arith.constant 0 : i32
    %dma_wait3A_306 = arith.constant 128 : i32
    %dma_wait3A_307 = tpu.memref_slice %dma_wait3A_304[%dma_wait3A_305, %dma_wait3A_306] : memref<50x1000xf32, #tpu.memory_space<hbm>> -> memref<50x128xf32, #tpu.memory_space<hbm>>
    %dma_wait3A_308 = arith.constant 0 : i32
    %dma_wait3A_309 = arith.constant 0 : i32
    %dma_wait3A_310 = tpu.memref_slice %arg13[%dma_wait3A_285, %dma_wait3A_286, %dma_wait3A_308, %dma_wait3A_309] : memref<2x8x50x128xf32, #tpu.memory_space<vmem>> -> memref<1x1x50x128xf32, #tpu.memory_space<vmem>>
    %dma_wait3A_311 = tpu.memref_squeeze %dma_wait3A_310 : memref<1x1x50x128xf32, #tpu.memory_space<vmem>> -> memref<50x128xf32, #tpu.memory_space<vmem>>
    tpu.wait_dma2 semaphore(%dma_wait3A_300 : memref<!tpu.dma_semaphore, #tpu.memory_space<semaphore_mem>>) src(%dma_wait3A_311 : memref<50x128xf32, #tpu.memory_space<vmem>>) dst(%dma_wait3A_307 : memref<50x128xf32, #tpu.memory_space<hbm>>)
    %add3A_312 = arith.constant 128 : i32
    %add3A_313 = arith.addi %mul3A_2, %add3A_312 : i32
    %sub3A_314 = arith.constant 2 : i32
    %sub3A_315 = arith.subi %add3A_313, %sub3A_314 : i32
    %add3A_316 = arith.constant 0 : i32
    %add3A_317 = arith.addi %sub3A_315, %add3A_316 : i32
    %dma_wait3A_318 = arith.constant 0 : i32
    %dma_wait3A_319 = arith.constant 2 : i32
    %dma_wait3A_320 = arith.constant 0 : i32
    %dma_wait3A_321 = arith.constant 0 : i32
    %dma_wait3A_322 = arith.constant 0 : i32
    %dma_wait3A_323 = tpu.memref_slice %arg13[%dma_wait3A_318, %dma_wait3A_319, %dma_wait3A_321, %dma_wait3A_322] : memref<2x8x50x128xf32, #tpu.memory_space<vmem>> -> memref<1x1x50x128xf32, #tpu.memory_space<vmem>>
    %dma_wait3A_324 = tpu.memref_squeeze %dma_wait3A_323 : memref<1x1x50x128xf32, #tpu.memory_space<vmem>> -> memref<50x128xf32, #tpu.memory_space<vmem>>
    %dma_wait3A_325 = arith.constant 0 : i32
    %dma_wait3A_326 = arith.constant 0 : i32
    %dma_wait3A_327 = tpu.memref_slice %arg11[%add3A_317, %dma_wait3A_325, %dma_wait3A_326] : memref<4096x50x1000xf32, #tpu.memory_space<hbm>> -> memref<1x50x1000xf32, #tpu.memory_space<hbm>>
    %dma_wait3A_328 = tpu.memref_squeeze %dma_wait3A_327 : memref<1x50x1000xf32, #tpu.memory_space<hbm>> -> memref<50x1000xf32, #tpu.memory_space<hbm>>
    %dma_wait3A_329 = arith.constant 0 : i32
    %dma_wait3A_330 = arith.constant 256 : i32
    %dma_wait3A_331 = tpu.memref_slice %dma_wait3A_328[%dma_wait3A_329, %dma_wait3A_330] : memref<50x1000xf32, #tpu.memory_space<hbm>> -> memref<50x128xf32, #tpu.memory_space<hbm>>
    %dma_wait3A_332 = tpu.memref_slice %arg16[%dma_wait3A_320] : memref<2x!tpu.dma_semaphore, #tpu.memory_space<semaphore_mem>> -> memref<1x!tpu.dma_semaphore, #tpu.memory_space<semaphore_mem>>
    %dma_wait3A_333 = tpu.memref_squeeze %dma_wait3A_332 : memref<1x!tpu.dma_semaphore, #tpu.memory_space<semaphore_mem>> -> memref<!tpu.dma_semaphore, #tpu.memory_space<semaphore_mem>>
    %dma_wait3A_334 = arith.constant 0 : i32
    %dma_wait3A_335 = arith.constant 0 : i32
    %dma_wait3A_336 = tpu.memref_slice %arg11[%add3A_317, %dma_wait3A_334, %dma_wait3A_335] : memref<4096x50x1000xf32, #tpu.memory_space<hbm>> -> memref<1x50x1000xf32, #tpu.memory_space<hbm>>
    %dma_wait3A_337 = tpu.memref_squeeze %dma_wait3A_336 : memref<1x50x1000xf32, #tpu.memory_space<hbm>> -> memref<50x1000xf32, #tpu.memory_space<hbm>>
    %dma_wait3A_338 = arith.constant 0 : i32
    %dma_wait3A_339 = arith.constant 256 : i32
    %dma_wait3A_340 = tpu.memref_slice %dma_wait3A_337[%dma_wait3A_338, %dma_wait3A_339] : memref<50x1000xf32, #tpu.memory_space<hbm>> -> memref<50x128xf32, #tpu.memory_space<hbm>>
    %dma_wait3A_341 = arith.constant 0 : i32
    %dma_wait3A_342 = arith.constant 0 : i32
    %dma_wait3A_343 = tpu.memref_slice %arg13[%dma_wait3A_318, %dma_wait3A_319, %dma_wait3A_341, %dma_wait3A_342] : memref<2x8x50x128xf32, #tpu.memory_space<vmem>> -> memref<1x1x50x128xf32, #tpu.memory_space<vmem>>
    %dma_wait3A_344 = tpu.memref_squeeze %dma_wait3A_343 : memref<1x1x50x128xf32, #tpu.memory_space<vmem>> -> memref<50x128xf32, #tpu.memory_space<vmem>>
    tpu.wait_dma2 semaphore(%dma_wait3A_333 : memref<!tpu.dma_semaphore, #tpu.memory_space<semaphore_mem>>) src(%dma_wait3A_344 : memref<50x128xf32, #tpu.memory_space<vmem>>) dst(%dma_wait3A_340 : memref<50x128xf32, #tpu.memory_space<hbm>>)
    %add3A_345 = arith.constant 128 : i32
    %add3A_346 = arith.addi %mul3A_2, %add3A_345 : i32
    %sub3A_347 = arith.constant 2 : i32
    %sub3A_348 = arith.subi %add3A_346, %sub3A_347 : i32
    %add3A_349 = arith.constant 0 : i32
    %add3A_350 = arith.addi %sub3A_348, %add3A_349 : i32
    %dma_wait3A_351 = arith.constant 0 : i32
    %dma_wait3A_352 = arith.constant 3 : i32
    %dma_wait3A_353 = arith.constant 0 : i32
    %dma_wait3A_354 = arith.constant 0 : i32
    %dma_wait3A_355 = arith.constant 0 : i32
    %dma_wait3A_356 = tpu.memref_slice %arg13[%dma_wait3A_351, %dma_wait3A_352, %dma_wait3A_354, %dma_wait3A_355] : memref<2x8x50x128xf32, #tpu.memory_space<vmem>> -> memref<1x1x50x128xf32, #tpu.memory_space<vmem>>
    %dma_wait3A_357 = tpu.memref_squeeze %dma_wait3A_356 : memref<1x1x50x128xf32, #tpu.memory_space<vmem>> -> memref<50x128xf32, #tpu.memory_space<vmem>>
    %dma_wait3A_358 = arith.constant 0 : i32
    %dma_wait3A_359 = arith.constant 0 : i32
    %dma_wait3A_360 = tpu.memref_slice %arg11[%add3A_350, %dma_wait3A_358, %dma_wait3A_359] : memref<4096x50x1000xf32, #tpu.memory_space<hbm>> -> memref<1x50x1000xf32, #tpu.memory_space<hbm>>
    %dma_wait3A_361 = tpu.memref_squeeze %dma_wait3A_360 : memref<1x50x1000xf32, #tpu.memory_space<hbm>> -> memref<50x1000xf32, #tpu.memory_space<hbm>>
    %dma_wait3A_362 = arith.constant 0 : i32
    %dma_wait3A_363 = arith.constant 384 : i32
    %dma_wait3A_364 = tpu.memref_slice %dma_wait3A_361[%dma_wait3A_362, %dma_wait3A_363] : memref<50x1000xf32, #tpu.memory_space<hbm>> -> memref<50x128xf32, #tpu.memory_space<hbm>>
    %dma_wait3A_365 = tpu.memref_slice %arg16[%dma_wait3A_353] : memref<2x!tpu.dma_semaphore, #tpu.memory_space<semaphore_mem>> -> memref<1x!tpu.dma_semaphore, #tpu.memory_space<semaphore_mem>>
    %dma_wait3A_366 = tpu.memref_squeeze %dma_wait3A_365 : memref<1x!tpu.dma_semaphore, #tpu.memory_space<semaphore_mem>> -> memref<!tpu.dma_semaphore, #tpu.memory_space<semaphore_mem>>
    %dma_wait3A_367 = arith.constant 0 : i32
    %dma_wait3A_368 = arith.constant 0 : i32
    %dma_wait3A_369 = tpu.memref_slice %arg11[%add3A_350, %dma_wait3A_367, %dma_wait3A_368] : memref<4096x50x1000xf32, #tpu.memory_space<hbm>> -> memref<1x50x1000xf32, #tpu.memory_space<hbm>>
    %dma_wait3A_370 = tpu.memref_squeeze %dma_wait3A_369 : memref<1x50x1000xf32, #tpu.memory_space<hbm>> -> memref<50x1000xf32, #tpu.memory_space<hbm>>
    %dma_wait3A_371 = arith.constant 0 : i32
    %dma_wait3A_372 = arith.constant 384 : i32
    %dma_wait3A_373 = tpu.memref_slice %dma_wait3A_370[%dma_wait3A_371, %dma_wait3A_372] : memref<50x1000xf32, #tpu.memory_space<hbm>> -> memref<50x128xf32, #tpu.memory_space<hbm>>
    %dma_wait3A_374 = arith.constant 0 : i32
    %dma_wait3A_375 = arith.constant 0 : i32
    %dma_wait3A_376 = tpu.memref_slice %arg13[%dma_wait3A_351, %dma_wait3A_352, %dma_wait3A_374, %dma_wait3A_375] : memref<2x8x50x128xf32, #tpu.memory_space<vmem>> -> memref<1x1x50x128xf32, #tpu.memory_space<vmem>>
    %dma_wait3A_377 = tpu.memref_squeeze %dma_wait3A_376 : memref<1x1x50x128xf32, #tpu.memory_space<vmem>> -> memref<50x128xf32, #tpu.memory_space<vmem>>
    tpu.wait_dma2 semaphore(%dma_wait3A_366 : memref<!tpu.dma_semaphore, #tpu.memory_space<semaphore_mem>>) src(%dma_wait3A_377 : memref<50x128xf32, #tpu.memory_space<vmem>>) dst(%dma_wait3A_373 : memref<50x128xf32, #tpu.memory_space<hbm>>)
    %add3A_378 = arith.constant 128 : i32
    %add3A_379 = arith.addi %mul3A_2, %add3A_378 : i32
    %sub3A_380 = arith.constant 2 : i32
    %sub3A_381 = arith.subi %add3A_379, %sub3A_380 : i32
    %add3A_382 = arith.constant 0 : i32
    %add3A_383 = arith.addi %sub3A_381, %add3A_382 : i32
    %dma_wait3A_384 = arith.constant 0 : i32
    %dma_wait3A_385 = arith.constant 4 : i32
    %dma_wait3A_386 = arith.constant 0 : i32
    %dma_wait3A_387 = arith.constant 0 : i32
    %dma_wait3A_388 = arith.constant 0 : i32
    %dma_wait3A_389 = tpu.memref_slice %arg13[%dma_wait3A_384, %dma_wait3A_385, %dma_wait3A_387, %dma_wait3A_388] : memref<2x8x50x128xf32, #tpu.memory_space<vmem>> -> memref<1x1x50x128xf32, #tpu.memory_space<vmem>>
    %dma_wait3A_390 = tpu.memref_squeeze %dma_wait3A_389 : memref<1x1x50x128xf32, #tpu.memory_space<vmem>> -> memref<50x128xf32, #tpu.memory_space<vmem>>
    %dma_wait3A_391 = arith.constant 0 : i32
    %dma_wait3A_392 = arith.constant 0 : i32
    %dma_wait3A_393 = tpu.memref_slice %arg11[%add3A_383, %dma_wait3A_391, %dma_wait3A_392] : memref<4096x50x1000xf32, #tpu.memory_space<hbm>> -> memref<1x50x1000xf32, #tpu.memory_space<hbm>>
    %dma_wait3A_394 = tpu.memref_squeeze %dma_wait3A_393 : memref<1x50x1000xf32, #tpu.memory_space<hbm>> -> memref<50x1000xf32, #tpu.memory_space<hbm>>
    %dma_wait3A_395 = arith.constant 0 : i32
    %dma_wait3A_396 = arith.constant 512 : i32
    %dma_wait3A_397 = tpu.memref_slice %dma_wait3A_394[%dma_wait3A_395, %dma_wait3A_396] : memref<50x1000xf32, #tpu.memory_space<hbm>> -> memref<50x128xf32, #tpu.memory_space<hbm>>
    %dma_wait3A_398 = tpu.memref_slice %arg16[%dma_wait3A_386] : memref<2x!tpu.dma_semaphore, #tpu.memory_space<semaphore_mem>> -> memref<1x!tpu.dma_semaphore, #tpu.memory_space<semaphore_mem>>
    %dma_wait3A_399 = tpu.memref_squeeze %dma_wait3A_398 : memref<1x!tpu.dma_semaphore, #tpu.memory_space<semaphore_mem>> -> memref<!tpu.dma_semaphore, #tpu.memory_space<semaphore_mem>>
    %dma_wait3A_400 = arith.constant 0 : i32
    %dma_wait3A_401 = arith.constant 0 : i32
    %dma_wait3A_402 = tpu.memref_slice %arg11[%add3A_383, %dma_wait3A_400, %dma_wait3A_401] : memref<4096x50x1000xf32, #tpu.memory_space<hbm>> -> memref<1x50x1000xf32, #tpu.memory_space<hbm>>
    %dma_wait3A_403 = tpu.memref_squeeze %dma_wait3A_402 : memref<1x50x1000xf32, #tpu.memory_space<hbm>> -> memref<50x1000xf32, #tpu.memory_space<hbm>>
    %dma_wait3A_404 = arith.constant 0 : i32
    %dma_wait3A_405 = arith.constant 512 : i32
    %dma_wait3A_406 = tpu.memref_slice %dma_wait3A_403[%dma_wait3A_404, %dma_wait3A_405] : memref<50x1000xf32, #tpu.memory_space<hbm>> -> memref<50x128xf32, #tpu.memory_space<hbm>>
    %dma_wait3A_407 = arith.constant 0 : i32
    %dma_wait3A_408 = arith.constant 0 : i32
    %dma_wait3A_409 = tpu.memref_slice %arg13[%dma_wait3A_384, %dma_wait3A_385, %dma_wait3A_407, %dma_wait3A_408] : memref<2x8x50x128xf32, #tpu.memory_space<vmem>> -> memref<1x1x50x128xf32, #tpu.memory_space<vmem>>
    %dma_wait3A_410 = tpu.memref_squeeze %dma_wait3A_409 : memref<1x1x50x128xf32, #tpu.memory_space<vmem>> -> memref<50x128xf32, #tpu.memory_space<vmem>>
    tpu.wait_dma2 semaphore(%dma_wait3A_399 : memref<!tpu.dma_semaphore, #tpu.memory_space<semaphore_mem>>) src(%dma_wait3A_410 : memref<50x128xf32, #tpu.memory_space<vmem>>) dst(%dma_wait3A_406 : memref<50x128xf32, #tpu.memory_space<hbm>>)
    %add3A_411 = arith.constant 128 : i32
    %add3A_412 = arith.addi %mul3A_2, %add3A_411 : i32
    %sub3A_413 = arith.constant 2 : i32
    %sub3A_414 = arith.subi %add3A_412, %sub3A_413 : i32
    %add3A_415 = arith.constant 0 : i32
    %add3A_416 = arith.addi %sub3A_414, %add3A_415 : i32
    %dma_wait3A_417 = arith.constant 0 : i32
    %dma_wait3A_418 = arith.constant 5 : i32
    %dma_wait3A_419 = arith.constant 0 : i32
    %dma_wait3A_420 = arith.constant 0 : i32
    %dma_wait3A_421 = arith.constant 0 : i32
    %dma_wait3A_422 = tpu.memref_slice %arg13[%dma_wait3A_417, %dma_wait3A_418, %dma_wait3A_420, %dma_wait3A_421] : memref<2x8x50x128xf32, #tpu.memory_space<vmem>> -> memref<1x1x50x128xf32, #tpu.memory_space<vmem>>
    %dma_wait3A_423 = tpu.memref_squeeze %dma_wait3A_422 : memref<1x1x50x128xf32, #tpu.memory_space<vmem>> -> memref<50x128xf32, #tpu.memory_space<vmem>>
    %dma_wait3A_424 = arith.constant 0 : i32
    %dma_wait3A_425 = arith.constant 0 : i32
    %dma_wait3A_426 = tpu.memref_slice %arg11[%add3A_416, %dma_wait3A_424, %dma_wait3A_425] : memref<4096x50x1000xf32, #tpu.memory_space<hbm>> -> memref<1x50x1000xf32, #tpu.memory_space<hbm>>
    %dma_wait3A_427 = tpu.memref_squeeze %dma_wait3A_426 : memref<1x50x1000xf32, #tpu.memory_space<hbm>> -> memref<50x1000xf32, #tpu.memory_space<hbm>>
    %dma_wait3A_428 = arith.constant 0 : i32
    %dma_wait3A_429 = arith.constant 640 : i32
    %dma_wait3A_430 = tpu.memref_slice %dma_wait3A_427[%dma_wait3A_428, %dma_wait3A_429] : memref<50x1000xf32, #tpu.memory_space<hbm>> -> memref<50x128xf32, #tpu.memory_space<hbm>>
    %dma_wait3A_431 = tpu.memref_slice %arg16[%dma_wait3A_419] : memref<2x!tpu.dma_semaphore, #tpu.memory_space<semaphore_mem>> -> memref<1x!tpu.dma_semaphore, #tpu.memory_space<semaphore_mem>>
    %dma_wait3A_432 = tpu.memref_squeeze %dma_wait3A_431 : memref<1x!tpu.dma_semaphore, #tpu.memory_space<semaphore_mem>> -> memref<!tpu.dma_semaphore, #tpu.memory_space<semaphore_mem>>
    %dma_wait3A_433 = arith.constant 0 : i32
    %dma_wait3A_434 = arith.constant 0 : i32
    %dma_wait3A_435 = tpu.memref_slice %arg11[%add3A_416, %dma_wait3A_433, %dma_wait3A_434] : memref<4096x50x1000xf32, #tpu.memory_space<hbm>> -> memref<1x50x1000xf32, #tpu.memory_space<hbm>>
    %dma_wait3A_436 = tpu.memref_squeeze %dma_wait3A_435 : memref<1x50x1000xf32, #tpu.memory_space<hbm>> -> memref<50x1000xf32, #tpu.memory_space<hbm>>
    %dma_wait3A_437 = arith.constant 0 : i32
    %dma_wait3A_438 = arith.constant 640 : i32
    %dma_wait3A_439 = tpu.memref_slice %dma_wait3A_436[%dma_wait3A_437, %dma_wait3A_438] : memref<50x1000xf32, #tpu.memory_space<hbm>> -> memref<50x128xf32, #tpu.memory_space<hbm>>
    %dma_wait3A_440 = arith.constant 0 : i32
    %dma_wait3A_441 = arith.constant 0 : i32
    %dma_wait3A_442 = tpu.memref_slice %arg13[%dma_wait3A_417, %dma_wait3A_418, %dma_wait3A_440, %dma_wait3A_441] : memref<2x8x50x128xf32, #tpu.memory_space<vmem>> -> memref<1x1x50x128xf32, #tpu.memory_space<vmem>>
    %dma_wait3A_443 = tpu.memref_squeeze %dma_wait3A_442 : memref<1x1x50x128xf32, #tpu.memory_space<vmem>> -> memref<50x128xf32, #tpu.memory_space<vmem>>
    tpu.wait_dma2 semaphore(%dma_wait3A_432 : memref<!tpu.dma_semaphore, #tpu.memory_space<semaphore_mem>>) src(%dma_wait3A_443 : memref<50x128xf32, #tpu.memory_space<vmem>>) dst(%dma_wait3A_439 : memref<50x128xf32, #tpu.memory_space<hbm>>)
    %add3A_444 = arith.constant 128 : i32
    %add3A_445 = arith.addi %mul3A_2, %add3A_444 : i32
    %sub3A_446 = arith.constant 2 : i32
    %sub3A_447 = arith.subi %add3A_445, %sub3A_446 : i32
    %add3A_448 = arith.constant 0 : i32
    %add3A_449 = arith.addi %sub3A_447, %add3A_448 : i32
    %dma_wait3A_450 = arith.constant 0 : i32
    %dma_wait3A_451 = arith.constant 6 : i32
    %dma_wait3A_452 = arith.constant 0 : i32
    %dma_wait3A_453 = arith.constant 0 : i32
    %dma_wait3A_454 = arith.constant 0 : i32
    %dma_wait3A_455 = tpu.memref_slice %arg13[%dma_wait3A_450, %dma_wait3A_451, %dma_wait3A_453, %dma_wait3A_454] : memref<2x8x50x128xf32, #tpu.memory_space<vmem>> -> memref<1x1x50x128xf32, #tpu.memory_space<vmem>>
    %dma_wait3A_456 = tpu.memref_squeeze %dma_wait3A_455 : memref<1x1x50x128xf32, #tpu.memory_space<vmem>> -> memref<50x128xf32, #tpu.memory_space<vmem>>
    %dma_wait3A_457 = arith.constant 0 : i32
    %dma_wait3A_458 = arith.constant 0 : i32
    %dma_wait3A_459 = tpu.memref_slice %arg11[%add3A_449, %dma_wait3A_457, %dma_wait3A_458] : memref<4096x50x1000xf32, #tpu.memory_space<hbm>> -> memref<1x50x1000xf32, #tpu.memory_space<hbm>>
    %dma_wait3A_460 = tpu.memref_squeeze %dma_wait3A_459 : memref<1x50x1000xf32, #tpu.memory_space<hbm>> -> memref<50x1000xf32, #tpu.memory_space<hbm>>
    %dma_wait3A_461 = arith.constant 0 : i32
    %dma_wait3A_462 = arith.constant 768 : i32
    %dma_wait3A_463 = tpu.memref_slice %dma_wait3A_460[%dma_wait3A_461, %dma_wait3A_462] : memref<50x1000xf32, #tpu.memory_space<hbm>> -> memref<50x128xf32, #tpu.memory_space<hbm>>
    %dma_wait3A_464 = tpu.memref_slice %arg16[%dma_wait3A_452] : memref<2x!tpu.dma_semaphore, #tpu.memory_space<semaphore_mem>> -> memref<1x!tpu.dma_semaphore, #tpu.memory_space<semaphore_mem>>
    %dma_wait3A_465 = tpu.memref_squeeze %dma_wait3A_464 : memref<1x!tpu.dma_semaphore, #tpu.memory_space<semaphore_mem>> -> memref<!tpu.dma_semaphore, #tpu.memory_space<semaphore_mem>>
    %dma_wait3A_466 = arith.constant 0 : i32
    %dma_wait3A_467 = arith.constant 0 : i32
    %dma_wait3A_468 = tpu.memref_slice %arg11[%add3A_449, %dma_wait3A_466, %dma_wait3A_467] : memref<4096x50x1000xf32, #tpu.memory_space<hbm>> -> memref<1x50x1000xf32, #tpu.memory_space<hbm>>
    %dma_wait3A_469 = tpu.memref_squeeze %dma_wait3A_468 : memref<1x50x1000xf32, #tpu.memory_space<hbm>> -> memref<50x1000xf32, #tpu.memory_space<hbm>>
    %dma_wait3A_470 = arith.constant 0 : i32
    %dma_wait3A_471 = arith.constant 768 : i32
    %dma_wait3A_472 = tpu.memref_slice %dma_wait3A_469[%dma_wait3A_470, %dma_wait3A_471] : memref<50x1000xf32, #tpu.memory_space<hbm>> -> memref<50x128xf32, #tpu.memory_space<hbm>>
    %dma_wait3A_473 = arith.constant 0 : i32
    %dma_wait3A_474 = arith.constant 0 : i32
    %dma_wait3A_475 = tpu.memref_slice %arg13[%dma_wait3A_450, %dma_wait3A_451, %dma_wait3A_473, %dma_wait3A_474] : memref<2x8x50x128xf32, #tpu.memory_space<vmem>> -> memref<1x1x50x128xf32, #tpu.memory_space<vmem>>
    %dma_wait3A_476 = tpu.memref_squeeze %dma_wait3A_475 : memref<1x1x50x128xf32, #tpu.memory_space<vmem>> -> memref<50x128xf32, #tpu.memory_space<vmem>>
    tpu.wait_dma2 semaphore(%dma_wait3A_465 : memref<!tpu.dma_semaphore, #tpu.memory_space<semaphore_mem>>) src(%dma_wait3A_476 : memref<50x128xf32, #tpu.memory_space<vmem>>) dst(%dma_wait3A_472 : memref<50x128xf32, #tpu.memory_space<hbm>>)
    %add3A_477 = arith.constant 128 : i32
    %add3A_478 = arith.addi %mul3A_2, %add3A_477 : i32
    %sub3A_479 = arith.constant 2 : i32
    %sub3A_480 = arith.subi %add3A_478, %sub3A_479 : i32
    %add3A_481 = arith.constant 1 : i32
    %add3A_482 = arith.addi %sub3A_480, %add3A_481 : i32
    %dma_wait3A_483 = arith.constant 1 : i32
    %dma_wait3A_484 = arith.constant 0 : i32
    %dma_wait3A_485 = arith.constant 1 : i32
    %dma_wait3A_486 = arith.constant 0 : i32
    %dma_wait3A_487 = arith.constant 0 : i32
    %dma_wait3A_488 = tpu.memref_slice %arg13[%dma_wait3A_483, %dma_wait3A_484, %dma_wait3A_486, %dma_wait3A_487] : memref<2x8x50x128xf32, #tpu.memory_space<vmem>> -> memref<1x1x50x128xf32, #tpu.memory_space<vmem>>
    %dma_wait3A_489 = tpu.memref_squeeze %dma_wait3A_488 : memref<1x1x50x128xf32, #tpu.memory_space<vmem>> -> memref<50x128xf32, #tpu.memory_space<vmem>>
    %dma_wait3A_490 = arith.constant 0 : i32
    %dma_wait3A_491 = arith.constant 0 : i32
    %dma_wait3A_492 = tpu.memref_slice %arg11[%add3A_482, %dma_wait3A_490, %dma_wait3A_491] : memref<4096x50x1000xf32, #tpu.memory_space<hbm>> -> memref<1x50x1000xf32, #tpu.memory_space<hbm>>
    %dma_wait3A_493 = tpu.memref_squeeze %dma_wait3A_492 : memref<1x50x1000xf32, #tpu.memory_space<hbm>> -> memref<50x1000xf32, #tpu.memory_space<hbm>>
    %dma_wait3A_494 = arith.constant 0 : i32
    %dma_wait3A_495 = arith.constant 0 : i32
    %dma_wait3A_496 = tpu.memref_slice %dma_wait3A_493[%dma_wait3A_494, %dma_wait3A_495] : memref<50x1000xf32, #tpu.memory_space<hbm>> -> memref<50x128xf32, #tpu.memory_space<hbm>>
    %dma_wait3A_497 = tpu.memref_slice %arg16[%dma_wait3A_485] : memref<2x!tpu.dma_semaphore, #tpu.memory_space<semaphore_mem>> -> memref<1x!tpu.dma_semaphore, #tpu.memory_space<semaphore_mem>>
    %dma_wait3A_498 = tpu.memref_squeeze %dma_wait3A_497 : memref<1x!tpu.dma_semaphore, #tpu.memory_space<semaphore_mem>> -> memref<!tpu.dma_semaphore, #tpu.memory_space<semaphore_mem>>
    %dma_wait3A_499 = arith.constant 0 : i32
    %dma_wait3A_500 = arith.constant 0 : i32
    %dma_wait3A_501 = tpu.memref_slice %arg11[%add3A_482, %dma_wait3A_499, %dma_wait3A_500] : memref<4096x50x1000xf32, #tpu.memory_space<hbm>> -> memref<1x50x1000xf32, #tpu.memory_space<hbm>>
    %dma_wait3A_502 = tpu.memref_squeeze %dma_wait3A_501 : memref<1x50x1000xf32, #tpu.memory_space<hbm>> -> memref<50x1000xf32, #tpu.memory_space<hbm>>
    %dma_wait3A_503 = arith.constant 0 : i32
    %dma_wait3A_504 = arith.constant 0 : i32
    %dma_wait3A_505 = tpu.memref_slice %dma_wait3A_502[%dma_wait3A_503, %dma_wait3A_504] : memref<50x1000xf32, #tpu.memory_space<hbm>> -> memref<50x128xf32, #tpu.memory_space<hbm>>
    %dma_wait3A_506 = arith.constant 0 : i32
    %dma_wait3A_507 = arith.constant 0 : i32
    %dma_wait3A_508 = tpu.memref_slice %arg13[%dma_wait3A_483, %dma_wait3A_484, %dma_wait3A_506, %dma_wait3A_507] : memref<2x8x50x128xf32, #tpu.memory_space<vmem>> -> memref<1x1x50x128xf32, #tpu.memory_space<vmem>>
    %dma_wait3A_509 = tpu.memref_squeeze %dma_wait3A_508 : memref<1x1x50x128xf32, #tpu.memory_space<vmem>> -> memref<50x128xf32, #tpu.memory_space<vmem>>
    tpu.wait_dma2 semaphore(%dma_wait3A_498 : memref<!tpu.dma_semaphore, #tpu.memory_space<semaphore_mem>>) src(%dma_wait3A_509 : memref<50x128xf32, #tpu.memory_space<vmem>>) dst(%dma_wait3A_505 : memref<50x128xf32, #tpu.memory_space<hbm>>)
    %add3A_510 = arith.constant 128 : i32
    %add3A_511 = arith.addi %mul3A_2, %add3A_510 : i32
    %sub3A_512 = arith.constant 2 : i32
    %sub3A_513 = arith.subi %add3A_511, %sub3A_512 : i32
    %add3A_514 = arith.constant 1 : i32
    %add3A_515 = arith.addi %sub3A_513, %add3A_514 : i32
    %dma_wait3A_516 = arith.constant 1 : i32
    %dma_wait3A_517 = arith.constant 1 : i32
    %dma_wait3A_518 = arith.constant 1 : i32
    %dma_wait3A_519 = arith.constant 0 : i32
    %dma_wait3A_520 = arith.constant 0 : i32
    %dma_wait3A_521 = tpu.memref_slice %arg13[%dma_wait3A_516, %dma_wait3A_517, %dma_wait3A_519, %dma_wait3A_520] : memref<2x8x50x128xf32, #tpu.memory_space<vmem>> -> memref<1x1x50x128xf32, #tpu.memory_space<vmem>>
    %dma_wait3A_522 = tpu.memref_squeeze %dma_wait3A_521 : memref<1x1x50x128xf32, #tpu.memory_space<vmem>> -> memref<50x128xf32, #tpu.memory_space<vmem>>
    %dma_wait3A_523 = arith.constant 0 : i32
    %dma_wait3A_524 = arith.constant 0 : i32
    %dma_wait3A_525 = tpu.memref_slice %arg11[%add3A_515, %dma_wait3A_523, %dma_wait3A_524] : memref<4096x50x1000xf32, #tpu.memory_space<hbm>> -> memref<1x50x1000xf32, #tpu.memory_space<hbm>>
    %dma_wait3A_526 = tpu.memref_squeeze %dma_wait3A_525 : memref<1x50x1000xf32, #tpu.memory_space<hbm>> -> memref<50x1000xf32, #tpu.memory_space<hbm>>
    %dma_wait3A_527 = arith.constant 0 : i32
    %dma_wait3A_528 = arith.constant 128 : i32
    %dma_wait3A_529 = tpu.memref_slice %dma_wait3A_526[%dma_wait3A_527, %dma_wait3A_528] : memref<50x1000xf32, #tpu.memory_space<hbm>> -> memref<50x128xf32, #tpu.memory_space<hbm>>
    %dma_wait3A_530 = tpu.memref_slice %arg16[%dma_wait3A_518] : memref<2x!tpu.dma_semaphore, #tpu.memory_space<semaphore_mem>> -> memref<1x!tpu.dma_semaphore, #tpu.memory_space<semaphore_mem>>
    %dma_wait3A_531 = tpu.memref_squeeze %dma_wait3A_530 : memref<1x!tpu.dma_semaphore, #tpu.memory_space<semaphore_mem>> -> memref<!tpu.dma_semaphore, #tpu.memory_space<semaphore_mem>>
    %dma_wait3A_532 = arith.constant 0 : i32
    %dma_wait3A_533 = arith.constant 0 : i32
    %dma_wait3A_534 = tpu.memref_slice %arg11[%add3A_515, %dma_wait3A_532, %dma_wait3A_533] : memref<4096x50x1000xf32, #tpu.memory_space<hbm>> -> memref<1x50x1000xf32, #tpu.memory_space<hbm>>
    %dma_wait3A_535 = tpu.memref_squeeze %dma_wait3A_534 : memref<1x50x1000xf32, #tpu.memory_space<hbm>> -> memref<50x1000xf32, #tpu.memory_space<hbm>>
    %dma_wait3A_536 = arith.constant 0 : i32
    %dma_wait3A_537 = arith.constant 128 : i32
    %dma_wait3A_538 = tpu.memref_slice %dma_wait3A_535[%dma_wait3A_536, %dma_wait3A_537] : memref<50x1000xf32, #tpu.memory_space<hbm>> -> memref<50x128xf32, #tpu.memory_space<hbm>>
    %dma_wait3A_539 = arith.constant 0 : i32
    %dma_wait3A_540 = arith.constant 0 : i32
    %dma_wait3A_541 = tpu.memref_slice %arg13[%dma_wait3A_516, %dma_wait3A_517, %dma_wait3A_539, %dma_wait3A_540] : memref<2x8x50x128xf32, #tpu.memory_space<vmem>> -> memref<1x1x50x128xf32, #tpu.memory_space<vmem>>
    %dma_wait3A_542 = tpu.memref_squeeze %dma_wait3A_541 : memref<1x1x50x128xf32, #tpu.memory_space<vmem>> -> memref<50x128xf32, #tpu.memory_space<vmem>>
    tpu.wait_dma2 semaphore(%dma_wait3A_531 : memref<!tpu.dma_semaphore, #tpu.memory_space<semaphore_mem>>) src(%dma_wait3A_542 : memref<50x128xf32, #tpu.memory_space<vmem>>) dst(%dma_wait3A_538 : memref<50x128xf32, #tpu.memory_space<hbm>>)
    %add3A_543 = arith.constant 128 : i32
    %add3A_544 = arith.addi %mul3A_2, %add3A_543 : i32
    %sub3A_545 = arith.constant 2 : i32
    %sub3A_546 = arith.subi %add3A_544, %sub3A_545 : i32
    %add3A_547 = arith.constant 1 : i32
    %add3A_548 = arith.addi %sub3A_546, %add3A_547 : i32
    %dma_wait3A_549 = arith.constant 1 : i32
    %dma_wait3A_550 = arith.constant 2 : i32
    %dma_wait3A_551 = arith.constant 1 : i32
    %dma_wait3A_552 = arith.constant 0 : i32
    %dma_wait3A_553 = arith.constant 0 : i32
    %dma_wait3A_554 = tpu.memref_slice %arg13[%dma_wait3A_549, %dma_wait3A_550, %dma_wait3A_552, %dma_wait3A_553] : memref<2x8x50x128xf32, #tpu.memory_space<vmem>> -> memref<1x1x50x128xf32, #tpu.memory_space<vmem>>
    %dma_wait3A_555 = tpu.memref_squeeze %dma_wait3A_554 : memref<1x1x50x128xf32, #tpu.memory_space<vmem>> -> memref<50x128xf32, #tpu.memory_space<vmem>>
    %dma_wait3A_556 = arith.constant 0 : i32
    %dma_wait3A_557 = arith.constant 0 : i32
    %dma_wait3A_558 = tpu.memref_slice %arg11[%add3A_548, %dma_wait3A_556, %dma_wait3A_557] : memref<4096x50x1000xf32, #tpu.memory_space<hbm>> -> memref<1x50x1000xf32, #tpu.memory_space<hbm>>
    %dma_wait3A_559 = tpu.memref_squeeze %dma_wait3A_558 : memref<1x50x1000xf32, #tpu.memory_space<hbm>> -> memref<50x1000xf32, #tpu.memory_space<hbm>>
    %dma_wait3A_560 = arith.constant 0 : i32
    %dma_wait3A_561 = arith.constant 256 : i32
    %dma_wait3A_562 = tpu.memref_slice %dma_wait3A_559[%dma_wait3A_560, %dma_wait3A_561] : memref<50x1000xf32, #tpu.memory_space<hbm>> -> memref<50x128xf32, #tpu.memory_space<hbm>>
    %dma_wait3A_563 = tpu.memref_slice %arg16[%dma_wait3A_551] : memref<2x!tpu.dma_semaphore, #tpu.memory_space<semaphore_mem>> -> memref<1x!tpu.dma_semaphore, #tpu.memory_space<semaphore_mem>>
    %dma_wait3A_564 = tpu.memref_squeeze %dma_wait3A_563 : memref<1x!tpu.dma_semaphore, #tpu.memory_space<semaphore_mem>> -> memref<!tpu.dma_semaphore, #tpu.memory_space<semaphore_mem>>
    %dma_wait3A_565 = arith.constant 0 : i32
    %dma_wait3A_566 = arith.constant 0 : i32
    %dma_wait3A_567 = tpu.memref_slice %arg11[%add3A_548, %dma_wait3A_565, %dma_wait3A_566] : memref<4096x50x1000xf32, #tpu.memory_space<hbm>> -> memref<1x50x1000xf32, #tpu.memory_space<hbm>>
    %dma_wait3A_568 = tpu.memref_squeeze %dma_wait3A_567 : memref<1x50x1000xf32, #tpu.memory_space<hbm>> -> memref<50x1000xf32, #tpu.memory_space<hbm>>
    %dma_wait3A_569 = arith.constant 0 : i32
    %dma_wait3A_570 = arith.constant 256 : i32
    %dma_wait3A_571 = tpu.memref_slice %dma_wait3A_568[%dma_wait3A_569, %dma_wait3A_570] : memref<50x1000xf32, #tpu.memory_space<hbm>> -> memref<50x128xf32, #tpu.memory_space<hbm>>
    %dma_wait3A_572 = arith.constant 0 : i32
    %dma_wait3A_573 = arith.constant 0 : i32
    %dma_wait3A_574 = tpu.memref_slice %arg13[%dma_wait3A_549, %dma_wait3A_550, %dma_wait3A_572, %dma_wait3A_573] : memref<2x8x50x128xf32, #tpu.memory_space<vmem>> -> memref<1x1x50x128xf32, #tpu.memory_space<vmem>>
    %dma_wait3A_575 = tpu.memref_squeeze %dma_wait3A_574 : memref<1x1x50x128xf32, #tpu.memory_space<vmem>> -> memref<50x128xf32, #tpu.memory_space<vmem>>
    tpu.wait_dma2 semaphore(%dma_wait3A_564 : memref<!tpu.dma_semaphore, #tpu.memory_space<semaphore_mem>>) src(%dma_wait3A_575 : memref<50x128xf32, #tpu.memory_space<vmem>>) dst(%dma_wait3A_571 : memref<50x128xf32, #tpu.memory_space<hbm>>)
    %add3A_576 = arith.constant 128 : i32
    %add3A_577 = arith.addi %mul3A_2, %add3A_576 : i32
    %sub3A_578 = arith.constant 2 : i32
    %sub3A_579 = arith.subi %add3A_577, %sub3A_578 : i32
    %add3A_580 = arith.constant 1 : i32
    %add3A_581 = arith.addi %sub3A_579, %add3A_580 : i32
    %dma_wait3A_582 = arith.constant 1 : i32
    %dma_wait3A_583 = arith.constant 3 : i32
    %dma_wait3A_584 = arith.constant 1 : i32
    %dma_wait3A_585 = arith.constant 0 : i32
    %dma_wait3A_586 = arith.constant 0 : i32
    %dma_wait3A_587 = tpu.memref_slice %arg13[%dma_wait3A_582, %dma_wait3A_583, %dma_wait3A_585, %dma_wait3A_586] : memref<2x8x50x128xf32, #tpu.memory_space<vmem>> -> memref<1x1x50x128xf32, #tpu.memory_space<vmem>>
    %dma_wait3A_588 = tpu.memref_squeeze %dma_wait3A_587 : memref<1x1x50x128xf32, #tpu.memory_space<vmem>> -> memref<50x128xf32, #tpu.memory_space<vmem>>
    %dma_wait3A_589 = arith.constant 0 : i32
    %dma_wait3A_590 = arith.constant 0 : i32
    %dma_wait3A_591 = tpu.memref_slice %arg11[%add3A_581, %dma_wait3A_589, %dma_wait3A_590] : memref<4096x50x1000xf32, #tpu.memory_space<hbm>> -> memref<1x50x1000xf32, #tpu.memory_space<hbm>>
    %dma_wait3A_592 = tpu.memref_squeeze %dma_wait3A_591 : memref<1x50x1000xf32, #tpu.memory_space<hbm>> -> memref<50x1000xf32, #tpu.memory_space<hbm>>
    %dma_wait3A_593 = arith.constant 0 : i32
    %dma_wait3A_594 = arith.constant 384 : i32
    %dma_wait3A_595 = tpu.memref_slice %dma_wait3A_592[%dma_wait3A_593, %dma_wait3A_594] : memref<50x1000xf32, #tpu.memory_space<hbm>> -> memref<50x128xf32, #tpu.memory_space<hbm>>
    %dma_wait3A_596 = tpu.memref_slice %arg16[%dma_wait3A_584] : memref<2x!tpu.dma_semaphore, #tpu.memory_space<semaphore_mem>> -> memref<1x!tpu.dma_semaphore, #tpu.memory_space<semaphore_mem>>
    %dma_wait3A_597 = tpu.memref_squeeze %dma_wait3A_596 : memref<1x!tpu.dma_semaphore, #tpu.memory_space<semaphore_mem>> -> memref<!tpu.dma_semaphore, #tpu.memory_space<semaphore_mem>>
    %dma_wait3A_598 = arith.constant 0 : i32
    %dma_wait3A_599 = arith.constant 0 : i32
    %dma_wait3A_600 = tpu.memref_slice %arg11[%add3A_581, %dma_wait3A_598, %dma_wait3A_599] : memref<4096x50x1000xf32, #tpu.memory_space<hbm>> -> memref<1x50x1000xf32, #tpu.memory_space<hbm>>
    %dma_wait3A_601 = tpu.memref_squeeze %dma_wait3A_600 : memref<1x50x1000xf32, #tpu.memory_space<hbm>> -> memref<50x1000xf32, #tpu.memory_space<hbm>>
    %dma_wait3A_602 = arith.constant 0 : i32
    %dma_wait3A_603 = arith.constant 384 : i32
    %dma_wait3A_604 = tpu.memref_slice %dma_wait3A_601[%dma_wait3A_602, %dma_wait3A_603] : memref<50x1000xf32, #tpu.memory_space<hbm>> -> memref<50x128xf32, #tpu.memory_space<hbm>>
    %dma_wait3A_605 = arith.constant 0 : i32
    %dma_wait3A_606 = arith.constant 0 : i32
    %dma_wait3A_607 = tpu.memref_slice %arg13[%dma_wait3A_582, %dma_wait3A_583, %dma_wait3A_605, %dma_wait3A_606] : memref<2x8x50x128xf32, #tpu.memory_space<vmem>> -> memref<1x1x50x128xf32, #tpu.memory_space<vmem>>
    %dma_wait3A_608 = tpu.memref_squeeze %dma_wait3A_607 : memref<1x1x50x128xf32, #tpu.memory_space<vmem>> -> memref<50x128xf32, #tpu.memory_space<vmem>>
    tpu.wait_dma2 semaphore(%dma_wait3A_597 : memref<!tpu.dma_semaphore, #tpu.memory_space<semaphore_mem>>) src(%dma_wait3A_608 : memref<50x128xf32, #tpu.memory_space<vmem>>) dst(%dma_wait3A_604 : memref<50x128xf32, #tpu.memory_space<hbm>>)
    %add3A_609 = arith.constant 128 : i32
    %add3A_610 = arith.addi %mul3A_2, %add3A_609 : i32
    %sub3A_611 = arith.constant 2 : i32
    %sub3A_612 = arith.subi %add3A_610, %sub3A_611 : i32
    %add3A_613 = arith.constant 1 : i32
    %add3A_614 = arith.addi %sub3A_612, %add3A_613 : i32
    %dma_wait3A_615 = arith.constant 1 : i32
    %dma_wait3A_616 = arith.constant 4 : i32
    %dma_wait3A_617 = arith.constant 1 : i32
    %dma_wait3A_618 = arith.constant 0 : i32
    %dma_wait3A_619 = arith.constant 0 : i32
    %dma_wait3A_620 = tpu.memref_slice %arg13[%dma_wait3A_615, %dma_wait3A_616, %dma_wait3A_618, %dma_wait3A_619] : memref<2x8x50x128xf32, #tpu.memory_space<vmem>> -> memref<1x1x50x128xf32, #tpu.memory_space<vmem>>
    %dma_wait3A_621 = tpu.memref_squeeze %dma_wait3A_620 : memref<1x1x50x128xf32, #tpu.memory_space<vmem>> -> memref<50x128xf32, #tpu.memory_space<vmem>>
    %dma_wait3A_622 = arith.constant 0 : i32
    %dma_wait3A_623 = arith.constant 0 : i32
    %dma_wait3A_624 = tpu.memref_slice %arg11[%add3A_614, %dma_wait3A_622, %dma_wait3A_623] : memref<4096x50x1000xf32, #tpu.memory_space<hbm>> -> memref<1x50x1000xf32, #tpu.memory_space<hbm>>
    %dma_wait3A_625 = tpu.memref_squeeze %dma_wait3A_624 : memref<1x50x1000xf32, #tpu.memory_space<hbm>> -> memref<50x1000xf32, #tpu.memory_space<hbm>>
    %dma_wait3A_626 = arith.constant 0 : i32
    %dma_wait3A_627 = arith.constant 512 : i32
    %dma_wait3A_628 = tpu.memref_slice %dma_wait3A_625[%dma_wait3A_626, %dma_wait3A_627] : memref<50x1000xf32, #tpu.memory_space<hbm>> -> memref<50x128xf32, #tpu.memory_space<hbm>>
    %dma_wait3A_629 = tpu.memref_slice %arg16[%dma_wait3A_617] : memref<2x!tpu.dma_semaphore, #tpu.memory_space<semaphore_mem>> -> memref<1x!tpu.dma_semaphore, #tpu.memory_space<semaphore_mem>>
    %dma_wait3A_630 = tpu.memref_squeeze %dma_wait3A_629 : memref<1x!tpu.dma_semaphore, #tpu.memory_space<semaphore_mem>> -> memref<!tpu.dma_semaphore, #tpu.memory_space<semaphore_mem>>
    %dma_wait3A_631 = arith.constant 0 : i32
    %dma_wait3A_632 = arith.constant 0 : i32
    %dma_wait3A_633 = tpu.memref_slice %arg11[%add3A_614, %dma_wait3A_631, %dma_wait3A_632] : memref<4096x50x1000xf32, #tpu.memory_space<hbm>> -> memref<1x50x1000xf32, #tpu.memory_space<hbm>>
    %dma_wait3A_634 = tpu.memref_squeeze %dma_wait3A_633 : memref<1x50x1000xf32, #tpu.memory_space<hbm>> -> memref<50x1000xf32, #tpu.memory_space<hbm>>
    %dma_wait3A_635 = arith.constant 0 : i32
    %dma_wait3A_636 = arith.constant 512 : i32
    %dma_wait3A_637 = tpu.memref_slice %dma_wait3A_634[%dma_wait3A_635, %dma_wait3A_636] : memref<50x1000xf32, #tpu.memory_space<hbm>> -> memref<50x128xf32, #tpu.memory_space<hbm>>
    %dma_wait3A_638 = arith.constant 0 : i32
    %dma_wait3A_639 = arith.constant 0 : i32
    %dma_wait3A_640 = tpu.memref_slice %arg13[%dma_wait3A_615, %dma_wait3A_616, %dma_wait3A_638, %dma_wait3A_639] : memref<2x8x50x128xf32, #tpu.memory_space<vmem>> -> memref<1x1x50x128xf32, #tpu.memory_space<vmem>>
    %dma_wait3A_641 = tpu.memref_squeeze %dma_wait3A_640 : memref<1x1x50x128xf32, #tpu.memory_space<vmem>> -> memref<50x128xf32, #tpu.memory_space<vmem>>
    tpu.wait_dma2 semaphore(%dma_wait3A_630 : memref<!tpu.dma_semaphore, #tpu.memory_space<semaphore_mem>>) src(%dma_wait3A_641 : memref<50x128xf32, #tpu.memory_space<vmem>>) dst(%dma_wait3A_637 : memref<50x128xf32, #tpu.memory_space<hbm>>)
    %add3A_642 = arith.constant 128 : i32
    %add3A_643 = arith.addi %mul3A_2, %add3A_642 : i32
    %sub3A_644 = arith.constant 2 : i32
    %sub3A_645 = arith.subi %add3A_643, %sub3A_644 : i32
    %add3A_646 = arith.constant 1 : i32
    %add3A_647 = arith.addi %sub3A_645, %add3A_646 : i32
    %dma_wait3A_648 = arith.constant 1 : i32
    %dma_wait3A_649 = arith.constant 5 : i32
    %dma_wait3A_650 = arith.constant 1 : i32
    %dma_wait3A_651 = arith.constant 0 : i32
    %dma_wait3A_652 = arith.constant 0 : i32
    %dma_wait3A_653 = tpu.memref_slice %arg13[%dma_wait3A_648, %dma_wait3A_649, %dma_wait3A_651, %dma_wait3A_652] : memref<2x8x50x128xf32, #tpu.memory_space<vmem>> -> memref<1x1x50x128xf32, #tpu.memory_space<vmem>>
    %dma_wait3A_654 = tpu.memref_squeeze %dma_wait3A_653 : memref<1x1x50x128xf32, #tpu.memory_space<vmem>> -> memref<50x128xf32, #tpu.memory_space<vmem>>
    %dma_wait3A_655 = arith.constant 0 : i32
    %dma_wait3A_656 = arith.constant 0 : i32
    %dma_wait3A_657 = tpu.memref_slice %arg11[%add3A_647, %dma_wait3A_655, %dma_wait3A_656] : memref<4096x50x1000xf32, #tpu.memory_space<hbm>> -> memref<1x50x1000xf32, #tpu.memory_space<hbm>>
    %dma_wait3A_658 = tpu.memref_squeeze %dma_wait3A_657 : memref<1x50x1000xf32, #tpu.memory_space<hbm>> -> memref<50x1000xf32, #tpu.memory_space<hbm>>
    %dma_wait3A_659 = arith.constant 0 : i32
    %dma_wait3A_660 = arith.constant 640 : i32
    %dma_wait3A_661 = tpu.memref_slice %dma_wait3A_658[%dma_wait3A_659, %dma_wait3A_660] : memref<50x1000xf32, #tpu.memory_space<hbm>> -> memref<50x128xf32, #tpu.memory_space<hbm>>
    %dma_wait3A_662 = tpu.memref_slice %arg16[%dma_wait3A_650] : memref<2x!tpu.dma_semaphore, #tpu.memory_space<semaphore_mem>> -> memref<1x!tpu.dma_semaphore, #tpu.memory_space<semaphore_mem>>
    %dma_wait3A_663 = tpu.memref_squeeze %dma_wait3A_662 : memref<1x!tpu.dma_semaphore, #tpu.memory_space<semaphore_mem>> -> memref<!tpu.dma_semaphore, #tpu.memory_space<semaphore_mem>>
    %dma_wait3A_664 = arith.constant 0 : i32
    %dma_wait3A_665 = arith.constant 0 : i32
    %dma_wait3A_666 = tpu.memref_slice %arg11[%add3A_647, %dma_wait3A_664, %dma_wait3A_665] : memref<4096x50x1000xf32, #tpu.memory_space<hbm>> -> memref<1x50x1000xf32, #tpu.memory_space<hbm>>
    %dma_wait3A_667 = tpu.memref_squeeze %dma_wait3A_666 : memref<1x50x1000xf32, #tpu.memory_space<hbm>> -> memref<50x1000xf32, #tpu.memory_space<hbm>>
    %dma_wait3A_668 = arith.constant 0 : i32
    %dma_wait3A_669 = arith.constant 640 : i32
    %dma_wait3A_670 = tpu.memref_slice %dma_wait3A_667[%dma_wait3A_668, %dma_wait3A_669] : memref<50x1000xf32, #tpu.memory_space<hbm>> -> memref<50x128xf32, #tpu.memory_space<hbm>>
    %dma_wait3A_671 = arith.constant 0 : i32
    %dma_wait3A_672 = arith.constant 0 : i32
    %dma_wait3A_673 = tpu.memref_slice %arg13[%dma_wait3A_648, %dma_wait3A_649, %dma_wait3A_671, %dma_wait3A_672] : memref<2x8x50x128xf32, #tpu.memory_space<vmem>> -> memref<1x1x50x128xf32, #tpu.memory_space<vmem>>
    %dma_wait3A_674 = tpu.memref_squeeze %dma_wait3A_673 : memref<1x1x50x128xf32, #tpu.memory_space<vmem>> -> memref<50x128xf32, #tpu.memory_space<vmem>>
    tpu.wait_dma2 semaphore(%dma_wait3A_663 : memref<!tpu.dma_semaphore, #tpu.memory_space<semaphore_mem>>) src(%dma_wait3A_674 : memref<50x128xf32, #tpu.memory_space<vmem>>) dst(%dma_wait3A_670 : memref<50x128xf32, #tpu.memory_space<hbm>>)
    %add3A_675 = arith.constant 128 : i32
    %add3A_676 = arith.addi %mul3A_2, %add3A_675 : i32
    %sub3A_677 = arith.constant 2 : i32
    %sub3A_678 = arith.subi %add3A_676, %sub3A_677 : i32
    %add3A_679 = arith.constant 1 : i32
    %add3A_680 = arith.addi %sub3A_678, %add3A_679 : i32
    %dma_wait3A_681 = arith.constant 1 : i32
    %dma_wait3A_682 = arith.constant 6 : i32
    %dma_wait3A_683 = arith.constant 1 : i32
    %dma_wait3A_684 = arith.constant 0 : i32
    %dma_wait3A_685 = arith.constant 0 : i32
    %dma_wait3A_686 = tpu.memref_slice %arg13[%dma_wait3A_681, %dma_wait3A_682, %dma_wait3A_684, %dma_wait3A_685] : memref<2x8x50x128xf32, #tpu.memory_space<vmem>> -> memref<1x1x50x128xf32, #tpu.memory_space<vmem>>
    %dma_wait3A_687 = tpu.memref_squeeze %dma_wait3A_686 : memref<1x1x50x128xf32, #tpu.memory_space<vmem>> -> memref<50x128xf32, #tpu.memory_space<vmem>>
    %dma_wait3A_688 = arith.constant 0 : i32
    %dma_wait3A_689 = arith.constant 0 : i32
    %dma_wait3A_690 = tpu.memref_slice %arg11[%add3A_680, %dma_wait3A_688, %dma_wait3A_689] : memref<4096x50x1000xf32, #tpu.memory_space<hbm>> -> memref<1x50x1000xf32, #tpu.memory_space<hbm>>
    %dma_wait3A_691 = tpu.memref_squeeze %dma_wait3A_690 : memref<1x50x1000xf32, #tpu.memory_space<hbm>> -> memref<50x1000xf32, #tpu.memory_space<hbm>>
    %dma_wait3A_692 = arith.constant 0 : i32
    %dma_wait3A_693 = arith.constant 768 : i32
    %dma_wait3A_694 = tpu.memref_slice %dma_wait3A_691[%dma_wait3A_692, %dma_wait3A_693] : memref<50x1000xf32, #tpu.memory_space<hbm>> -> memref<50x128xf32, #tpu.memory_space<hbm>>
    %dma_wait3A_695 = tpu.memref_slice %arg16[%dma_wait3A_683] : memref<2x!tpu.dma_semaphore, #tpu.memory_space<semaphore_mem>> -> memref<1x!tpu.dma_semaphore, #tpu.memory_space<semaphore_mem>>
    %dma_wait3A_696 = tpu.memref_squeeze %dma_wait3A_695 : memref<1x!tpu.dma_semaphore, #tpu.memory_space<semaphore_mem>> -> memref<!tpu.dma_semaphore, #tpu.memory_space<semaphore_mem>>
    %dma_wait3A_697 = arith.constant 0 : i32
    %dma_wait3A_698 = arith.constant 0 : i32
    %dma_wait3A_699 = tpu.memref_slice %arg11[%add3A_680, %dma_wait3A_697, %dma_wait3A_698] : memref<4096x50x1000xf32, #tpu.memory_space<hbm>> -> memref<1x50x1000xf32, #tpu.memory_space<hbm>>
    %dma_wait3A_700 = tpu.memref_squeeze %dma_wait3A_699 : memref<1x50x1000xf32, #tpu.memory_space<hbm>> -> memref<50x1000xf32, #tpu.memory_space<hbm>>
    %dma_wait3A_701 = arith.constant 0 : i32
    %dma_wait3A_702 = arith.constant 768 : i32
    %dma_wait3A_703 = tpu.memref_slice %dma_wait3A_700[%dma_wait3A_701, %dma_wait3A_702] : memref<50x1000xf32, #tpu.memory_space<hbm>> -> memref<50x128xf32, #tpu.memory_space<hbm>>
    %dma_wait3A_704 = arith.constant 0 : i32
    %dma_wait3A_705 = arith.constant 0 : i32
    %dma_wait3A_706 = tpu.memref_slice %arg13[%dma_wait3A_681, %dma_wait3A_682, %dma_wait3A_704, %dma_wait3A_705] : memref<2x8x50x128xf32, #tpu.memory_space<vmem>> -> memref<1x1x50x128xf32, #tpu.memory_space<vmem>>
    %dma_wait3A_707 = tpu.memref_squeeze %dma_wait3A_706 : memref<1x1x50x128xf32, #tpu.memory_space<vmem>> -> memref<50x128xf32, #tpu.memory_space<vmem>>
    tpu.wait_dma2 semaphore(%dma_wait3A_696 : memref<!tpu.dma_semaphore, #tpu.memory_space<semaphore_mem>>) src(%dma_wait3A_707 : memref<50x128xf32, #tpu.memory_space<vmem>>) dst(%dma_wait3A_703 : memref<50x128xf32, #tpu.memory_space<hbm>>)
    %add3A_708 = arith.constant 128 : i32
    %add3A_709 = arith.addi %mul3A_2, %add3A_708 : i32
    %sub3A_710 = arith.constant 1 : i32
    %sub3A_711 = arith.subi %add3A_709, %sub3A_710 : i32
    %dma_wait3A_712 = arith.constant 0 : i32
    %dma_wait3A_713 = arith.constant 0 : i32
    %dma_wait3A_714 = tpu.memref_slice %arg11[%sub3A_711, %dma_wait3A_712, %dma_wait3A_713] : memref<4096x50x1000xf32, #tpu.memory_space<hbm>> -> memref<1x50x1000xf32, #tpu.memory_space<hbm>>
    %dma_wait3A_715 = tpu.memref_squeeze %dma_wait3A_714 : memref<1x50x1000xf32, #tpu.memory_space<hbm>> -> memref<50x1000xf32, #tpu.memory_space<hbm>>
    %dma_wait3A_716 = arith.constant 0 : i32
    %dma_wait3A_717 = arith.constant 896 : i32
    %dma_wait3A_718 = tpu.memref_slice %dma_wait3A_715[%dma_wait3A_716, %dma_wait3A_717] : memref<50x1000xf32, #tpu.memory_space<hbm>> -> memref<50x104xf32, #tpu.memory_space<hbm>>
    %dma_wait3A_719 = arith.constant 0 : i32
    %dma_wait3A_720 = arith.constant 0 : i32
    %dma_wait3A_721 = tpu.memref_slice %arg11[%sub3A_711, %dma_wait3A_719, %dma_wait3A_720] : memref<4096x50x1000xf32, #tpu.memory_space<hbm>> -> memref<1x50x1000xf32, #tpu.memory_space<hbm>>
    %dma_wait3A_722 = tpu.memref_squeeze %dma_wait3A_721 : memref<1x50x1000xf32, #tpu.memory_space<hbm>> -> memref<50x1000xf32, #tpu.memory_space<hbm>>
    %dma_wait3A_723 = arith.constant 0 : i32
    %dma_wait3A_724 = arith.constant 896 : i32
    %dma_wait3A_725 = tpu.memref_slice %dma_wait3A_722[%dma_wait3A_723, %dma_wait3A_724] : memref<50x1000xf32, #tpu.memory_space<hbm>> -> memref<50x104xf32, #tpu.memory_space<hbm>>
    tpu.wait_dma2 semaphore(%arg17 : memref<!tpu.dma_semaphore, #tpu.memory_space<semaphore_mem>>) src(%arg14 : memref<50x104xf32, #tpu.memory_space<vmem>>) dst(%dma_wait3A_725 : memref<50x104xf32, #tpu.memory_space<hbm>>)
    return
  }
}

</mosaic_0001>

<sc_bundles>
// kernel: kernel.3.cloned.1.call-start
scs
__scs_entry_jumppad:
0x0: {  	(pc) =	sbr.rel $0x88, $3  }
0x1: {  	(tag) =	ssettag $0x0;
	lr =	simm.s32 $0x1  }
0x2: {  	[smem:$0x3F9F] =	sst lr;
	_ =	strace $0xD0000000  }
0x3: {  	_ = 	snop  }
0x4: {  	_ = 	snop  }
0x5: {  	_ = 	snop  }
0x6: {  	_ = 	snop  }
0x7: {  	_ = 	snop  }
__scs_overlays_trampoline_lowered:
0x8: {  	[smem:$0x3FAE] =	sst s0  }
0x9: {  	[smem:$0x3FAF] =	sst s1  }
0xa: {  	[smem:$0x3FB0] =	sst s2  }
0xb: {  	[smem:$0x3FB1] =	sst s3  }
0xc: {  	[smem:$0x3FB2] =	sst s4  }
0xd: {  	[smem:$0x3FB3] =	sst s5  }
0xe: {  	[smem:$0x3FB4] =	sst s6  }
0xf: {  	[smem:$0x3FB5] =	sst s7  }
0x10: {  	[smem:$0x3FB6] =	sst s8  }
0x11: {  	[smem:$0x3FB7] =	sst s9;
	s0 =	simm.s32 @!p0 $0x0  }
0x12: {  	s1 =	sld [smem:$0x3F9D];
	s0 =	simm.s32 @p0 $0x1  }
0x13: {  	[smem:$0x3FB8] =	sst s0;
	s0 =	simm.s32 @!p1 $0x0  }
0x14: {  	s2 =	sld [smem:$0x3F9C];
	s0 =	simm.s32 @p1 $0x1  }
0x15: {  	[smem:$0x3FB9] =	sst s0;
	s0 =	simm.s32 @!p2 $0x0  }
0x16: {  	s3 =	sld [smem:$0x3FDB];
	s0 =	simm.s32 @p2 $0x1  }
0x17: {  	s4 =	simm.s32 $0x1BF5;
	[smem:$0x3FBB] =	sst s0  }
0x18: {  	s0 =	sld [smem:$0x3F9E];
	_ =	swait.ge [sflag:s4], $0x0  }
0x19: {  	s7 =	sld [smem:$0x3F9F]  }
0x1a: {  	s8 =	sadd.s32 $0xFFFFE003, lr  }
0x1b: {  	s9 =	sadd.s32 $0xFFFFFEF7, lr;
	s5 =	simm.s32 $0xFFFFFFFF;
	p2 =	slt.u32 s8, $0xFFFFF086  }
0x1c: {  	p1 =	slt.u32 s9, $0xF7A;
	s5 =	simm.s32 @!p2 $0x0  }
0x1d: {  	s5 =	simm.s32 @p1 $0x1;
	p0 =	seq.s32 s7, s2  }
0x1e: {  	s7 =	smul.u32 @!p0 $0xF7A, s2;
	p2 =	seq.s32 @!p0 s5, $0x0  }
0x1f: {  	s9 =	smul.u32 $0xF7A, s1;
	s8 =	simm.s32 @!p0 $0x1BF5;
	p2 =	por !p2, p0  }
0x20: {  	[sflag:s8] =	ssyncset.s32 @!p0 $0xFFFFF086;
	s6 =	sadd.s32 @!p0 s3, s7;
	s7 =	simm.s32 @!p0 $0x108  }
0x21: {  	s3 =	sadd.s32 s3, s9;
	s6 =	sadd.s32 @!p0 $0x88, s6;
	s7 =	simm.s32 @p2 $0x1082  }
0x22: {  	[simem:s7], [sflag:s8] =	dma.local @!p0 [hbm:s6], $0xF7A  }
0x23: {  	s9 =	sor.u32 $0xD0000000, s2;
	s6 =	simm.s32 $0x108;
	_ =	swait.ge @!p0 [sflag:s8], $0x0  }
0x24: {  	s3 =	sadd.s32 $0x88, s3;
	s6 =	simm.s32 @!p1 $0x1082;
	[sflag:s4] =	ssyncset.s32 $0xFFFFF086  }
0x25: {  	[simem:s6], [sflag:s4] =	dma.local [hbm:s3], $0xF7A  }
0x26: {  	[smem:$0x3F9F] =	sst s1;
	(tag) =	ssettag s2;
	_ =	strace s9  }
0x27: {  	s1 =	sld [smem:$0x3FAF]  }
0x28: {  	s2 =	sld [smem:$0x3FB0]  }
0x29: {  	s4 =	sld [smem:$0x3FB2]  }
0x2a: {  	p0 =	seq.s32 s5, $0x0;
	s5 =	sld [smem:$0x3FB3]  }
0x2b: {  	s6 =	sld [smem:$0x3FB4]  }
0x2c: {  	s7 =	sld [smem:$0x3FB5]  }
0x2d: {  	s3 =	simm.s32 $0x108;
	s8 =	sld [smem:$0x3FB6]  }
0x2e: {  	s3 =	simm.s32 @!p0 $0x1082;
	s9 =	sld [smem:$0x3FB7]  }
0x2f: {  	lr =	sadd.s32 s0, s3;
	s0 =	sld [smem:$0x3FAE]  }
0x30: {  	s3 =	sld [smem:$0x3FB1]  }
0x31: {  	[smem:$0x3FBA] =	sst s10  }
0x32: {  	s10 =	sld [smem:$0x3FB8];
	_ =	sdelay $0x3  }
0x33: {  	p0 =	seq.s32 s10, $0x1;
	s10 =	sld [smem:$0x3FBA];
	_ =	sdelay $0x3  }
0x34: {  	[smem:$0x3FBA] =	sst s10  }
0x35: {  	s10 =	sld [smem:$0x3FB9];
	_ =	sdelay $0x3  }
0x36: {  	p1 =	seq.s32 s10, $0x1;
	s10 =	sld [smem:$0x3FBA];
	_ =	sdelay $0x3  }
0x37: {  	[smem:$0x3FBA] =	sst s10  }
0x38: {  	s10 =	sld [smem:$0x3FBB]  }
0x39: {  	_ = 	snop;
	(pc) =	sbr.ind lr, $3  }
0x3a: {  	_ = 	snop  }
0x3b: {  	_ = 	snop  }
0x3c: {  	p2 =	seq.s32 s10, $0x1;
	s10 =	sld [smem:$0x3FBA]  }
0x3d: {  	_ =	shalt  }
0x3e: {  	_ =	shalt  }
0x3f: {  	_ =	shalt  }
0x40: {  	_ =	shalt  }
0x41: {  	_ =	shalt  }
0x42: {  	_ =	shalt  }
0x43: {  	_ =	shalt  }
0x44: {  	_ =	shalt  }
0x45: {  	_ =	shalt  }
0x46: {  	_ =	shalt  }
0x47: {  	_ =	shalt  }
0x48: {  	_ =	shalt  }
0x49: {  	_ =	shalt  }
0x4a: {  	_ =	shalt  }
0x4b: {  	_ =	shalt  }
0x4c: {  	_ =	shalt  }
0x4d: {  	_ =	shalt  }
0x4e: {  	_ =	shalt  }
0x4f: {  	_ =	shalt  }
0x50: {  	_ =	shalt  }
0x51: {  	_ =	shalt  }
0x52: {  	_ =	shalt  }
0x53: {  	_ =	shalt  }
0x54: {  	_ =	shalt  }
0x55: {  	_ =	shalt  }
0x56: {  	_ =	shalt  }
0x57: {  	_ =	shalt  }
0x58: {  	_ =	shalt  }
0x59: {  	_ =	shalt  }
0x5a: {  	_ =	shalt  }
0x5b: {  	_ =	shalt  }
0x5c: {  	_ =	shalt  }
0x5d: {  	_ =	shalt  }
0x5e: {  	_ =	shalt  }
0x5f: {  	_ =	shalt  }
0x60: {  	_ =	shalt  }
0x61: {  	_ =	shalt  }
0x62: {  	_ =	shalt  }
0x63: {  	_ =	shalt  }
0x64: {  	_ =	shalt  }
0x65: {  	_ =	shalt  }
0x66: {  	_ =	shalt  }
0x67: {  	_ =	shalt  }
0x68: {  	_ =	shalt  }
0x69: {  	_ =	shalt  }
0x6a: {  	_ =	shalt  }
0x6b: {  	_ =	shalt  }
0x6c: {  	_ =	shalt  }
0x6d: {  	_ =	shalt  }
0x6e: {  	_ =	shalt  }
0x6f: {  	_ =	shalt  }
0x70: {  	_ =	shalt  }
0x71: {  	_ =	shalt  }
0x72: {  	_ =	shalt  }
0x73: {  	_ =	shalt  }
0x74: {  	_ =	shalt  }
0x75: {  	_ =	shalt  }
0x76: {  	_ =	shalt  }
0x77: {  	_ =	shalt  }
0x78: {  	_ =	shalt  }
0x79: {  	_ =	shalt  }
0x7a: {  	_ =	shalt  }
0x7b: {  	_ =	shalt  }
0x7c: {  	_ =	shalt  }
0x7d: {  	_ =	shalt  }
0x7e: {  	_ =	shalt  }
0x7f: {  	_ =	shalt  }
0x80: {  	_ =	shalt  }
0x81: {  	_ =	shalt  }
0x82: {  	_ =	shalt  }
0x83: {  	_ =	shalt  }
0x84: {  	_ =	shalt  }
0x85: {  	_ =	shalt  }
0x86: {  	_ =	shalt  }
0x87: {  	_ =	shalt  }
.Lfunc_end0:
.L_simem_size_0:
called_computation_lowered:
.L_overlay_start_0:
0x88: {  	s2 =	sld [smem:$0x3FD9]  }
0x89: {  	s3 =	sld [smem:$0x3FFE];
	_ =	sdelay $0x1  }
0x8a: {  	s1 =	srdreg.scid  }
0x8b: {  	s0 =	sand.u32 $0x1, s1  }
0x8c: {  	s17 =	sshll.u32 s0, $0xA;
	s2 =	sadd.s32 s3, s2  }
0x8d: {  	s2 =	sadd.s32 s2, s17  }
0x8e: {  	[smem:$0x3FC6] =	sst s2  }
0x8f: {  	_ = 	snop  }
0x90: {  	s2 =	sld [smem:$0x3FD0];
	(tm) =	ssettm $0x1  }
0x91: {  	s18 =	sld [smem:$0x3FFB];
	_ =	sdelay $0x3  }
0x92: {  	_ =	strace s18  }
0x93: {  	s3 =	sld [smem:$0x3FFC];
	_ =	sdelay $0x3  }
0x94: {  	_ =	strace s3  }
0x95: {  	s3 =	sld [smem:$0x3FFD];
	_ =	sdelay $0x3  }
0x96: {  	_ =	strace s3  }
0x97: {  	_ =	strace $0x8FFFFFFF  }
0x98: {  	s19 =	sld [smem:$0x3FDB];
	_ =	sdelay $0x1  }
0x99: {  	s4 =	simm.s32 $_scs_section_size  }
0x9a: {  	s5 =	simm.s32 $_size__tile_overlayer_lowered;
	s6 =	simm.s32 $_tile_overlayer_lowered  }
0x9b: {  	s22 =	simm.s32 $0x1BFF;
	s21 =	sshll.u32 s6, $0x1;
	s3 =	sadd.s32 s4, s19  }
0x9c: {  	s7 =	simm.s32 $0x0;
	s20 =	sshll.u32 s5, $0x1;
	s5 =	sadd.s32 s21, s3  }
0x9d: {  	[timem:s7], [sflag:s22] =	dma.local [hbm:s5], s20  }
0x9e: {  	_ =	swait.ge [sflag:s22], s20  }
0x9f: {  	s4 =	ssub.s32 $0x0, s20;
	[sflag:s22] =	ssyncset.done $0x0  }
0xa0: {  	[sflag:s22] =	ssyncadd.s32 s4;
	_ =	sdelay $0x1  }
0xa1: {  	s23 =	simm.s32 $0x1B8B  }
0xa2: {  	_ =	swait.ge [sflag:s23], $0x1  }
0xa3: {  	[sflag:s23] =	ssyncset.done $0x0  }
0xa4: {  	s25 =	simm.s32 $0x1B8E;
	s24 =	sld [smem:$0x3FFE];
	[sflag:s23] =	ssyncadd.s32 $0xFFFFFFFF  }
0xa5: {  	s26 =	simm.s32 $execute0_lowered;
	[smem:$0x3FD2] =	sst s25  }
0xa6: {  	s5 =	sshll.u32 s26, $0x1;
	_ =	strace $0x80000046;
	[dreg:$0x1] =	wrdreg $0xFFFFFFFF  }
0xa7: {  	s28 =	simm.s32 $_size_execute0_lowered;
	s3 =	sadd.s32 s3, s5;
	[dreg:$0x0] =	wrdreg $0x0  }
0xa8: {  	s5 =	sshll.u32 s28, $0x1;
	[dreg:$0x2] =	wrdreg s3  }
0xa9: {  	[dreg:$0x3] =	wrdreg s5  }
0xaa: {  	[dreg:$0x4] =	wrdreg $0xC0  }
0xab: {  	_ =	task [dreg:s7], $0x5FFFF  }
0xac: {  	[dreg:$0x1] =	wrdreg $0xFFFFFFFF  }
0xad: {  	[dreg:$0x0] =	wrdreg $0x60  }
0xae: {  	[dreg:$0x2] =	wrdreg s2  }
0xaf: {  	[dreg:$0x3] =	wrdreg s24  }
0xb0: {  	[dreg:$0x4] =	wrdreg $0x9  }
0xb1: {  	_ =	task.clear_ibuf [dreg:s7], $0x5FFFF;
	_ =	strace $0x90000046  }
0xb2: {  	s29 =	simm.s32 $0x9;
	_ =	strace $0x80000048  }
0xb3: {  	_ =	swait.ge [sflag:s29], $0x1  }
0xb4: {  	[sflag:s29] =	ssyncadd.s32 $0xFFFFFFFF  }
0xb5: {  	_ =	strace $0x90000048  }
0xb6: {  	_ =	sfence  }
0xb7: {  	s30 =	sld [smem:$0x0];
	_ =	sdelay $0x2  }
0xb8: {  	s31 =	sshll.u32 s1, $0xD;
	s1 =	sshrl.u32 s1, $0x2  }
0xb9: {  	s3 =	sand.u32 $0x4000, s31;
	s1 =	sadd.s32 s1, s30  }
0xba: {  	s0 =	sor.u32 s3, s0;
	s1 =	sshll.u32 s1, $0x11  }
0xbb: {  	s0 =	sor.u32 s1, s0  }
0xbc: {  	s0 =	sadd.s32 $0x8F2B, s0  }
0xbd: {  	[sflag:s0] =	ssyncadd.remote.s32 $0x1  }
0xbe: {  	_ =	sfence.sel $0xFFFF  }
0xbf: {  	[dreg:$0x0] =	wrdreg $0xFFFFFFFF;
	(pc) =	sbr.abs _section_cstart, $3  }
0xc0: {  	[dreg:$0x1] =	wrdreg $0xFFFFFFFF  }
0xc1: {  	_ =	task.clear_ibuf [dreg:s7], $0x2FFFF;
	_ =	strace $0x9FFFFFFF  }
0xc2: {  	(tm) =	ssettm $0x7FFFFFFF  }
0xc3: {  	_ =	shalt  }
tec
execute0_lowered:
.L_overlay_start_1:
0x0: {  	(tag) =	ssettag $0x1  }
0x1: {  	s0 =	rddreg [dreg:$0x0]  }
0x2: {  	s4 =	rddreg [dreg:$0x1];
	s1 =	simm.s32 $0x0  }
0x3: {  	s9 =	srdreg.scid;
	s11 =	stileid.u32;
	s16 =	simm.s32 $0x32  }
0x4: {  	s28 =	simm.s32 $0xFC00;
	s29 =	simm.s32 $0x13400;
	s30 =	simm.s32 $0x15000  }
0x5: {  	s31 =	simm.s32 $0x16C00;
	s22 =	simm.s32 $0x1DC00;
	s23 =	simm.s32 $0x1F400  }
0x6: {  	s18 =	simm.s32 $0x5;
	s24 =	simm.s32 $0x4;
	s19 =	simm.s32 $0x0  }
0x7: {  	[smem:$0x7FF] =	sst s1;
	s2 =	sadd.s32 $0x1C800, s4;
	s3 =	sadd.s32 $0x18800, s4  }
0x8: {  	s5 =	sadd.s32 $0x14800, s4;
	s6 =	sadd.s32 $0x10800, s4;
	s7 =	sadd.s32 $0xC800, s4  }
0x9: {  	s8 =	sadd.s32 $0x8800, s4;
	s10 =	sand.u32 $0x1, s9;
	s11 =	sshll.u32 s11, $0x1  }
0xa: {  	s9 =	sadd.s32 $0x4800, s4;
	_ =	strace $0x80000047;
	s13 =	sor.u32 s10, s11  }
0xb: {  	s12 =	ssub.s32 $0x2, s10;
	s10 =	sadd.s32 $0x800, s4;
	s15 =	smul.u32 $0x380, s13  }
.Ltmp0:
0xc: {  	s11 =	sadd.s32 $0x20800, s4;
	s14 =	sshrl.u32 s12, $0x1;
	(pc) =	sbr.rel .LBB2_1-.Ltmp0, $4  }
0xd: {  	s4 =	simm.s32 $0x1A400;
	s25 =	ssub.s32 s12, s14;
	s12 =	sshll.u32 s13, $0x7  }
0xe: {  	s13 =	simm.s32 $0x1;
	s14 =	simm.s32 $0x400;
	s0 =	sadd.s32 s0, s15  }
0xf: {  	s26 =	smax.u32 s25, $0x1;
	s15 =	simm.s32 $0x2000;
	[dreg:$0x3] =	wrdreg s0  }
0x10: {  	s25 =	simm.s32 $0x2;
	[dreg:$0x4] =	wrdreg s26;
	s0 =	simm.s32 $0x18800  }
.LBB2_8:
0x11: {  	s17 =	simm.s32 $0x3  }
0x12: {  	_ =	swait.ge [sflag:s17], $0x1900  }
0x13: {  	[sflag:s17] =	ssyncset.done $0x0  }
0x14: {  	[sflag:s17] =	ssyncadd.s32 $0xFFFFE700  }
0x15: {  	_ =	swait.ge [sflag:s17], $0x1900  }
0x16: {  	[sflag:s17] =	ssyncset.done $0x0  }
0x17: {  	[sflag:s17] =	ssyncadd.s32 $0xFFFFE700  }
0x18: {  	_ =	swait.ge [sflag:s17], $0x1900  }
0x19: {  	[sflag:s17] =	ssyncset.done $0x0  }
0x1a: {  	[sflag:s17] =	ssyncadd.s32 $0xFFFFE700  }
0x1b: {  	_ =	swait.ge [sflag:s17], $0x1900  }
0x1c: {  	[sflag:s17] =	ssyncset.done $0x0  }
0x1d: {  	[sflag:s17] =	ssyncadd.s32 $0xFFFFE700  }
0x1e: {  	_ =	swait.ge [sflag:s17], $0x1900  }
0x1f: {  	[sflag:s17] =	ssyncset.done $0x0  }
0x20: {  	[sflag:s17] =	ssyncadd.s32 $0xFFFFE700  }
0x21: {  	_ =	swait.ge [sflag:s17], $0x1900  }
0x22: {  	[sflag:s17] =	ssyncset.done $0x0  }
0x23: {  	[sflag:s17] =	ssyncadd.s32 $0xFFFFE700  }
0x24: {  	_ =	swait.ge [sflag:s17], $0x1900  }
0x25: {  	[sflag:s17] =	ssyncset.done $0x0  }
0x26: {  	[sflag:s17] =	ssyncadd.s32 $0xFFFFE700  }
0x27: {  	_ =	swait.ge [sflag:s24], $0x1900  }
0x28: {  	[sflag:s24] =	ssyncset.done $0x0  }
0x29: {  	[sflag:s24] =	ssyncadd.s32 $0xFFFFE700  }
0x2a: {  	_ =	swait.ge [sflag:s24], $0x1900  }
0x2b: {  	[sflag:s24] =	ssyncset.done $0x0  }
0x2c: {  	[sflag:s24] =	ssyncadd.s32 $0xFFFFE700  }
0x2d: {  	_ =	swait.ge [sflag:s24], $0x1900  }
0x2e: {  	[sflag:s24] =	ssyncset.done $0x0  }
0x2f: {  	[sflag:s24] =	ssyncadd.s32 $0xFFFFE700  }
0x30: {  	_ =	swait.ge [sflag:s24], $0x1900  }
0x31: {  	[sflag:s24] =	ssyncset.done $0x0  }
0x32: {  	[sflag:s24] =	ssyncadd.s32 $0xFFFFE700  }
0x33: {  	_ =	swait.ge [sflag:s24], $0x1900  }
0x34: {  	[sflag:s24] =	ssyncset.done $0x0  }
0x35: {  	[sflag:s24] =	ssyncadd.s32 $0xFFFFE700  }
0x36: {  	_ =	swait.ge [sflag:s24], $0x1900  }
0x37: {  	[sflag:s24] =	ssyncset.done $0x0  }
0x38: {  	[sflag:s24] =	ssyncadd.s32 $0xFFFFE700  }
0x39: {  	_ =	swait.ge [sflag:s24], $0x1900  }
0x3a: {  	[sflag:s24] =	ssyncset.done $0x0  }
0x3b: {  	[sflag:s24] =	ssyncadd.s32 $0xFFFFE700  }
0x3c: {  	_ =	swait.ge [sflag:s18], $0x1900  }
0x3d: {  	s19 =	rddreg [dreg:$0x5]  }
0x3e: {  	s26 =	rddreg [dreg:$0x4];
	s19 =	sadd.s32 $0x1, s19  }
0x3f: {  	p0 =	sne.s32 s19, s26  }
.Ltmp1:
0x40: {  	_ = 	snop;
	(pc) =	sbr.rel @!p0 .LBB2_9-.Ltmp1, $3  }
0x41: {  	_ =	sdelay $0x1  }
0x42: {  	[sflag:s18] =	ssyncset.done $0x0  }
0x43: {  	[sflag:s18] =	ssyncadd.s32 $0xFFFFE700  }
.LBB2_1:
0x44: {  	[dreg:$0x5] =	wrdreg s19  }
0x45: {  	s17 =	rddreg [dreg:$0x3];
	s21 =	simm.s32 $0x6  }
0x46: {  	[tilespmem:s1], [sflag:$0x6] =	stream.linear.gather [hbm4b:s17+s1], $0x1C00, $0x38;
	[tilespmem:$0x1F800] =	vst v63  }
0x47: {  	_ =	swait.ge [sflag:s21], $0x1C00  }
0x48: {  	[sflag:s21] =	ssyncset.done $0x0  }
0x49: {  	s26 =	simm.s32 $0x1C00;
	[sflag:s21] =	ssyncadd.s32 $0xFFFFE400  }
0x4a: {  	[tilespmem:s26], [sflag:$0x1] =	stream.indirect.gather [hbm4b:s2+s16], $0x80, s1, s16, $0xb8;
	[tilespmem:$0x1F800] =	vst v63  }
0x4b: {  	s19 =	simm.s32 $0x3800  }
0x4c: {  	[tilespmem:s19], [sflag:$0x1] =	stream.indirect.gather [hbm4b:s3+s16], $0x80, s1, s16, $0xb8;
	[tilespmem:$0x1F800] =	vst v63  }
0x4d: {  	s20 =	simm.s32 $0x5400  }
0x4e: {  	[tilespmem:s20], [sflag:$0x1] =	stream.indirect.gather [hbm4b:s5+s16], $0x80, s1, s16, $0xb8;
	[tilespmem:$0x1F800] =	vst v63  }
0x4f: {  	s21 =	simm.s32 $0x7000  }
0x50: {  	[tilespmem:s21], [sflag:$0x1] =	stream.indirect.gather [hbm4b:s6+s16], $0x80, s1, s16, $0xb8;
	[tilespmem:$0x1F800] =	vst v63  }
0x51: {  	s26 =	simm.s32 $0x8C00  }
0x52: {  	[tilespmem:s26], [sflag:$0x1] =	stream.indirect.gather [hbm4b:s7+s16], $0x80, s1, s16, $0xb8;
	[tilespmem:$0x1F800] =	vst v63  }
0x53: {  	s19 =	simm.s32 $0xA800  }
0x54: {  	[tilespmem:s19], [sflag:$0x1] =	stream.indirect.gather [hbm4b:s8+s16], $0x80, s1, s16, $0xb8;
	[tilespmem:$0x1F800] =	vst v63  }
0x55: {  	s20 =	simm.s32 $0xC400  }
0x56: {  	[tilespmem:s20], [sflag:$0x1] =	stream.indirect.gather [hbm4b:s9+s16], $0x80, s1, s16, $0xb8;
	[tilespmem:$0x1F800] =	vst v63  }
0x57: {  	s21 =	simm.s32 $0xE000  }
0x58: {  	[tilespmem:s21], [sflag:$0x1] =	stream.indirect.gather [hbm4b:s10+s16], $0x80, s1, s16, $0xb8;
	[tilespmem:$0x1F800] =	vst v63  }
0x59: {  	s26 =	simm.s32 $0x38  }
0x5a: {  	[tilespmem:s28], [sflag:$0x2] =	stream.indirect.gather [hbm4b:s2+s16], $0x80, s26, s16, $0xb8;
	[tilespmem:$0x1F800] =	vst v63  }
0x5b: {  	s28 =	simm.s32 $0x11800  }
0x5c: {  	[tilespmem:s28], [sflag:$0x2] =	stream.indirect.gather [hbm4b:s3+s16], $0x80, s26, s16, $0xb8;
	[tilespmem:$0x1F800] =	vst v63  }
0x5d: {  	_ = 	snop  }
0x5e: {  	[tilespmem:s29], [sflag:$0x2] =	stream.indirect.gather [hbm4b:s5+s16], $0x80, s26, s16, $0xb8;
	[tilespmem:$0x1F800] =	vst v63  }
0x5f: {  	_ = 	snop  }
0x60: {  	[tilespmem:s30], [sflag:$0x2] =	stream.indirect.gather [hbm4b:s6+s16], $0x80, s26, s16, $0xb8;
	[tilespmem:$0x1F800] =	vst v63  }
0x61: {  	_ = 	snop  }
0x62: {  	[tilespmem:s31], [sflag:$0x2] =	stream.indirect.gather [hbm4b:s7+s16], $0x80, s26, s16, $0xb8;
	[tilespmem:$0x1F800] =	vst v63  }
0x63: {  	_ = 	snop  }
0x64: {  	[tilespmem:s0], [sflag:$0x2] =	stream.indirect.gather [hbm4b:s8+s16], $0x80, s26, s16, $0xb8;
	[tilespmem:$0x1F800] =	vst v63  }
0x65: {  	_ = 	snop  }
0x66: {  	[tilespmem:s4], [sflag:$0x2] =	stream.indirect.gather [hbm4b:s9+s16], $0x80, s26, s16, $0xb8;
	[tilespmem:$0x1F800] =	vst v63  }
0x67: {  	s19 =	simm.s32 $0x0;
	s31 =	simm.s32 $0x1C000  }
0x68: {  	[tilespmem:s31], [sflag:$0x2] =	stream.indirect.gather [hbm4b:s10+s16], $0x80, s26, s16, $0xb8;
	[tilespmem:$0x1F800] =	vst v63  }
.LBB2_2:
0x69: {  	_ =	swait.ge [sflag:s13], $0x1900  }
0x6a: {  	[sflag:s13] =	ssyncset.done $0x0  }
0x6b: {  	[sflag:s13] =	ssyncadd.s32 $0xFFFFE700  }
0x6c: {  	_ =	swait.ge [sflag:s13], $0x1900  }
0x6d: {  	[sflag:s13] =	ssyncset.done $0x0  }
0x6e: {  	[sflag:s13] =	ssyncadd.s32 $0xFFFFE700  }
0x6f: {  	_ =	swait.ge [sflag:s13], $0x1900  }
0x70: {  	[sflag:s13] =	ssyncset.done $0x0  }
0x71: {  	[sflag:s13] =	ssyncadd.s32 $0xFFFFE700  }
0x72: {  	_ =	swait.ge [sflag:s13], $0x1900  }
0x73: {  	[sflag:s13] =	ssyncset.done $0x0  }
0x74: {  	[sflag:s13] =	ssyncadd.s32 $0xFFFFE700  }
0x75: {  	_ =	swait.ge [sflag:s13], $0x1900  }
0x76: {  	[sflag:s13] =	ssyncset.done $0x0  }
0x77: {  	[sflag:s13] =	ssyncadd.s32 $0xFFFFE700  }
0x78: {  	_ =	swait.ge [sflag:s13], $0x1900  }
0x79: {  	[sflag:s13] =	ssyncset.done $0x0  }
0x7a: {  	[sflag:s13] =	ssyncadd.s32 $0xFFFFE700  }
0x7b: {  	_ =	swait.ge [sflag:s13], $0x1900  }
0x7c: {  	s20 =	sshll.u32 s19, $0x1;
	[sflag:s13] =	ssyncset.done $0x0  }
0x7d: {  	s17 =	sadd.s32 s12, s20;
	[sflag:s13] =	ssyncadd.s32 $0xFFFFE700  }
0x7e: {  	s17 =	smul.u32 $0x1C00, s17;
	_ =	swait.ge [sflag:s13], $0x1900  }
0x7f: {  	[sflag:s13] =	ssyncset.done $0x0  }
0x80: {  	s30 =	simm.s32 $0x1C00;
	s21 =	sadd.s32 s11, s17;
	[sflag:s13] =	ssyncadd.s32 $0xFFFFE700  }
0x81: {  	[hbm4b:s21+s14] =	stream.strided.scatter [tilespmem:s30], [sflag:$0x3], $0x1800, s15, s14, $0x38;
	[tilespmem:$0x1F800] =	vst v63  }
0x82: {  	s26 =	simm.s32 $0x3400;
	s31 =	sadd.s32 $0x1800, s21  }
0x83: {  	[hbm4b:s31+s1] =	stream.linear.scatter [tilespmem:s26], [sflag:$0x3], $0x100, $0x38;
	[tilespmem:$0x1F800] =	vst v63  }
0x84: {  	s4 =	simm.s32 $0x3800;
	s0 =	sadd.s32 $0x80, s21  }
0x85: {  	[hbm4b:s0+s14] =	stream.strided.scatter [tilespmem:s4], [sflag:$0x3], $0x1800, s15, s14, $0x38;
	[tilespmem:$0x1F800] =	vst v63  }
0x86: {  	s29 =	simm.s32 $0x5000;
	s26 =	sadd.s32 $0x1880, s21  }
0x87: {  	[hbm4b:s26+s1] =	stream.linear.scatter [tilespmem:s29], [sflag:$0x3], $0x100, $0x38;
	[tilespmem:$0x1F800] =	vst v63  }
0x88: {  	s30 =	sadd.s32 $0x100, s21;
	s31 =	simm.s32 $0x5400  }
0x89: {  	[hbm4b:s30+s14] =	stream.strided.scatter [tilespmem:s31], [sflag:$0x3], $0x1800, s15, s14, $0x38;
	[tilespmem:$0x1F800] =	vst v63  }
0x8a: {  	s0 =	sadd.s32 $0x1900, s21;
	s4 =	simm.s32 $0x6C00  }
0x8b: {  	[hbm4b:s0+s1] =	stream.linear.scatter [tilespmem:s4], [sflag:$0x3], $0x100, $0x38;
	[tilespmem:$0x1F800] =	vst v63  }
0x8c: {  	s26 =	sadd.s32 $0x180, s21;
	s29 =	simm.s32 $0x7000  }
0x8d: {  	[hbm4b:s26+s14] =	stream.strided.scatter [tilespmem:s29], [sflag:$0x3], $0x1800, s15, s14, $0x38;
	[tilespmem:$0x1F800] =	vst v63  }
0x8e: {  	s30 =	sadd.s32 $0x1980, s21;
	s31 =	simm.s32 $0x8800  }
0x8f: {  	[hbm4b:s30+s1] =	stream.linear.scatter [tilespmem:s31], [sflag:$0x3], $0x100, $0x38;
	[tilespmem:$0x1F800] =	vst v63  }
0x90: {  	s0 =	sadd.s32 $0x200, s21;
	s4 =	simm.s32 $0x8C00  }
0x91: {  	[hbm4b:s0+s14] =	stream.strided.scatter [tilespmem:s4], [sflag:$0x3], $0x1800, s15, s14, $0x38;
	[tilespmem:$0x1F800] =	vst v63  }
0x92: {  	s26 =	sadd.s32 $0x1A00, s21;
	s29 =	simm.s32 $0xA400  }
0x93: {  	[hbm4b:s26+s1] =	stream.linear.scatter [tilespmem:s29], [sflag:$0x3], $0x100, $0x38;
	[tilespmem:$0x1F800] =	vst v63  }
0x94: {  	s30 =	sadd.s32 $0x280, s21;
	s31 =	simm.s32 $0xA800  }
0x95: {  	[hbm4b:s30+s14] =	stream.strided.scatter [tilespmem:s31], [sflag:$0x3], $0x1800, s15, s14, $0x38;
	[tilespmem:$0x1F800] =	vst v63  }
0x96: {  	s0 =	sadd.s32 $0x1A80, s21;
	s4 =	simm.s32 $0xC000  }
0x97: {  	[hbm4b:s0+s1] =	stream.linear.scatter [tilespmem:s4], [sflag:$0x3], $0x100, $0x38;
	[tilespmem:$0x1F800] =	vst v63  }
0x98: {  	p0 =	seq.s32 s19, $0x0;
	s26 =	sadd.s32 $0x300, s21;
	s29 =	simm.s32 $0xC400  }
0x99: {  	[hbm4b:s26+s14] =	stream.strided.scatter [tilespmem:s29], [sflag:$0x3], $0x1800, s15, s14, $0x38;
	[tilespmem:$0x1F800] =	vst v63  }
0x9a: {  	s17 =	simm.s32 @!p0 $0x5;
	s30 =	sadd.s32 $0x1B00, s21;
	s31 =	simm.s32 $0xDC00  }
0x9b: {  	[hbm4b:s30+s1] =	stream.linear.scatter [tilespmem:s31], [sflag:$0x3], $0x100, $0x38;
	[tilespmem:$0x1F800] =	vst v63  }
0x9c: {  	_ =	swait.ge @!p0 [sflag:s17], $0x1900  }
0x9d: {  	[sflag:s17] =	ssyncset.done @!p0 $0x0  }
0x9e: {  	[sflag:s17] =	ssyncadd.s32 @!p0 $0xFFFFE700;
	s17 =	simm.s32 $0x0  }
0x9f: {  	v3 =	vld [tilespmem:s17+$0xE050]  }
0xa0: {  	v4 =	vld [tilespmem:s17+$0xE058]  }
0xa1: {  	v5 =	vld [tilespmem:s17+$0xE000]  }
0xa2: {  	v2 =	vld [tilespmem:s17+$0xE010]  }
0xa3: {  	v0 =	vld [tilespmem:s17+$0xE020]  }
0xa4: {  	v1 =	vld [tilespmem:s17+$0xE030];
	[tilespmem:s17+$0x1DC50] =	vst v3  }
0xa5: {  	s26 =	simm.s32 $0x80;
	v3 =	vld [tilespmem:s17+$0xE040];
	[tilespmem:s17+$0x1DC58] =	vst v4  }
0xa6: {  	s28 =	simm.s32 $0x400;
	v4 =	vld [tilespmem:s26+$0xE050];
	[tilespmem:s17+$0x1DC00] =	vst v5  }
.LBB2_3:
0xa7: {  	p0 =	sne.s32 s28, $0x6200;
	v5 =	vld [tilespmem:s26+$0xE058];
	[tilespmem:s17+$0x1DC10] =	vst v2  }
0xa8: {  	v6 =	vld [tilespmem:s26+$0xE000];
	[tilespmem:s17+$0x1DC20] =	vst v0  }
.Ltmp2:
0xa9: {  	v2 =	vld [tilespmem:s26+$0xE010];
	[tilespmem:s17+$0x1DC30] =	vst v1;
	(pc) =	sbr.rel @p0 .LBB2_3-.Ltmp2, $4  }
0xaa: {  	v0 =	vld [tilespmem:s26+$0xE020];
	[tilespmem:s17+$0x1DC40] =	vst v3;
	s17 =	smov.u32 s26  }
0xab: {  	v1 =	vld [tilespmem:s17+$0xE030];
	[tilespmem:s17+$0x1DC50] =	vst v4  }
0xac: {  	s26 =	sshra.s32 s28, $0x2;
	v3 =	vld [tilespmem:s17+$0xE040];
	[tilespmem:s17+$0x1DC58] =	vst v5  }
0xad: {  	s28 =	sadd.s32 $0x200, s28;
	v4 =	vld [tilespmem:s26+$0xE050];
	[tilespmem:s17+$0x1DC00] =	vst v6  }
0xae: {  	v5 =	vld [tilespmem:s26+$0xE058];
	[tilespmem:s17+$0x1DC10] =	vst v2  }
0xaf: {  	v2 =	vld [tilespmem:s26+$0xE000];
	[tilespmem:s17+$0x1DC20] =	vst v0  }
0xb0: {  	v0 =	vld [tilespmem:s26+$0xE010];
	[tilespmem:s17+$0x1DC30] =	vst v1  }
0xb1: {  	v1 =	vld [tilespmem:s26+$0xE020];
	[tilespmem:s17+$0x1DC40] =	vst v3  }
0xb2: {  	v3 =	vld [tilespmem:s26+$0xE030];
	[tilespmem:s26+$0x1DC50] =	vst v4  }
0xb3: {  	v4 =	vld [tilespmem:s26+$0xE040];
	[tilespmem:s26+$0x1DC58] =	vst v5  }
0xb4: {  	[tilespmem:s26+$0x1DC00] =	vst v2  }
0xb5: {  	[tilespmem:s26+$0x1DC10] =	vst v0  }
0xb6: {  	[tilespmem:s26+$0x1DC20] =	vst v1  }
0xb7: {  	[tilespmem:s26+$0x1DC30] =	vst v3  }
0xb8: {  	s4 =	sadd.s32 $0x380, s21;
	p0 =	seq.s32 s19, $0x3F;
	[tilespmem:s26+$0x1DC40] =	vst v4  }
0xb9: {  	[hbm4b:s4+s14] =	stream.strided.scatter [tilespmem:s22], [sflag:$0x5], $0x1800, s15, s14, $0x38;
	[tilespmem:$0x1F800] =	vst v63  }
0xba: {  	s17 =	simm.s32 @!p0 $0x3;
	s26 =	sadd.s32 $0x1B80, s21  }
0xbb: {  	[hbm4b:s26+s1] =	stream.linear.scatter [tilespmem:s23], [sflag:$0x5], $0x100, $0x38;
	[tilespmem:$0x1F800] =	vst v63  }
0xbc: {  	_ =	swait.ge @!p0 [sflag:s17], $0x1900  }
0xbd: {  	[sflag:s17] =	ssyncset.done @!p0 $0x0  }
0xbe: {  	[sflag:s17] =	ssyncadd.s32 @!p0 $0xFFFFE700  }
0xbf: {  	_ =	swait.ge @!p0 [sflag:s17], $0x1900  }
0xc0: {  	[sflag:s17] =	ssyncset.done @!p0 $0x0  }
0xc1: {  	[sflag:s17] =	ssyncadd.s32 @!p0 $0xFFFFE700  }
0xc2: {  	_ =	swait.ge @!p0 [sflag:s17], $0x1900  }
0xc3: {  	[sflag:s17] =	ssyncset.done @!p0 $0x0  }
0xc4: {  	[sflag:s17] =	ssyncadd.s32 @!p0 $0xFFFFE700  }
0xc5: {  	_ =	swait.ge @!p0 [sflag:s17], $0x1900  }
0xc6: {  	[sflag:s17] =	ssyncset.done @!p0 $0x0  }
0xc7: {  	[sflag:s17] =	ssyncadd.s32 @!p0 $0xFFFFE700  }
0xc8: {  	_ =	swait.ge @!p0 [sflag:s17], $0x1900  }
0xc9: {  	[sflag:s17] =	ssyncset.done @!p0 $0x0  }
0xca: {  	[sflag:s17] =	ssyncadd.s32 @!p0 $0xFFFFE700  }
0xcb: {  	_ =	swait.ge @!p0 [sflag:s17], $0x1900  }
0xcc: {  	[sflag:s17] =	ssyncset.done @!p0 $0x0  }
0xcd: {  	[sflag:s17] =	ssyncadd.s32 @!p0 $0xFFFFE700  }
0xce: {  	s21 =	smul.u32 @!p0 $0x1C0, s19;
	_ =	swait.ge @!p0 [sflag:s17], $0x1900  }
0xcf: {  	[sflag:s17] =	ssyncset.done @!p0 $0x0  }
0xd0: {  	[sflag:s17] =	ssyncadd.s32 @!p0 $0xFFFFE700;
	s17 =	sshra.s32 @!p0 s21, $0x2  }
0xd1: {  	s26 =	simm.s32 @!p0 $0x1C00;
	s21 =	simm.s32 @!p0 $0x32;
	s17 =	sadd.s32 @!p0 $0x70, s17  }
0xd2: {  	[tilespmem:s26], [sflag:$0x1] =	stream.indirect.gather @!p0 [hbm4b:s2+s21], $0x80, s17, s21, $0xb8;
	[tilespmem:$0x1F800] =	vst v63  }
0xd3: {  	s26 =	simm.s32 @!p0 $0x3800  }
0xd4: {  	[tilespmem:s26], [sflag:$0x1] =	stream.indirect.gather @!p0 [hbm4b:s3+s21], $0x80, s17, s21, $0xb8;
	[tilespmem:$0x1F800] =	vst v63  }
0xd5: {  	s26 =	simm.s32 @!p0 $0x5400  }
0xd6: {  	[tilespmem:s26], [sflag:$0x1] =	stream.indirect.gather @!p0 [hbm4b:s5+s21], $0x80, s17, s21, $0xb8;
	[tilespmem:$0x1F800] =	vst v63  }
0xd7: {  	s26 =	simm.s32 @!p0 $0x7000  }
0xd8: {  	[tilespmem:s26], [sflag:$0x1] =	stream.indirect.gather @!p0 [hbm4b:s6+s21], $0x80, s17, s21, $0xb8;
	[tilespmem:$0x1F800] =	vst v63  }
0xd9: {  	s26 =	simm.s32 @!p0 $0x8C00  }
0xda: {  	[tilespmem:s26], [sflag:$0x1] =	stream.indirect.gather @!p0 [hbm4b:s7+s21], $0x80, s17, s21, $0xb8;
	[tilespmem:$0x1F800] =	vst v63  }
0xdb: {  	s26 =	simm.s32 @!p0 $0xA800  }
0xdc: {  	[tilespmem:s26], [sflag:$0x1] =	stream.indirect.gather @!p0 [hbm4b:s8+s21], $0x80, s17, s21, $0xb8;
	[tilespmem:$0x1F800] =	vst v63  }
0xdd: {  	s26 =	simm.s32 @!p0 $0xC400  }
0xde: {  	[tilespmem:s26], [sflag:$0x1] =	stream.indirect.gather @!p0 [hbm4b:s9+s21], $0x80, s17, s21, $0xb8;
	[tilespmem:$0x1F800] =	vst v63  }
0xdf: {  	s26 =	simm.s32 @!p0 $0xE000  }
0xe0: {  	[tilespmem:s26], [sflag:$0x1] =	stream.indirect.gather @!p0 [hbm4b:s10+s21], $0x80, s17, s21, $0xb8;
	[tilespmem:$0x1F800] =	vst v63  }
0xe1: {  	_ =	swait.ge [sflag:s25], $0x1900  }
0xe2: {  	[sflag:s25] =	ssyncset.done $0x0  }
0xe3: {  	[sflag:s25] =	ssyncadd.s32 $0xFFFFE700  }
0xe4: {  	_ =	swait.ge [sflag:s25], $0x1900  }
0xe5: {  	[sflag:s25] =	ssyncset.done $0x0  }
0xe6: {  	[sflag:s25] =	ssyncadd.s32 $0xFFFFE700  }
0xe7: {  	_ =	swait.ge [sflag:s25], $0x1900  }
0xe8: {  	[sflag:s25] =	ssyncset.done $0x0  }
0xe9: {  	[sflag:s25] =	ssyncadd.s32 $0xFFFFE700  }
0xea: {  	_ =	swait.ge [sflag:s25], $0x1900  }
0xeb: {  	[sflag:s25] =	ssyncset.done $0x0  }
0xec: {  	[sflag:s25] =	ssyncadd.s32 $0xFFFFE700  }
0xed: {  	_ =	swait.ge [sflag:s25], $0x1900  }
0xee: {  	[sflag:s25] =	ssyncset.done $0x0  }
0xef: {  	[sflag:s25] =	ssyncadd.s32 $0xFFFFE700  }
0xf0: {  	_ =	swait.ge [sflag:s25], $0x1900  }
0xf1: {  	[sflag:s25] =	ssyncset.done $0x0  }
0xf2: {  	[sflag:s25] =	ssyncadd.s32 $0xFFFFE700  }
0xf3: {  	_ =	swait.ge [sflag:s25], $0x1900  }
0xf4: {  	s0 =	sadd.s32 s20, s12;
	[sflag:s25] =	ssyncset.done $0x0  }
0xf5: {  	s17 =	smul.u32 $0x1C00, s0;
	[sflag:s25] =	ssyncadd.s32 $0xFFFFE700  }
0xf6: {  	_ =	swait.ge [sflag:s25], $0x1900  }
0xf7: {  	s17 =	sadd.s32 s11, s17;
	[sflag:s25] =	ssyncset.done $0x0  }
0xf8: {  	s28 =	simm.s32 $0xFC00;
	s20 =	sadd.s32 $0x1C00, s17;
	[sflag:s25] =	ssyncadd.s32 $0xFFFFE700  }
0xf9: {  	[hbm4b:s20+s14] =	stream.strided.scatter [tilespmem:s28], [sflag:$0x4], $0x1800, s15, s14, $0x38;
	[tilespmem:$0x1F800] =	vst v63  }
0xfa: {  	s29 =	simm.s32 $0x11400;
	s26 =	simm.s32 $0x0;
	s4 =	sadd.s32 $0x3400, s17  }
0xfb: {  	[hbm4b:s4+s26] =	stream.linear.scatter [tilespmem:s29], [sflag:$0x4], $0x100, $0x38;
	[tilespmem:$0x1F800] =	vst v63  }
0xfc: {  	s0 =	sadd.s32 $0x1C80, s17;
	s29 =	simm.s32 $0x11800  }
0xfd: {  	[hbm4b:s0+s14] =	stream.strided.scatter [tilespmem:s29], [sflag:$0x4], $0x1800, s15, s14, $0x38;
	[tilespmem:$0x1F800] =	vst v63  }
0xfe: {  	s4 =	sadd.s32 $0x3480, s17;
	s29 =	simm.s32 $0x13000  }
0xff: {  	[hbm4b:s4+s26] =	stream.linear.scatter [tilespmem:s29], [sflag:$0x4], $0x100, $0x38;
	[tilespmem:$0x1F800] =	vst v63  }
0x100: {  	s0 =	sadd.s32 $0x1D00, s17;
	s29 =	simm.s32 $0x13400  }
0x101: {  	[hbm4b:s0+s14] =	stream.strided.scatter [tilespmem:s29], [sflag:$0x4], $0x1800, s15, s14, $0x38;
	[tilespmem:$0x1F800] =	vst v63  }
0x102: {  	s30 =	simm.s32 $0x14C00;
	s4 =	sadd.s32 $0x3500, s17  }
0x103: {  	[hbm4b:s4+s26] =	stream.linear.scatter [tilespmem:s30], [sflag:$0x4], $0x100, $0x38;
	[tilespmem:$0x1F800] =	vst v63  }
0x104: {  	s0 =	sadd.s32 $0x1D80, s17;
	s30 =	simm.s32 $0x15000  }
0x105: {  	[hbm4b:s0+s14] =	stream.strided.scatter [tilespmem:s30], [sflag:$0x4], $0x1800, s15, s14, $0x38;
	[tilespmem:$0x1F800] =	vst v63  }
0x106: {  	s31 =	simm.s32 $0x16800;
	s4 =	sadd.s32 $0x3580, s17  }
0x107: {  	[hbm4b:s4+s26] =	stream.linear.scatter [tilespmem:s31], [sflag:$0x4], $0x100, $0x38;
	[tilespmem:$0x1F800] =	vst v63  }
0x108: {  	s0 =	sadd.s32 $0x1E00, s17;
	s31 =	simm.s32 $0x16C00  }
0x109: {  	[hbm4b:s0+s14] =	stream.strided.scatter [tilespmem:s31], [sflag:$0x4], $0x1800, s15, s14, $0x38;
	[tilespmem:$0x1F800] =	vst v63  }
0x10a: {  	s4 =	sadd.s32 $0x3600, s17;
	s0 =	simm.s32 $0x18400  }
0x10b: {  	[hbm4b:s4+s26] =	stream.linear.scatter [tilespmem:s0], [sflag:$0x4], $0x100, $0x38;
	[tilespmem:$0x1F800] =	vst v63  }
0x10c: {  	s4 =	sadd.s32 $0x1E80, s17;
	s0 =	simm.s32 $0x18800  }
0x10d: {  	[hbm4b:s4+s14] =	stream.strided.scatter [tilespmem:s0], [sflag:$0x4], $0x1800, s15, s14, $0x38;
	[tilespmem:$0x1F800] =	vst v63  }
0x10e: {  	s21 =	sadd.s32 $0x3680, s17;
	s4 =	simm.s32 $0x1A000  }
0x10f: {  	[hbm4b:s21+s26] =	stream.linear.scatter [tilespmem:s4], [sflag:$0x4], $0x100, $0x38;
	[tilespmem:$0x1F800] =	vst v63  }
0x110: {  	s21 =	sadd.s32 $0x1F00, s17;
	s4 =	simm.s32 $0x1A400  }
0x111: {  	[hbm4b:s21+s14] =	stream.strided.scatter [tilespmem:s4], [sflag:$0x4], $0x1800, s15, s14, $0x38;
	[tilespmem:$0x1F800] =	vst v63  }
0x112: {  	s17 =	sadd.s32 $0x3700, s17;
	s21 =	simm.s32 $0x1BC00  }
0x113: {  	[hbm4b:s17+s26] =	stream.linear.scatter [tilespmem:s21], [sflag:$0x4], $0x100, $0x38;
	[tilespmem:$0x1F800] =	vst v63  }
0x114: {  	_ =	swait.ge [sflag:s18], $0x1900  }
0x115: {  	[sflag:s18] =	ssyncset.done $0x0  }
0x116: {  	s17 =	simm.s32 $0x0;
	[sflag:s18] =	ssyncadd.s32 $0xFFFFE700  }
0x117: {  	v3 =	vld [tilespmem:s17+$0x1C050]  }
0x118: {  	v4 =	vld [tilespmem:s17+$0x1C058]  }
0x119: {  	v5 =	vld [tilespmem:s17+$0x1C000]  }
0x11a: {  	v2 =	vld [tilespmem:s17+$0x1C010]  }
0x11b: {  	v0 =	vld [tilespmem:s17+$0x1C020]  }
0x11c: {  	v1 =	vld [tilespmem:s17+$0x1C030];
	[tilespmem:s17+$0x1DC50] =	vst v3  }
0x11d: {  	s21 =	simm.s32 $0x80;
	v3 =	vld [tilespmem:s17+$0x1C040];
	[tilespmem:s17+$0x1DC58] =	vst v4  }
0x11e: {  	s26 =	simm.s32 $0x400;
	v4 =	vld [tilespmem:s21+$0x1C050];
	[tilespmem:s17+$0x1DC00] =	vst v5  }
.LBB2_5:
0x11f: {  	p1 =	sne.s32 s26, $0x6200;
	v5 =	vld [tilespmem:s21+$0x1C058];
	[tilespmem:s17+$0x1DC10] =	vst v2  }
0x120: {  	v6 =	vld [tilespmem:s21+$0x1C000];
	[tilespmem:s17+$0x1DC20] =	vst v0  }
.Ltmp3:
0x121: {  	v2 =	vld [tilespmem:s21+$0x1C010];
	[tilespmem:s17+$0x1DC30] =	vst v1;
	(pc) =	sbr.rel @p1 .LBB2_5-.Ltmp3, $4  }
0x122: {  	v0 =	vld [tilespmem:s21+$0x1C020];
	[tilespmem:s17+$0x1DC40] =	vst v3;
	s17 =	smov.u32 s21  }
0x123: {  	v1 =	vld [tilespmem:s17+$0x1C030];
	[tilespmem:s17+$0x1DC50] =	vst v4  }
0x124: {  	s21 =	sshra.s32 s26, $0x2;
	v3 =	vld [tilespmem:s17+$0x1C040];
	[tilespmem:s17+$0x1DC58] =	vst v5  }
0x125: {  	s26 =	sadd.s32 $0x200, s26;
	v4 =	vld [tilespmem:s21+$0x1C050];
	[tilespmem:s17+$0x1DC00] =	vst v6  }
0x126: {  	v5 =	vld [tilespmem:s21+$0x1C058];
	[tilespmem:s17+$0x1DC10] =	vst v2  }
0x127: {  	v2 =	vld [tilespmem:s21+$0x1C000];
	[tilespmem:s17+$0x1DC20] =	vst v0  }
0x128: {  	v0 =	vld [tilespmem:s21+$0x1C010];
	[tilespmem:s17+$0x1DC30] =	vst v1  }
0x129: {  	v1 =	vld [tilespmem:s21+$0x1C020];
	[tilespmem:s17+$0x1DC40] =	vst v3  }
0x12a: {  	v3 =	vld [tilespmem:s21+$0x1C030];
	[tilespmem:s21+$0x1DC50] =	vst v4  }
0x12b: {  	v63 =	vld [tilespmem:s21+$0x1C040];
	[tilespmem:s21+$0x1DC58] =	vst v5  }
0x12c: {  	[tilespmem:s21+$0x1DC00] =	vst v2  }
0x12d: {  	[tilespmem:s21+$0x1DC10] =	vst v0  }
0x12e: {  	[tilespmem:s21+$0x1DC20] =	vst v1  }
.Ltmp4:
0x12f: {  	[tilespmem:s21+$0x1DC30] =	vst v3;
	(pc) =	sbr.rel @p0 .LBB2_8-.Ltmp4, $4  }
0x130: {  	[tilespmem:s21+$0x1DC40] =	vst v63;
	s21 =	sadd.s32 $0x380, s20  }
0x131: {  	[hbm4b:s21+s14] =	stream.strided.scatter [tilespmem:s22], [sflag:$0x5], $0x1800, s15, s14, $0x38;
	[tilespmem:$0x1F800] =	vst v63  }
0x132: {  	s26 =	sadd.s32 $0x1B80, s20  }
0x133: {  	[hbm4b:s26+s1] =	stream.linear.scatter [tilespmem:s23], [sflag:$0x5], $0x100, $0x38;
	[tilespmem:$0x1F800] =	vst v63  }
0x134: {  	_ =	swait.ge [sflag:s24], $0x1900  }
0x135: {  	[sflag:s24] =	ssyncset.done $0x0  }
0x136: {  	[sflag:s24] =	ssyncadd.s32 $0xFFFFE700  }
0x137: {  	_ =	swait.ge [sflag:s24], $0x1900  }
0x138: {  	[sflag:s24] =	ssyncset.done $0x0  }
0x139: {  	[sflag:s24] =	ssyncadd.s32 $0xFFFFE700  }
0x13a: {  	_ =	swait.ge [sflag:s24], $0x1900  }
0x13b: {  	[sflag:s24] =	ssyncset.done $0x0  }
0x13c: {  	[sflag:s24] =	ssyncadd.s32 $0xFFFFE700  }
0x13d: {  	_ =	swait.ge [sflag:s24], $0x1900  }
0x13e: {  	[sflag:s24] =	ssyncset.done $0x0  }
0x13f: {  	[sflag:s24] =	ssyncadd.s32 $0xFFFFE700  }
0x140: {  	_ =	swait.ge [sflag:s24], $0x1900  }
0x141: {  	[sflag:s24] =	ssyncset.done $0x0  }
0x142: {  	[sflag:s24] =	ssyncadd.s32 $0xFFFFE700  }
0x143: {  	_ =	swait.ge [sflag:s24], $0x1900  }
0x144: {  	[sflag:s24] =	ssyncset.done $0x0  }
0x145: {  	s17 =	smul.u32 $0x1C0, s19;
	[sflag:s24] =	ssyncadd.s32 $0xFFFFE700  }
0x146: {  	_ =	swait.ge [sflag:s24], $0x1900  }
0x147: {  	s17 =	sshra.s32 s17, $0x2;
	[sflag:s24] =	ssyncset.done $0x0  }
0x148: {  	s17 =	sadd.s32 $0xA8, s17;
	[sflag:s24] =	ssyncadd.s32 $0xFFFFE700  }
0x149: {  	[tilespmem:s28], [sflag:$0x2] =	stream.indirect.gather [hbm4b:s2+s16], $0x80, s17, s16, $0xb8;
	[tilespmem:$0x1F800] =	vst v63  }
0x14a: {  	s20 =	simm.s32 $0x11800  }
0x14b: {  	[tilespmem:s20], [sflag:$0x2] =	stream.indirect.gather [hbm4b:s3+s16], $0x80, s17, s16, $0xb8;
	[tilespmem:$0x1F800] =	vst v63  }
0x14c: {  	_ = 	snop  }
0x14d: {  	[tilespmem:s29], [sflag:$0x2] =	stream.indirect.gather [hbm4b:s5+s16], $0x80, s17, s16, $0xb8;
	[tilespmem:$0x1F800] =	vst v63  }
0x14e: {  	_ = 	snop  }
0x14f: {  	[tilespmem:s30], [sflag:$0x2] =	stream.indirect.gather [hbm4b:s6+s16], $0x80, s17, s16, $0xb8;
	[tilespmem:$0x1F800] =	vst v63  }
0x150: {  	_ = 	snop  }
0x151: {  	[tilespmem:s31], [sflag:$0x2] =	stream.indirect.gather [hbm4b:s7+s16], $0x80, s17, s16, $0xb8;
	[tilespmem:$0x1F800] =	vst v63  }
0x152: {  	_ = 	snop  }
0x153: {  	[tilespmem:s0], [sflag:$0x2] =	stream.indirect.gather [hbm4b:s8+s16], $0x80, s17, s16, $0xb8;
	[tilespmem:$0x1F800] =	vst v63  }
.Ltmp5:
0x154: {  	_ = 	snop;
	(pc) =	sbr.rel .LBB2_2-.Ltmp5, $4  }
0x155: {  	_ = 	snop  }
0x156: {  	[tilespmem:s4], [sflag:$0x2] =	stream.indirect.gather [hbm4b:s9+s16], $0x80, s17, s16, $0xb8;
	[tilespmem:$0x1F800] =	vst v63  }
0x157: {  	s19 =	sadd.s32 $0x1, s19;
	s31 =	simm.s32 $0x1C000  }
0x158: {  	[tilespmem:s31], [sflag:$0x2] =	stream.indirect.gather [hbm4b:s10+s16], $0x80, s17, s16, $0xb8;
	[tilespmem:$0x1F800] =	vst v63  }
.LBB2_9:
0x159: {  	_ =	sfence.sel $0x180000  }
0x15a: {  	[bflag:$0x0] =	sbarrier.arrive $0xFFFF  }
0x15b: {  	_ =	strace $0x90000047  }
0x15c: {  	s0 =	stileid.u32;
	[bflag:$0x2] =	sbarrier.arrive $0xFFFF  }
0x15d: {  	p0 =	sne.s32 s0, $0x0;
	s0 =	rddreg [dreg:$0x2]  }
0x15e: {  	s0 =	sadd.s32 @!p0 $0x100000, s0  }
0x15f: {  	[sflag:s0] =	ssyncadd.tile.s32 @!p0 $0x1;
	_ =	shalt  }
.Lfunc_end2:
_tile_overlayer_lowered:
.L_overlay_start_2:
0x160: {  	(tag) =	ssettag $0x2  }
0x161: {  	s0 =	rddreg [dreg:$0x0];
	s2 =	stileid.u32  }
0x162: {  	s1 =	rddreg [dreg:$0x1];
	p0 =	sne.s32 s2, $0x0  }
0x163: {  	s3 =	rddreg [dreg:$0x2];
	[bflag:$0x3] =	sbarrier.arrive $0xFFFF;
	s2 =	simm.s32 @!p0 $0x1C06  }
0x164: {  	[timem:s3], [sflag:s2] =	dma.local @!p0 [hbm:s0], s1  }
0x165: {  	s0 =	simm.s32 @!p0 $0x6  }
0x166: {  	_ =	swait.ge @!p0 [sflag:s0], s1  }
0x167: {  	s1 =	ssub.s32 @!p0 $0x0, s1;
	[sflag:s0] =	ssyncset.done @!p0 $0x0  }
0x168: {  	[sflag:s0] =	ssyncadd.s32 @!p0 s1  }
0x169: {  	[bflag:$0x3] =	sbarrier.arrive $0xFFFF  }
0x16a: {  	_ =	shalt  }

</sc_bundles>
